<compile_context>
chip_gen: v7x
topology: tpu7x:2x2x1
jax: 0.10.2.dev20260603
libtpu: 0.0.44.dev20260713+nightly
codegen_flags: <defaults>
</compile_context>

<pallas_src>
import functools

import jax
import jax.numpy as jnp
from jax import lax
from jax.experimental import pallas as pl
from jax.experimental.pallas import tpu as pltpu
from jax.experimental.pallas import tpu_sc as plsc

N = 10000
E = 160000
H = 256
LAYERS = 10
SCALE = float(H)
EPS = 1e-5

NUM_CORES = 2
NUM_TILES = 16
NW = NUM_CORES * NUM_TILES
EPT = E // NW
CHUNK = 40
NCHUNK = EPT // CHUNK

_mesh = plsc.VectorSubcoreMesh(core_axis_name="c", subcore_axis_name="s")


@functools.partial(
    pl.kernel,
    out_type=(),
    mesh=_mesh,
    scratch_types=[
        pltpu.VMEM((CHUNK,), jnp.int32),
        pltpu.VMEM((CHUNK,), jnp.int32),
        pltpu.VMEM((CHUNK, H), jnp.float32),
        pltpu.SemaphoreType.DMA,
    ],
)
def _sc_scatter(h_hbm, src_hbm, dst_hbm, z_hbm, srcv, dstv, rowsv, sem):
    cid = lax.axis_index("c")
    tid = lax.axis_index("s")
    wid = tid * NUM_CORES + cid
    ebase = wid * EPT

    @pl.loop(0, NCHUNK)
    def _edge_chunk(j):
        off = pl.multiple_of(ebase + j * CHUNK, 8)
        pltpu.sync_copy(src_hbm.at[pl.ds(off, CHUNK)], srcv)
        pltpu.sync_copy(dst_hbm.at[pl.ds(off, CHUNK)], dstv)
        pltpu.async_copy(h_hbm.at[srcv], rowsv, sem).wait()
        pltpu.sync_copy(rowsv, z_hbm.at[dstv], add=True)


_SQRT_HALF = 0.7071067811865476


def _gelu(x):
    return 0.5 * x * (1.0 + lax.erf(x * _SQRT_HALF))


def _tc_layer_body(zpre_ref, w1_ref, b1_ref, w2_ref, b2_ref, z_ref):
    a = zpre_ref[...]
    u = _gelu(jnp.dot(a, w1_ref[...], preferred_element_type=jnp.float32)
              + b1_ref[...])
    u = jnp.dot(u, w2_ref[...], preferred_element_type=jnp.float32) + b2_ref[...]
    m = jnp.sum(u, axis=0, keepdims=True) * (1.0 / N)
    d = u - m
    msq = jnp.sum(d * d) * (1.0 / N)
    s = SCALE * lax.rsqrt(EPS + msq)
    z_ref[...] = _gelu(d * s)


_tc_layer = pl.pallas_call(
    _tc_layer_body,
    out_shape=jax.ShapeDtypeStruct((N, H), jnp.float32),
)

_JK_BLK = 1000


def _tc_jk_body(*refs):
    z_refs = refs[:LAYERS]
    lw_ref, lb_ref, out_ref = refs[LAYERS], refs[LAYERS + 1], refs[LAYERS + 2]
    acc = jnp.broadcast_to(lb_ref[0], (_JK_BLK, H)).astype(jnp.float32)
    for l in range(LAYERS):
        acc = acc + jnp.dot(z_refs[l][...], lw_ref[l],
                            preferred_element_type=jnp.float32)
    out_ref[...] = jnp.tanh(acc)


_tc_jk = pl.pallas_call(
    _tc_jk_body,
    grid=(N // _JK_BLK,),
    in_specs=[pl.BlockSpec((_JK_BLK, H), lambda i: (i, 0))] * LAYERS
    + [pl.BlockSpec((LAYERS, H, H), lambda i: (0, 0, 0)),
       pl.BlockSpec((1, H), lambda i: (0, 0))],
    out_specs=pl.BlockSpec((_JK_BLK, H), lambda i: (i, 0)),
    out_shape=jax.ShapeDtypeStruct((N, H), jnp.float32),
)


def kernel(x, edge_index, params, lin_W, lin_b):
    src = edge_index[0].astype(jnp.int32)
    dst = edge_index[1].astype(jnp.int32)
    h = x
    zs = []
    for (W1, b1, W2, b2) in params:
        zr = jax.new_ref(h)
        _sc_scatter(h, src, dst, zr)
        h = _tc_layer(zr[...], W1, b1.reshape(1, H), W2, b2.reshape(1, H))
        zs.append(h)
    out = _tc_jk(*zs, lin_W.reshape(LAYERS, H, H), lin_b.reshape(1, H))
    return out

# --- scband reference (transcript-rebuilt; emitter-appended) ---
"""Pipeline reference for scband-encoder-16466904613543 (READ-ONLY COPY).

The authoritative reference and input builder live on the scoring server;
editing this copy changes nothing except your own understanding.
"""

import jax, jax.numpy as jnp
import numpy as np

N = 10000
E = 160000
D_IN = 256
H = 256
LAYERS = 10
PAIRNORM_SCALE = float(H)  # PairNorm(hidden_channels) sets scale=hidden_channels
PAIRNORM_EPS = 1e-5


def setup_inputs(seed: int = 0) -> dict:
    key = jax.random.key(seed)
    ks = jax.random.split(key, 4 * LAYERS + 4)
    x = jax.random.normal(ks[0], (N, D_IN), dtype=jnp.float32)
    edge_index = jax.random.randint(ks[1], (2, E), 0, N, dtype=jnp.int32).astype(jnp.int64)
    params = []
    ki = 2
    for l in range(LAYERS):
        in_dim = D_IN if l == 0 else H
        W1 = jax.random.normal(ks[ki], (in_dim, H), dtype=jnp.float32) / np.sqrt(in_dim)
        b1 = jnp.zeros((H,), dtype=jnp.float32)
        W2 = jax.random.normal(ks[ki + 1], (H, H), dtype=jnp.float32) / np.sqrt(H)
        b2 = jnp.zeros((H,), dtype=jnp.float32)
        params.append((W1, b1, W2, b2))
        ki += 2
    lin_W = jax.random.normal(ks[ki], (LAYERS * H, H), dtype=jnp.float32) / np.sqrt(LAYERS * H)
    lin_b = jnp.zeros((H,), dtype=jnp.float32)
    return {"x": x, "edge_index": edge_index, "params": params, "lin_W": lin_W, "lin_b": lin_b}


def reference(x, edge_index, params, lin_W, lin_b):
    src = edge_index[0]
    dst = edge_index[1]
    outs = []
    h = x
    for (W1, b1, W2, b2) in params:
        # GINConv: MLP((1+eps)*x + sum_{j in N(i)} x_j), eps=0
        msg = jnp.take(h, src, axis=0)
        agg = jax.ops.segment_sum(msg, dst, num_segments=N)
        z = h + agg
        z = jax.nn.gelu(z @ W1 + b1, approximate=False)
        z = z @ W2 + b2
        # dropout p=0.0 -> identity
        # PairNorm(scale=H, scale_individually=False, eps=1e-5)
        z = z - z.mean(axis=0, keepdims=True)
        z = PAIRNORM_SCALE * z / jnp.sqrt(PAIRNORM_EPS + (z * z).sum(axis=-1).mean())
        z = jax.nn.gelu(z, approximate=False)  # nonlin activation
        outs.append(z)
        h = z
    cat = jnp.concatenate(outs, axis=-1)  # JumpingKnowledge 'cat'
    out = jnp.tanh(cat @ lin_W + lin_b)
    return out

if __name__ == "__main__":
    import jax
    _d = setup_inputs()
    print(jax.jit(kernel)(*tuple(_d.values())))

</pallas_src>

<mosaic_0001>
#map = affine_map<(d0, d1) -> (0, 0)>
#map1 = affine_map<(d0, d1) -> (0)>
module attributes {stable_mosaic.version = 14 : i64} {
  func.func @new_body(%arg0: i32, %arg1: i32, %arg2: memref<10000x256xf32, #tpu.memory_space<hbm>>, %arg3: memref<160000xi32, #tpu.memory_space<hbm>>, %arg4: memref<160000xi32, #tpu.memory_space<hbm>>, %arg5: memref<10000x256xf32, #tpu.memory_space<hbm>>, %arg6: memref<10000x256xf32, #tpu.memory_space<hbm>>, %arg7: memref<40xi32, #tpu.memory_space<vmem>>, %arg8: memref<40xi32, #tpu.memory_space<vmem>>, %arg9: memref<40x256xf32, #tpu.memory_space<vmem>>, %arg10: memref<!tpu.dma_semaphore, #tpu.memory_space<semaphore_mem>>) attributes {dimension_semantics = [#tpu.dimension_semantics<core_parallel>, #tpu.dimension_semantics<subcore_parallel>], iteration_bounds = array<i64: 2, 16>, scalar_prefetch = 0 : i64, scratch_operands = 4 : i64, tpu.core_type = #tpu.core_type<sc_vector_subcore>, window_params = [{transform_indices = #map}, {transform_indices = #map1}, {transform_indices = #map1}, {transform_indices = #map}, {transform_indices = #map}]} {
    %mul3A = arith.constant 2 : i32
    %mul3A_0 = arith.muli %arg1, %mul3A : i32
    %add3A = arith.addi %mul3A_0, %arg0 : i32
    %mul3A_1 = arith.constant 5000 : i32
    %mul3A_2 = arith.muli %add3A, %mul3A_1 : i32
    %scan3A = arith.constant 0 : i32
    %scan3A_3 = arith.constant 125 : i32
    %scan3A_4 = arith.addi %scan3A, %scan3A_3 : i32
    %scan3A_5 = arith.constant 1 : i32
    scf.for %scan3A_7 = %scan3A to %scan3A_4 step %scan3A_5  : i32 {
      %mul3A_8 = arith.constant 1 : i32
      %mul3A_9 = arith.muli %scan3A_7, %mul3A_8 : i32
      %add3A_10 = arith.constant 0 : i32
      %add3A_11 = arith.addi %add3A_10, %mul3A_9 : i32
      %mul3A_12 = arith.constant 40 : i32
      %mul3A_13 = arith.muli %add3A_11, %mul3A_12 : i32
      %add3A_14 = arith.addi %mul3A_2, %mul3A_13 : i32
      %multiple_of3A = tpu.assume_multiple %add3A_14, 8 : i32
      "tpu.region"() ({
        %run_scoped3A = tpu.sem_alloc : memref<!tpu.dma_semaphore, #tpu.memory_space<semaphore_mem>>
        %dma_start3A_19 = tpu.memref_slice %arg3[%multiple_of3A] : memref<160000xi32, #tpu.memory_space<hbm>> -> memref<40xi32, #tpu.memory_space<hbm>>
        %dma_start3A_20 = tpu.memref_slice %arg3[%multiple_of3A] : memref<160000xi32, #tpu.memory_space<hbm>> -> memref<40xi32, #tpu.memory_space<hbm>>
        tpu.enqueue_dma source(%dma_start3A_20 : memref<40xi32, #tpu.memory_space<hbm>>) target(%arg7 : memref<40xi32, #tpu.memory_space<vmem>>) target_semaphore(%run_scoped3A : memref<!tpu.dma_semaphore, #tpu.memory_space<semaphore_mem>>)
        %dma_wait3A_21 = tpu.memref_slice %arg3[%multiple_of3A] : memref<160000xi32, #tpu.memory_space<hbm>> -> memref<40xi32, #tpu.memory_space<hbm>>
        %dma_wait3A_22 = tpu.memref_slice %arg3[%multiple_of3A] : memref<160000xi32, #tpu.memory_space<hbm>> -> memref<40xi32, #tpu.memory_space<hbm>>
        tpu.wait_dma2 semaphore(%run_scoped3A : memref<!tpu.dma_semaphore, #tpu.memory_space<semaphore_mem>>) src(%dma_wait3A_22 : memref<40xi32, #tpu.memory_space<hbm>>) dst(%arg7 : memref<40xi32, #tpu.memory_space<vmem>>)
        tpu.yield
      }) : () -> ()
      "tpu.region"() ({
        %run_scoped3A = tpu.sem_alloc : memref<!tpu.dma_semaphore, #tpu.memory_space<semaphore_mem>>
        %dma_start3A_19 = tpu.memref_slice %arg4[%multiple_of3A] : memref<160000xi32, #tpu.memory_space<hbm>> -> memref<40xi32, #tpu.memory_space<hbm>>
        %dma_start3A_20 = tpu.memref_slice %arg4[%multiple_of3A] : memref<160000xi32, #tpu.memory_space<hbm>> -> memref<40xi32, #tpu.memory_space<hbm>>
        tpu.enqueue_dma source(%dma_start3A_20 : memref<40xi32, #tpu.memory_space<hbm>>) target(%arg8 : memref<40xi32, #tpu.memory_space<vmem>>) target_semaphore(%run_scoped3A : memref<!tpu.dma_semaphore, #tpu.memory_space<semaphore_mem>>)
        %dma_wait3A_21 = tpu.memref_slice %arg4[%multiple_of3A] : memref<160000xi32, #tpu.memory_space<hbm>> -> memref<40xi32, #tpu.memory_space<hbm>>
        %dma_wait3A_22 = tpu.memref_slice %arg4[%multiple_of3A] : memref<160000xi32, #tpu.memory_space<hbm>> -> memref<40xi32, #tpu.memory_space<hbm>>
        tpu.wait_dma2 semaphore(%run_scoped3A : memref<!tpu.dma_semaphore, #tpu.memory_space<semaphore_mem>>) src(%dma_wait3A_22 : memref<40xi32, #tpu.memory_space<hbm>>) dst(%arg8 : memref<40xi32, #tpu.memory_space<vmem>>)
        tpu.yield
      }) : () -> ()
      %dma_start3A = arith.constant 0 : i32
      %dma_start3A_15 = arith.constant 0 : i32
      %dma_start3A_16 = tpu.memref_slice %arg2[%dma_start3A, %dma_start3A_15] : memref<10000x256xf32, #tpu.memory_space<hbm>> -> memref<10000x256xf32, #tpu.memory_space<hbm>>
      tpu.enqueue_indirect_dma source(%dma_start3A_16 : memref<10000x256xf32, #tpu.memory_space<hbm>>) target(%arg9 : memref<40x256xf32, #tpu.memory_space<vmem>>) offsets(%arg7 : memref<40xi32, #tpu.memory_space<vmem>>) semaphore(%arg10 : memref<!tpu.dma_semaphore, #tpu.memory_space<semaphore_mem>>)
      %dma_wait3A = arith.constant 0 : i32
      %dma_wait3A_17 = arith.constant 0 : i32
      %dma_wait3A_18 = tpu.memref_slice %arg2[%dma_wait3A, %dma_wait3A_17] : memref<10000x256xf32, #tpu.memory_space<hbm>> -> memref<10000x256xf32, #tpu.memory_space<hbm>>
      tpu.wait_indirect_dma semaphore(%arg10 : memref<!tpu.dma_semaphore, #tpu.memory_space<semaphore_mem>>) src(%dma_wait3A_18 : memref<10000x256xf32, #tpu.memory_space<hbm>>) dst(%arg9 : memref<40x256xf32, #tpu.memory_space<vmem>>)
      "tpu.region"() ({
        %run_scoped3A = tpu.sem_alloc : memref<!tpu.dma_semaphore, #tpu.memory_space<semaphore_mem>>
        %dma_start3A_19 = arith.constant 0 : i32
        %dma_start3A_20 = arith.constant 0 : i32
        %dma_start3A_21 = tpu.memref_slice %arg5[%dma_start3A_19, %dma_start3A_20] : memref<10000x256xf32, #tpu.memory_space<hbm>> -> memref<10000x256xf32, #tpu.memory_space<hbm>>
        tpu.enqueue_indirect_dma source(%arg9 : memref<40x256xf32, #tpu.memory_space<vmem>>) target(%dma_start3A_21 : memref<10000x256xf32, #tpu.memory_space<hbm>>) offsets(%arg8 : memref<40xi32, #tpu.memory_space<vmem>>) semaphore(%run_scoped3A : memref<!tpu.dma_semaphore, #tpu.memory_space<semaphore_mem>>) {add = true}
        %dma_wait3A_22 = arith.constant 0 : i32
        %dma_wait3A_23 = arith.constant 0 : i32
        %dma_wait3A_24 = tpu.memref_slice %arg5[%dma_wait3A_22, %dma_wait3A_23] : memref<10000x256xf32, #tpu.memory_space<hbm>> -> memref<10000x256xf32, #tpu.memory_space<hbm>>
        tpu.wait_indirect_dma semaphore(%run_scoped3A : memref<!tpu.dma_semaphore, #tpu.memory_space<semaphore_mem>>) src(%arg9 : memref<40x256xf32, #tpu.memory_space<vmem>>) dst(%dma_wait3A_24 : memref<10000x256xf32, #tpu.memory_space<hbm>>)
        tpu.yield
      }) : () -> ()
    }
    %scan3A_6 = arith.constant 125 : i32
    return
  }
}

#map = affine_map<(d0, d1) -> (0, 0)>
#map1 = affine_map<(d0, d1) -> (0)>
module attributes {stable_mosaic.version = 14 : i64} {
  func.func @new_body(%arg0: i32, %arg1: i32, %arg2: memref<10000x256xf32, #tpu.memory_space<hbm>>, %arg3: memref<160000xi32, #tpu.memory_space<hbm>>, %arg4: memref<160000xi32, #tpu.memory_space<hbm>>, %arg5: memref<10000x256xf32, #tpu.memory_space<hbm>>, %arg6: memref<10000x256xf32, #tpu.memory_space<hbm>>, %arg7: memref<40xi32, #tpu.memory_space<vmem>>, %arg8: memref<40xi32, #tpu.memory_space<vmem>>, %arg9: memref<40x256xf32, #tpu.memory_space<vmem>>, %arg10: memref<!tpu.dma_semaphore, #tpu.memory_space<semaphore_mem>>) attributes {dimension_semantics = [#tpu.dimension_semantics<core_parallel>, #tpu.dimension_semantics<subcore_parallel>], iteration_bounds = array<i64: 2, 16>, scalar_prefetch = 0 : i64, scratch_operands = 4 : i64, tpu.core_type = #tpu.core_type<sc_vector_subcore>, window_params = [{transform_indices = #map}, {transform_indices = #map1}, {transform_indices = #map1}, {transform_indices = #map}, {transform_indices = #map}]} {
    %mul3A = arith.constant 2 : i32
    %mul3A_0 = arith.muli %arg1, %mul3A : i32
    %add3A = arith.addi %mul3A_0, %arg0 : i32
    %mul3A_1 = arith.constant 5000 : i32
    %mul3A_2 = arith.muli %add3A, %mul3A_1 : i32
    %scan3A = arith.constant 0 : i32
    %scan3A_3 = arith.constant 125 : i32
    %scan3A_4 = arith.addi %scan3A, %scan3A_3 : i32
    %scan3A_5 = arith.constant 1 : i32
    scf.for %scan3A_7 = %scan3A to %scan3A_4 step %scan3A_5  : i32 {
      %mul3A_8 = arith.constant 1 : i32
      %mul3A_9 = arith.muli %scan3A_7, %mul3A_8 : i32
      %add3A_10 = arith.constant 0 : i32
      %add3A_11 = arith.addi %add3A_10, %mul3A_9 : i32
      %mul3A_12 = arith.constant 40 : i32
      %mul3A_13 = arith.muli %add3A_11, %mul3A_12 : i32
      %add3A_14 = arith.addi %mul3A_2, %mul3A_13 : i32
      %multiple_of3A = tpu.assume_multiple %add3A_14, 8 : i32
      "tpu.region"() ({
        %run_scoped3A = tpu.sem_alloc : memref<!tpu.dma_semaphore, #tpu.memory_space<semaphore_mem>>
        %dma_start3A_19 = tpu.memref_slice %arg3[%multiple_of3A] : memref<160000xi32, #tpu.memory_space<hbm>> -> memref<40xi32, #tpu.memory_space<hbm>>
        %dma_start3A_20 = tpu.memref_slice %arg3[%multiple_of3A] : memref<160000xi32, #tpu.memory_space<hbm>> -> memref<40xi32, #tpu.memory_space<hbm>>
        tpu.enqueue_dma source(%dma_start3A_20 : memref<40xi32, #tpu.memory_space<hbm>>) target(%arg7 : memref<40xi32, #tpu.memory_space<vmem>>) target_semaphore(%run_scoped3A : memref<!tpu.dma_semaphore, #tpu.memory_space<semaphore_mem>>)
        %dma_wait3A_21 = tpu.memref_slice %arg3[%multiple_of3A] : memref<160000xi32, #tpu.memory_space<hbm>> -> memref<40xi32, #tpu.memory_space<hbm>>
        %dma_wait3A_22 = tpu.memref_slice %arg3[%multiple_of3A] : memref<160000xi32, #tpu.memory_space<hbm>> -> memref<40xi32, #tpu.memory_space<hbm>>
        tpu.wait_dma2 semaphore(%run_scoped3A : memref<!tpu.dma_semaphore, #tpu.memory_space<semaphore_mem>>) src(%dma_wait3A_22 : memref<40xi32, #tpu.memory_space<hbm>>) dst(%arg7 : memref<40xi32, #tpu.memory_space<vmem>>)
        tpu.yield
      }) : () -> ()
      "tpu.region"() ({
        %run_scoped3A = tpu.sem_alloc : memref<!tpu.dma_semaphore, #tpu.memory_space<semaphore_mem>>
        %dma_start3A_19 = tpu.memref_slice %arg4[%multiple_of3A] : memref<160000xi32, #tpu.memory_space<hbm>> -> memref<40xi32, #tpu.memory_space<hbm>>
        %dma_start3A_20 = tpu.memref_slice %arg4[%multiple_of3A] : memref<160000xi32, #tpu.memory_space<hbm>> -> memref<40xi32, #tpu.memory_space<hbm>>
        tpu.enqueue_dma source(%dma_start3A_20 : memref<40xi32, #tpu.memory_space<hbm>>) target(%arg8 : memref<40xi32, #tpu.memory_space<vmem>>) target_semaphore(%run_scoped3A : memref<!tpu.dma_semaphore, #tpu.memory_space<semaphore_mem>>)
        %dma_wait3A_21 = tpu.memref_slice %arg4[%multiple_of3A] : memref<160000xi32, #tpu.memory_space<hbm>> -> memref<40xi32, #tpu.memory_space<hbm>>
        %dma_wait3A_22 = tpu.memref_slice %arg4[%multiple_of3A] : memref<160000xi32, #tpu.memory_space<hbm>> -> memref<40xi32, #tpu.memory_space<hbm>>
        tpu.wait_dma2 semaphore(%run_scoped3A : memref<!tpu.dma_semaphore, #tpu.memory_space<semaphore_mem>>) src(%dma_wait3A_22 : memref<40xi32, #tpu.memory_space<hbm>>) dst(%arg8 : memref<40xi32, #tpu.memory_space<vmem>>)
        tpu.yield
      }) : () -> ()
      %dma_start3A = arith.constant 0 : i32
      %dma_start3A_15 = arith.constant 0 : i32
      %dma_start3A_16 = tpu.memref_slice %arg2[%dma_start3A, %dma_start3A_15] : memref<10000x256xf32, #tpu.memory_space<hbm>> -> memref<10000x256xf32, #tpu.memory_space<hbm>>
      tpu.enqueue_indirect_dma source(%dma_start3A_16 : memref<10000x256xf32, #tpu.memory_space<hbm>>) target(%arg9 : memref<40x256xf32, #tpu.memory_space<vmem>>) offsets(%arg7 : memref<40xi32, #tpu.memory_space<vmem>>) semaphore(%arg10 : memref<!tpu.dma_semaphore, #tpu.memory_space<semaphore_mem>>)
      %dma_wait3A = arith.constant 0 : i32
      %dma_wait3A_17 = arith.constant 0 : i32
      %dma_wait3A_18 = tpu.memref_slice %arg2[%dma_wait3A, %dma_wait3A_17] : memref<10000x256xf32, #tpu.memory_space<hbm>> -> memref<10000x256xf32, #tpu.memory_space<hbm>>
      tpu.wait_indirect_dma semaphore(%arg10 : memref<!tpu.dma_semaphore, #tpu.memory_space<semaphore_mem>>) src(%dma_wait3A_18 : memref<10000x256xf32, #tpu.memory_space<hbm>>) dst(%arg9 : memref<40x256xf32, #tpu.memory_space<vmem>>)
      "tpu.region"() ({
        %run_scoped3A = tpu.sem_alloc : memref<!tpu.dma_semaphore, #tpu.memory_space<semaphore_mem>>
        %dma_start3A_19 = arith.constant 0 : i32
        %dma_start3A_20 = arith.constant 0 : i32
        %dma_start3A_21 = tpu.memref_slice %arg5[%dma_start3A_19, %dma_start3A_20] : memref<10000x256xf32, #tpu.memory_space<hbm>> -> memref<10000x256xf32, #tpu.memory_space<hbm>>
        tpu.enqueue_indirect_dma source(%arg9 : memref<40x256xf32, #tpu.memory_space<vmem>>) target(%dma_start3A_21 : memref<10000x256xf32, #tpu.memory_space<hbm>>) offsets(%arg8 : memref<40xi32, #tpu.memory_space<vmem>>) semaphore(%run_scoped3A : memref<!tpu.dma_semaphore, #tpu.memory_space<semaphore_mem>>) {add = true}
        %dma_wait3A_22 = arith.constant 0 : i32
        %dma_wait3A_23 = arith.constant 0 : i32
        %dma_wait3A_24 = tpu.memref_slice %arg5[%dma_wait3A_22, %dma_wait3A_23] : memref<10000x256xf32, #tpu.memory_space<hbm>> -> memref<10000x256xf32, #tpu.memory_space<hbm>>
        tpu.wait_indirect_dma semaphore(%run_scoped3A : memref<!tpu.dma_semaphore, #tpu.memory_space<semaphore_mem>>) src(%arg9 : memref<40x256xf32, #tpu.memory_space<vmem>>) dst(%dma_wait3A_24 : memref<10000x256xf32, #tpu.memory_space<hbm>>)
        tpu.yield
      }) : () -> ()
    }
    %scan3A_6 = arith.constant 125 : i32
    return
  }
}

#map = affine_map<(d0, d1) -> (0, 0)>
#map1 = affine_map<(d0, d1) -> (0)>
module attributes {stable_mosaic.version = 14 : i64} {
  func.func @new_body(%arg0: i32, %arg1: i32, %arg2: memref<10000x256xf32, #tpu.memory_space<hbm>>, %arg3: memref<160000xi32, #tpu.memory_space<hbm>>, %arg4: memref<160000xi32, #tpu.memory_space<hbm>>, %arg5: memref<10000x256xf32, #tpu.memory_space<hbm>>, %arg6: memref<10000x256xf32, #tpu.memory_space<hbm>>, %arg7: memref<40xi32, #tpu.memory_space<vmem>>, %arg8: memref<40xi32, #tpu.memory_space<vmem>>, %arg9: memref<40x256xf32, #tpu.memory_space<vmem>>, %arg10: memref<!tpu.dma_semaphore, #tpu.memory_space<semaphore_mem>>) attributes {dimension_semantics = [#tpu.dimension_semantics<core_parallel>, #tpu.dimension_semantics<subcore_parallel>], iteration_bounds = array<i64: 2, 16>, scalar_prefetch = 0 : i64, scratch_operands = 4 : i64, tpu.core_type = #tpu.core_type<sc_vector_subcore>, window_params = [{transform_indices = #map}, {transform_indices = #map1}, {transform_indices = #map1}, {transform_indices = #map}, {transform_indices = #map}]} {
    %mul3A = arith.constant 2 : i32
    %mul3A_0 = arith.muli %arg1, %mul3A : i32
    %add3A = arith.addi %mul3A_0, %arg0 : i32
    %mul3A_1 = arith.constant 5000 : i32
    %mul3A_2 = arith.muli %add3A, %mul3A_1 : i32
    %scan3A = arith.constant 0 : i32
    %scan3A_3 = arith.constant 125 : i32
    %scan3A_4 = arith.addi %scan3A, %scan3A_3 : i32
    %scan3A_5 = arith.constant 1 : i32
    scf.for %scan3A_7 = %scan3A to %scan3A_4 step %scan3A_5  : i32 {
      %mul3A_8 = arith.constant 1 : i32
      %mul3A_9 = arith.muli %scan3A_7, %mul3A_8 : i32
      %add3A_10 = arith.constant 0 : i32
      %add3A_11 = arith.addi %add3A_10, %mul3A_9 : i32
      %mul3A_12 = arith.constant 40 : i32
      %mul3A_13 = arith.muli %add3A_11, %mul3A_12 : i32
      %add3A_14 = arith.addi %mul3A_2, %mul3A_13 : i32
      %multiple_of3A = tpu.assume_multiple %add3A_14, 8 : i32
      "tpu.region"() ({
        %run_scoped3A = tpu.sem_alloc : memref<!tpu.dma_semaphore, #tpu.memory_space<semaphore_mem>>
        %dma_start3A_19 = tpu.memref_slice %arg3[%multiple_of3A] : memref<160000xi32, #tpu.memory_space<hbm>> -> memref<40xi32, #tpu.memory_space<hbm>>
        %dma_start3A_20 = tpu.memref_slice %arg3[%multiple_of3A] : memref<160000xi32, #tpu.memory_space<hbm>> -> memref<40xi32, #tpu.memory_space<hbm>>
        tpu.enqueue_dma source(%dma_start3A_20 : memref<40xi32, #tpu.memory_space<hbm>>) target(%arg7 : memref<40xi32, #tpu.memory_space<vmem>>) target_semaphore(%run_scoped3A : memref<!tpu.dma_semaphore, #tpu.memory_space<semaphore_mem>>)
        %dma_wait3A_21 = tpu.memref_slice %arg3[%multiple_of3A] : memref<160000xi32, #tpu.memory_space<hbm>> -> memref<40xi32, #tpu.memory_space<hbm>>
        %dma_wait3A_22 = tpu.memref_slice %arg3[%multiple_of3A] : memref<160000xi32, #tpu.memory_space<hbm>> -> memref<40xi32, #tpu.memory_space<hbm>>
        tpu.wait_dma2 semaphore(%run_scoped3A : memref<!tpu.dma_semaphore, #tpu.memory_space<semaphore_mem>>) src(%dma_wait3A_22 : memref<40xi32, #tpu.memory_space<hbm>>) dst(%arg7 : memref<40xi32, #tpu.memory_space<vmem>>)
        tpu.yield
      }) : () -> ()
      "tpu.region"() ({
        %run_scoped3A = tpu.sem_alloc : memref<!tpu.dma_semaphore, #tpu.memory_space<semaphore_mem>>
        %dma_start3A_19 = tpu.memref_slice %arg4[%multiple_of3A] : memref<160000xi32, #tpu.memory_space<hbm>> -> memref<40xi32, #tpu.memory_space<hbm>>
        %dma_start3A_20 = tpu.memref_slice %arg4[%multiple_of3A] : memref<160000xi32, #tpu.memory_space<hbm>> -> memref<40xi32, #tpu.memory_space<hbm>>
        tpu.enqueue_dma source(%dma_start3A_20 : memref<40xi32, #tpu.memory_space<hbm>>) target(%arg8 : memref<40xi32, #tpu.memory_space<vmem>>) target_semaphore(%run_scoped3A : memref<!tpu.dma_semaphore, #tpu.memory_space<semaphore_mem>>)
        %dma_wait3A_21 = tpu.memref_slice %arg4[%multiple_of3A] : memref<160000xi32, #tpu.memory_space<hbm>> -> memref<40xi32, #tpu.memory_space<hbm>>
        %dma_wait3A_22 = tpu.memref_slice %arg4[%multiple_of3A] : memref<160000xi32, #tpu.memory_space<hbm>> -> memref<40xi32, #tpu.memory_space<hbm>>
        tpu.wait_dma2 semaphore(%run_scoped3A : memref<!tpu.dma_semaphore, #tpu.memory_space<semaphore_mem>>) src(%dma_wait3A_22 : memref<40xi32, #tpu.memory_space<hbm>>) dst(%arg8 : memref<40xi32, #tpu.memory_space<vmem>>)
        tpu.yield
      }) : () -> ()
      %dma_start3A = arith.constant 0 : i32
      %dma_start3A_15 = arith.constant 0 : i32
      %dma_start3A_16 = tpu.memref_slice %arg2[%dma_start3A, %dma_start3A_15] : memref<10000x256xf32, #tpu.memory_space<hbm>> -> memref<10000x256xf32, #tpu.memory_space<hbm>>
      tpu.enqueue_indirect_dma source(%dma_start3A_16 : memref<10000x256xf32, #tpu.memory_space<hbm>>) target(%arg9 : memref<40x256xf32, #tpu.memory_space<vmem>>) offsets(%arg7 : memref<40xi32, #tpu.memory_space<vmem>>) semaphore(%arg10 : memref<!tpu.dma_semaphore, #tpu.memory_space<semaphore_mem>>)
      %dma_wait3A = arith.constant 0 : i32
      %dma_wait3A_17 = arith.constant 0 : i32
      %dma_wait3A_18 = tpu.memref_slice %arg2[%dma_wait3A, %dma_wait3A_17] : memref<10000x256xf32, #tpu.memory_space<hbm>> -> memref<10000x256xf32, #tpu.memory_space<hbm>>
      tpu.wait_indirect_dma semaphore(%arg10 : memref<!tpu.dma_semaphore, #tpu.memory_space<semaphore_mem>>) src(%dma_wait3A_18 : memref<10000x256xf32, #tpu.memory_space<hbm>>) dst(%arg9 : memref<40x256xf32, #tpu.memory_space<vmem>>)
      "tpu.region"() ({
        %run_scoped3A = tpu.sem_alloc : memref<!tpu.dma_semaphore, #tpu.memory_space<semaphore_mem>>
        %dma_start3A_19 = arith.constant 0 : i32
        %dma_start3A_20 = arith.constant 0 : i32
        %dma_start3A_21 = tpu.memref_slice %arg5[%dma_start3A_19, %dma_start3A_20] : memref<10000x256xf32, #tpu.memory_space<hbm>> -> memref<10000x256xf32, #tpu.memory_space<hbm>>
        tpu.enqueue_indirect_dma source(%arg9 : memref<40x256xf32, #tpu.memory_space<vmem>>) target(%dma_start3A_21 : memref<10000x256xf32, #tpu.memory_space<hbm>>) offsets(%arg8 : memref<40xi32, #tpu.memory_space<vmem>>) semaphore(%run_scoped3A : memref<!tpu.dma_semaphore, #tpu.memory_space<semaphore_mem>>) {add = true}
        %dma_wait3A_22 = arith.constant 0 : i32
        %dma_wait3A_23 = arith.constant 0 : i32
        %dma_wait3A_24 = tpu.memref_slice %arg5[%dma_wait3A_22, %dma_wait3A_23] : memref<10000x256xf32, #tpu.memory_space<hbm>> -> memref<10000x256xf32, #tpu.memory_space<hbm>>
        tpu.wait_indirect_dma semaphore(%run_scoped3A : memref<!tpu.dma_semaphore, #tpu.memory_space<semaphore_mem>>) src(%arg9 : memref<40x256xf32, #tpu.memory_space<vmem>>) dst(%dma_wait3A_24 : memref<10000x256xf32, #tpu.memory_space<hbm>>)
        tpu.yield
      }) : () -> ()
    }
    %scan3A_6 = arith.constant 125 : i32
    return
  }
}

#map = affine_map<(d0, d1) -> (0, 0)>
#map1 = affine_map<(d0, d1) -> (0)>
module attributes {stable_mosaic.version = 14 : i64} {
  func.func @new_body(%arg0: i32, %arg1: i32, %arg2: memref<10000x256xf32, #tpu.memory_space<hbm>>, %arg3: memref<160000xi32, #tpu.memory_space<hbm>>, %arg4: memref<160000xi32, #tpu.memory_space<hbm>>, %arg5: memref<10000x256xf32, #tpu.memory_space<hbm>>, %arg6: memref<10000x256xf32, #tpu.memory_space<hbm>>, %arg7: memref<40xi32, #tpu.memory_space<vmem>>, %arg8: memref<40xi32, #tpu.memory_space<vmem>>, %arg9: memref<40x256xf32, #tpu.memory_space<vmem>>, %arg10: memref<!tpu.dma_semaphore, #tpu.memory_space<semaphore_mem>>) attributes {dimension_semantics = [#tpu.dimension_semantics<core_parallel>, #tpu.dimension_semantics<subcore_parallel>], iteration_bounds = array<i64: 2, 16>, scalar_prefetch = 0 : i64, scratch_operands = 4 : i64, tpu.core_type = #tpu.core_type<sc_vector_subcore>, window_params = [{transform_indices = #map}, {transform_indices = #map1}, {transform_indices = #map1}, {transform_indices = #map}, {transform_indices = #map}]} {
    %mul3A = arith.constant 2 : i32
    %mul3A_0 = arith.muli %arg1, %mul3A : i32
    %add3A = arith.addi %mul3A_0, %arg0 : i32
    %mul3A_1 = arith.constant 5000 : i32
    %mul3A_2 = arith.muli %add3A, %mul3A_1 : i32
    %scan3A = arith.constant 0 : i32
    %scan3A_3 = arith.constant 125 : i32
    %scan3A_4 = arith.addi %scan3A, %scan3A_3 : i32
    %scan3A_5 = arith.constant 1 : i32
    scf.for %scan3A_7 = %scan3A to %scan3A_4 step %scan3A_5  : i32 {
      %mul3A_8 = arith.constant 1 : i32
      %mul3A_9 = arith.muli %scan3A_7, %mul3A_8 : i32
      %add3A_10 = arith.constant 0 : i32
      %add3A_11 = arith.addi %add3A_10, %mul3A_9 : i32
      %mul3A_12 = arith.constant 40 : i32
      %mul3A_13 = arith.muli %add3A_11, %mul3A_12 : i32
      %add3A_14 = arith.addi %mul3A_2, %mul3A_13 : i32
      %multiple_of3A = tpu.assume_multiple %add3A_14, 8 : i32
      "tpu.region"() ({
        %run_scoped3A = tpu.sem_alloc : memref<!tpu.dma_semaphore, #tpu.memory_space<semaphore_mem>>
        %dma_start3A_19 = tpu.memref_slice %arg3[%multiple_of3A] : memref<160000xi32, #tpu.memory_space<hbm>> -> memref<40xi32, #tpu.memory_space<hbm>>
        %dma_start3A_20 = tpu.memref_slice %arg3[%multiple_of3A] : memref<160000xi32, #tpu.memory_space<hbm>> -> memref<40xi32, #tpu.memory_space<hbm>>
        tpu.enqueue_dma source(%dma_start3A_20 : memref<40xi32, #tpu.memory_space<hbm>>) target(%arg7 : memref<40xi32, #tpu.memory_space<vmem>>) target_semaphore(%run_scoped3A : memref<!tpu.dma_semaphore, #tpu.memory_space<semaphore_mem>>)
        %dma_wait3A_21 = tpu.memref_slice %arg3[%multiple_of3A] : memref<160000xi32, #tpu.memory_space<hbm>> -> memref<40xi32, #tpu.memory_space<hbm>>
        %dma_wait3A_22 = tpu.memref_slice %arg3[%multiple_of3A] : memref<160000xi32, #tpu.memory_space<hbm>> -> memref<40xi32, #tpu.memory_space<hbm>>
        tpu.wait_dma2 semaphore(%run_scoped3A : memref<!tpu.dma_semaphore, #tpu.memory_space<semaphore_mem>>) src(%dma_wait3A_22 : memref<40xi32, #tpu.memory_space<hbm>>) dst(%arg7 : memref<40xi32, #tpu.memory_space<vmem>>)
        tpu.yield
      }) : () -> ()
      "tpu.region"() ({
        %run_scoped3A = tpu.sem_alloc : memref<!tpu.dma_semaphore, #tpu.memory_space<semaphore_mem>>
        %dma_start3A_19 = tpu.memref_slice %arg4[%multiple_of3A] : memref<160000xi32, #tpu.memory_space<hbm>> -> memref<40xi32, #tpu.memory_space<hbm>>
        %dma_start3A_20 = tpu.memref_slice %arg4[%multiple_of3A] : memref<160000xi32, #tpu.memory_space<hbm>> -> memref<40xi32, #tpu.memory_space<hbm>>
        tpu.enqueue_dma source(%dma_start3A_20 : memref<40xi32, #tpu.memory_space<hbm>>) target(%arg8 : memref<40xi32, #tpu.memory_space<vmem>>) target_semaphore(%run_scoped3A : memref<!tpu.dma_semaphore, #tpu.memory_space<semaphore_mem>>)
        %dma_wait3A_21 = tpu.memref_slice %arg4[%multiple_of3A] : memref<160000xi32, #tpu.memory_space<hbm>> -> memref<40xi32, #tpu.memory_space<hbm>>
        %dma_wait3A_22 = tpu.memref_slice %arg4[%multiple_of3A] : memref<160000xi32, #tpu.memory_space<hbm>> -> memref<40xi32, #tpu.memory_space<hbm>>
        tpu.wait_dma2 semaphore(%run_scoped3A : memref<!tpu.dma_semaphore, #tpu.memory_space<semaphore_mem>>) src(%dma_wait3A_22 : memref<40xi32, #tpu.memory_space<hbm>>) dst(%arg8 : memref<40xi32, #tpu.memory_space<vmem>>)
        tpu.yield
      }) : () -> ()
      %dma_start3A = arith.constant 0 : i32
      %dma_start3A_15 = arith.constant 0 : i32
      %dma_start3A_16 = tpu.memref_slice %arg2[%dma_start3A, %dma_start3A_15] : memref<10000x256xf32, #tpu.memory_space<hbm>> -> memref<10000x256xf32, #tpu.memory_space<hbm>>
      tpu.enqueue_indirect_dma source(%dma_start3A_16 : memref<10000x256xf32, #tpu.memory_space<hbm>>) target(%arg9 : memref<40x256xf32, #tpu.memory_space<vmem>>) offsets(%arg7 : memref<40xi32, #tpu.memory_space<vmem>>) semaphore(%arg10 : memref<!tpu.dma_semaphore, #tpu.memory_space<semaphore_mem>>)
      %dma_wait3A = arith.constant 0 : i32
      %dma_wait3A_17 = arith.constant 0 : i32
      %dma_wait3A_18 = tpu.memref_slice %arg2[%dma_wait3A, %dma_wait3A_17] : memref<10000x256xf32, #tpu.memory_space<hbm>> -> memref<10000x256xf32, #tpu.memory_space<hbm>>
      tpu.wait_indirect_dma semaphore(%arg10 : memref<!tpu.dma_semaphore, #tpu.memory_space<semaphore_mem>>) src(%dma_wait3A_18 : memref<10000x256xf32, #tpu.memory_space<hbm>>) dst(%arg9 : memref<40x256xf32, #tpu.memory_space<vmem>>)
      "tpu.region"() ({
        %run_scoped3A = tpu.sem_alloc : memref<!tpu.dma_semaphore, #tpu.memory_space<semaphore_mem>>
        %dma_start3A_19 = arith.constant 0 : i32
        %dma_start3A_20 = arith.constant 0 : i32
        %dma_start3A_21 = tpu.memref_slice %arg5[%dma_start3A_19, %dma_start3A_20] : memref<10000x256xf32, #tpu.memory_space<hbm>> -> memref<10000x256xf32, #tpu.memory_space<hbm>>
        tpu.enqueue_indirect_dma source(%arg9 : memref<40x256xf32, #tpu.memory_space<vmem>>) target(%dma_start3A_21 : memref<10000x256xf32, #tpu.memory_space<hbm>>) offsets(%arg8 : memref<40xi32, #tpu.memory_space<vmem>>) semaphore(%run_scoped3A : memref<!tpu.dma_semaphore, #tpu.memory_space<semaphore_mem>>) {add = true}
        %dma_wait3A_22 = arith.constant 0 : i32
        %dma_wait3A_23 = arith.constant 0 : i32
        %dma_wait3A_24 = tpu.memref_slice %arg5[%dma_wait3A_22, %dma_wait3A_23] : memref<10000x256xf32, #tpu.memory_space<hbm>> -> memref<10000x256xf32, #tpu.memory_space<hbm>>
        tpu.wait_indirect_dma semaphore(%run_scoped3A : memref<!tpu.dma_semaphore, #tpu.memory_space<semaphore_mem>>) src(%arg9 : memref<40x256xf32, #tpu.memory_space<vmem>>) dst(%dma_wait3A_24 : memref<10000x256xf32, #tpu.memory_space<hbm>>)
        tpu.yield
      }) : () -> ()
    }
    %scan3A_6 = arith.constant 125 : i32
    return
  }
}

#map = affine_map<(d0, d1) -> (0, 0)>
#map1 = affine_map<(d0, d1) -> (0)>
module attributes {stable_mosaic.version = 14 : i64} {
  func.func @new_body(%arg0: i32, %arg1: i32, %arg2: memref<10000x256xf32, #tpu.memory_space<hbm>>, %arg3: memref<160000xi32, #tpu.memory_space<hbm>>, %arg4: memref<160000xi32, #tpu.memory_space<hbm>>, %arg5: memref<10000x256xf32, #tpu.memory_space<hbm>>, %arg6: memref<10000x256xf32, #tpu.memory_space<hbm>>, %arg7: memref<40xi32, #tpu.memory_space<vmem>>, %arg8: memref<40xi32, #tpu.memory_space<vmem>>, %arg9: memref<40x256xf32, #tpu.memory_space<vmem>>, %arg10: memref<!tpu.dma_semaphore, #tpu.memory_space<semaphore_mem>>) attributes {dimension_semantics = [#tpu.dimension_semantics<core_parallel>, #tpu.dimension_semantics<subcore_parallel>], iteration_bounds = array<i64: 2, 16>, scalar_prefetch = 0 : i64, scratch_operands = 4 : i64, tpu.core_type = #tpu.core_type<sc_vector_subcore>, window_params = [{transform_indices = #map}, {transform_indices = #map1}, {transform_indices = #map1}, {transform_indices = #map}, {transform_indices = #map}]} {
    %mul3A = arith.constant 2 : i32
    %mul3A_0 = arith.muli %arg1, %mul3A : i32
    %add3A = arith.addi %mul3A_0, %arg0 : i32
    %mul3A_1 = arith.constant 5000 : i32
    %mul3A_2 = arith.muli %add3A, %mul3A_1 : i32
    %scan3A = arith.constant 0 : i32
    %scan3A_3 = arith.constant 125 : i32
    %scan3A_4 = arith.addi %scan3A, %scan3A_3 : i32
    %scan3A_5 = arith.constant 1 : i32
    scf.for %scan3A_7 = %scan3A to %scan3A_4 step %scan3A_5  : i32 {
      %mul3A_8 = arith.constant 1 : i32
      %mul3A_9 = arith.muli %scan3A_7, %mul3A_8 : i32
      %add3A_10 = arith.constant 0 : i32
      %add3A_11 = arith.addi %add3A_10, %mul3A_9 : i32
      %mul3A_12 = arith.constant 40 : i32
      %mul3A_13 = arith.muli %add3A_11, %mul3A_12 : i32
      %add3A_14 = arith.addi %mul3A_2, %mul3A_13 : i32
      %multiple_of3A = tpu.assume_multiple %add3A_14, 8 : i32
      "tpu.region"() ({
        %run_scoped3A = tpu.sem_alloc : memref<!tpu.dma_semaphore, #tpu.memory_space<semaphore_mem>>
        %dma_start3A_19 = tpu.memref_slice %arg3[%multiple_of3A] : memref<160000xi32, #tpu.memory_space<hbm>> -> memref<40xi32, #tpu.memory_space<hbm>>
        %dma_start3A_20 = tpu.memref_slice %arg3[%multiple_of3A] : memref<160000xi32, #tpu.memory_space<hbm>> -> memref<40xi32, #tpu.memory_space<hbm>>
        tpu.enqueue_dma source(%dma_start3A_20 : memref<40xi32, #tpu.memory_space<hbm>>) target(%arg7 : memref<40xi32, #tpu.memory_space<vmem>>) target_semaphore(%run_scoped3A : memref<!tpu.dma_semaphore, #tpu.memory_space<semaphore_mem>>)
        %dma_wait3A_21 = tpu.memref_slice %arg3[%multiple_of3A] : memref<160000xi32, #tpu.memory_space<hbm>> -> memref<40xi32, #tpu.memory_space<hbm>>
        %dma_wait3A_22 = tpu.memref_slice %arg3[%multiple_of3A] : memref<160000xi32, #tpu.memory_space<hbm>> -> memref<40xi32, #tpu.memory_space<hbm>>
        tpu.wait_dma2 semaphore(%run_scoped3A : memref<!tpu.dma_semaphore, #tpu.memory_space<semaphore_mem>>) src(%dma_wait3A_22 : memref<40xi32, #tpu.memory_space<hbm>>) dst(%arg7 : memref<40xi32, #tpu.memory_space<vmem>>)
        tpu.yield
      }) : () -> ()
      "tpu.region"() ({
        %run_scoped3A = tpu.sem_alloc : memref<!tpu.dma_semaphore, #tpu.memory_space<semaphore_mem>>
        %dma_start3A_19 = tpu.memref_slice %arg4[%multiple_of3A] : memref<160000xi32, #tpu.memory_space<hbm>> -> memref<40xi32, #tpu.memory_space<hbm>>
        %dma_start3A_20 = tpu.memref_slice %arg4[%multiple_of3A] : memref<160000xi32, #tpu.memory_space<hbm>> -> memref<40xi32, #tpu.memory_space<hbm>>
        tpu.enqueue_dma source(%dma_start3A_20 : memref<40xi32, #tpu.memory_space<hbm>>) target(%arg8 : memref<40xi32, #tpu.memory_space<vmem>>) target_semaphore(%run_scoped3A : memref<!tpu.dma_semaphore, #tpu.memory_space<semaphore_mem>>)
        %dma_wait3A_21 = tpu.memref_slice %arg4[%multiple_of3A] : memref<160000xi32, #tpu.memory_space<hbm>> -> memref<40xi32, #tpu.memory_space<hbm>>
        %dma_wait3A_22 = tpu.memref_slice %arg4[%multiple_of3A] : memref<160000xi32, #tpu.memory_space<hbm>> -> memref<40xi32, #tpu.memory_space<hbm>>
        tpu.wait_dma2 semaphore(%run_scoped3A : memref<!tpu.dma_semaphore, #tpu.memory_space<semaphore_mem>>) src(%dma_wait3A_22 : memref<40xi32, #tpu.memory_space<hbm>>) dst(%arg8 : memref<40xi32, #tpu.memory_space<vmem>>)
        tpu.yield
      }) : () -> ()
      %dma_start3A = arith.constant 0 : i32
      %dma_start3A_15 = arith.constant 0 : i32
      %dma_start3A_16 = tpu.memref_slice %arg2[%dma_start3A, %dma_start3A_15] : memref<10000x256xf32, #tpu.memory_space<hbm>> -> memref<10000x256xf32, #tpu.memory_space<hbm>>
      tpu.enqueue_indirect_dma source(%dma_start3A_16 : memref<10000x256xf32, #tpu.memory_space<hbm>>) target(%arg9 : memref<40x256xf32, #tpu.memory_space<vmem>>) offsets(%arg7 : memref<40xi32, #tpu.memory_space<vmem>>) semaphore(%arg10 : memref<!tpu.dma_semaphore, #tpu.memory_space<semaphore_mem>>)
      %dma_wait3A = arith.constant 0 : i32
      %dma_wait3A_17 = arith.constant 0 : i32
      %dma_wait3A_18 = tpu.memref_slice %arg2[%dma_wait3A, %dma_wait3A_17] : memref<10000x256xf32, #tpu.memory_space<hbm>> -> memref<10000x256xf32, #tpu.memory_space<hbm>>
      tpu.wait_indirect_dma semaphore(%arg10 : memref<!tpu.dma_semaphore, #tpu.memory_space<semaphore_mem>>) src(%dma_wait3A_18 : memref<10000x256xf32, #tpu.memory_space<hbm>>) dst(%arg9 : memref<40x256xf32, #tpu.memory_space<vmem>>)
      "tpu.region"() ({
        %run_scoped3A = tpu.sem_alloc : memref<!tpu.dma_semaphore, #tpu.memory_space<semaphore_mem>>
        %dma_start3A_19 = arith.constant 0 : i32
        %dma_start3A_20 = arith.constant 0 : i32
        %dma_start3A_21 = tpu.memref_slice %arg5[%dma_start3A_19, %dma_start3A_20] : memref<10000x256xf32, #tpu.memory_space<hbm>> -> memref<10000x256xf32, #tpu.memory_space<hbm>>
        tpu.enqueue_indirect_dma source(%arg9 : memref<40x256xf32, #tpu.memory_space<vmem>>) target(%dma_start3A_21 : memref<10000x256xf32, #tpu.memory_space<hbm>>) offsets(%arg8 : memref<40xi32, #tpu.memory_space<vmem>>) semaphore(%run_scoped3A : memref<!tpu.dma_semaphore, #tpu.memory_space<semaphore_mem>>) {add = true}
        %dma_wait3A_22 = arith.constant 0 : i32
        %dma_wait3A_23 = arith.constant 0 : i32
        %dma_wait3A_24 = tpu.memref_slice %arg5[%dma_wait3A_22, %dma_wait3A_23] : memref<10000x256xf32, #tpu.memory_space<hbm>> -> memref<10000x256xf32, #tpu.memory_space<hbm>>
        tpu.wait_indirect_dma semaphore(%run_scoped3A : memref<!tpu.dma_semaphore, #tpu.memory_space<semaphore_mem>>) src(%arg9 : memref<40x256xf32, #tpu.memory_space<vmem>>) dst(%dma_wait3A_24 : memref<10000x256xf32, #tpu.memory_space<hbm>>)
        tpu.yield
      }) : () -> ()
    }
    %scan3A_6 = arith.constant 125 : i32
    return
  }
}

#map = affine_map<(d0, d1) -> (0, 0)>
#map1 = affine_map<(d0, d1) -> (0)>
module attributes {stable_mosaic.version = 14 : i64} {
  func.func @new_body(%arg0: i32, %arg1: i32, %arg2: memref<10000x256xf32, #tpu.memory_space<hbm>>, %arg3: memref<160000xi32, #tpu.memory_space<hbm>>, %arg4: memref<160000xi32, #tpu.memory_space<hbm>>, %arg5: memref<10000x256xf32, #tpu.memory_space<hbm>>, %arg6: memref<10000x256xf32, #tpu.memory_space<hbm>>, %arg7: memref<40xi32, #tpu.memory_space<vmem>>, %arg8: memref<40xi32, #tpu.memory_space<vmem>>, %arg9: memref<40x256xf32, #tpu.memory_space<vmem>>, %arg10: memref<!tpu.dma_semaphore, #tpu.memory_space<semaphore_mem>>) attributes {dimension_semantics = [#tpu.dimension_semantics<core_parallel>, #tpu.dimension_semantics<subcore_parallel>], iteration_bounds = array<i64: 2, 16>, scalar_prefetch = 0 : i64, scratch_operands = 4 : i64, tpu.core_type = #tpu.core_type<sc_vector_subcore>, window_params = [{transform_indices = #map}, {transform_indices = #map1}, {transform_indices = #map1}, {transform_indices = #map}, {transform_indices = #map}]} {
    %mul3A = arith.constant 2 : i32
    %mul3A_0 = arith.muli %arg1, %mul3A : i32
    %add3A = arith.addi %mul3A_0, %arg0 : i32
    %mul3A_1 = arith.constant 5000 : i32
    %mul3A_2 = arith.muli %add3A, %mul3A_1 : i32
    %scan3A = arith.constant 0 : i32
    %scan3A_3 = arith.constant 125 : i32
    %scan3A_4 = arith.addi %scan3A, %scan3A_3 : i32
    %scan3A_5 = arith.constant 1 : i32
    scf.for %scan3A_7 = %scan3A to %scan3A_4 step %scan3A_5  : i32 {
      %mul3A_8 = arith.constant 1 : i32
      %mul3A_9 = arith.muli %scan3A_7, %mul3A_8 : i32
      %add3A_10 = arith.constant 0 : i32
      %add3A_11 = arith.addi %add3A_10, %mul3A_9 : i32
      %mul3A_12 = arith.constant 40 : i32
      %mul3A_13 = arith.muli %add3A_11, %mul3A_12 : i32
      %add3A_14 = arith.addi %mul3A_2, %mul3A_13 : i32
      %multiple_of3A = tpu.assume_multiple %add3A_14, 8 : i32
      "tpu.region"() ({
        %run_scoped3A = tpu.sem_alloc : memref<!tpu.dma_semaphore, #tpu.memory_space<semaphore_mem>>
        %dma_start3A_19 = tpu.memref_slice %arg3[%multiple_of3A] : memref<160000xi32, #tpu.memory_space<hbm>> -> memref<40xi32, #tpu.memory_space<hbm>>
        %dma_start3A_20 = tpu.memref_slice %arg3[%multiple_of3A] : memref<160000xi32, #tpu.memory_space<hbm>> -> memref<40xi32, #tpu.memory_space<hbm>>
        tpu.enqueue_dma source(%dma_start3A_20 : memref<40xi32, #tpu.memory_space<hbm>>) target(%arg7 : memref<40xi32, #tpu.memory_space<vmem>>) target_semaphore(%run_scoped3A : memref<!tpu.dma_semaphore, #tpu.memory_space<semaphore_mem>>)
        %dma_wait3A_21 = tpu.memref_slice %arg3[%multiple_of3A] : memref<160000xi32, #tpu.memory_space<hbm>> -> memref<40xi32, #tpu.memory_space<hbm>>
        %dma_wait3A_22 = tpu.memref_slice %arg3[%multiple_of3A] : memref<160000xi32, #tpu.memory_space<hbm>> -> memref<40xi32, #tpu.memory_space<hbm>>
        tpu.wait_dma2 semaphore(%run_scoped3A : memref<!tpu.dma_semaphore, #tpu.memory_space<semaphore_mem>>) src(%dma_wait3A_22 : memref<40xi32, #tpu.memory_space<hbm>>) dst(%arg7 : memref<40xi32, #tpu.memory_space<vmem>>)
        tpu.yield
      }) : () -> ()
      "tpu.region"() ({
        %run_scoped3A = tpu.sem_alloc : memref<!tpu.dma_semaphore, #tpu.memory_space<semaphore_mem>>
        %dma_start3A_19 = tpu.memref_slice %arg4[%multiple_of3A] : memref<160000xi32, #tpu.memory_space<hbm>> -> memref<40xi32, #tpu.memory_space<hbm>>
        %dma_start3A_20 = tpu.memref_slice %arg4[%multiple_of3A] : memref<160000xi32, #tpu.memory_space<hbm>> -> memref<40xi32, #tpu.memory_space<hbm>>
        tpu.enqueue_dma source(%dma_start3A_20 : memref<40xi32, #tpu.memory_space<hbm>>) target(%arg8 : memref<40xi32, #tpu.memory_space<vmem>>) target_semaphore(%run_scoped3A : memref<!tpu.dma_semaphore, #tpu.memory_space<semaphore_mem>>)
        %dma_wait3A_21 = tpu.memref_slice %arg4[%multiple_of3A] : memref<160000xi32, #tpu.memory_space<hbm>> -> memref<40xi32, #tpu.memory_space<hbm>>
        %dma_wait3A_22 = tpu.memref_slice %arg4[%multiple_of3A] : memref<160000xi32, #tpu.memory_space<hbm>> -> memref<40xi32, #tpu.memory_space<hbm>>
        tpu.wait_dma2 semaphore(%run_scoped3A : memref<!tpu.dma_semaphore, #tpu.memory_space<semaphore_mem>>) src(%dma_wait3A_22 : memref<40xi32, #tpu.memory_space<hbm>>) dst(%arg8 : memref<40xi32, #tpu.memory_space<vmem>>)
        tpu.yield
      }) : () -> ()
      %dma_start3A = arith.constant 0 : i32
      %dma_start3A_15 = arith.constant 0 : i32
      %dma_start3A_16 = tpu.memref_slice %arg2[%dma_start3A, %dma_start3A_15] : memref<10000x256xf32, #tpu.memory_space<hbm>> -> memref<10000x256xf32, #tpu.memory_space<hbm>>
      tpu.enqueue_indirect_dma source(%dma_start3A_16 : memref<10000x256xf32, #tpu.memory_space<hbm>>) target(%arg9 : memref<40x256xf32, #tpu.memory_space<vmem>>) offsets(%arg7 : memref<40xi32, #tpu.memory_space<vmem>>) semaphore(%arg10 : memref<!tpu.dma_semaphore, #tpu.memory_space<semaphore_mem>>)
      %dma_wait3A = arith.constant 0 : i32
      %dma_wait3A_17 = arith.constant 0 : i32
      %dma_wait3A_18 = tpu.memref_slice %arg2[%dma_wait3A, %dma_wait3A_17] : memref<10000x256xf32, #tpu.memory_space<hbm>> -> memref<10000x256xf32, #tpu.memory_space<hbm>>
      tpu.wait_indirect_dma semaphore(%arg10 : memref<!tpu.dma_semaphore, #tpu.memory_space<semaphore_mem>>) src(%dma_wait3A_18 : memref<10000x256xf32, #tpu.memory_space<hbm>>) dst(%arg9 : memref<40x256xf32, #tpu.memory_space<vmem>>)
      "tpu.region"() ({
        %run_scoped3A = tpu.sem_alloc : memref<!tpu.dma_semaphore, #tpu.memory_space<semaphore_mem>>
        %dma_start3A_19 = arith.constant 0 : i32
        %dma_start3A_20 = arith.constant 0 : i32
        %dma_start3A_21 = tpu.memref_slice %arg5[%dma_start3A_19, %dma_start3A_20] : memref<10000x256xf32, #tpu.memory_space<hbm>> -> memref<10000x256xf32, #tpu.memory_space<hbm>>
        tpu.enqueue_indirect_dma source(%arg9 : memref<40x256xf32, #tpu.memory_space<vmem>>) target(%dma_start3A_21 : memref<10000x256xf32, #tpu.memory_space<hbm>>) offsets(%arg8 : memref<40xi32, #tpu.memory_space<vmem>>) semaphore(%run_scoped3A : memref<!tpu.dma_semaphore, #tpu.memory_space<semaphore_mem>>) {add = true}
        %dma_wait3A_22 = arith.constant 0 : i32
        %dma_wait3A_23 = arith.constant 0 : i32
        %dma_wait3A_24 = tpu.memref_slice %arg5[%dma_wait3A_22, %dma_wait3A_23] : memref<10000x256xf32, #tpu.memory_space<hbm>> -> memref<10000x256xf32, #tpu.memory_space<hbm>>
        tpu.wait_indirect_dma semaphore(%run_scoped3A : memref<!tpu.dma_semaphore, #tpu.memory_space<semaphore_mem>>) src(%arg9 : memref<40x256xf32, #tpu.memory_space<vmem>>) dst(%dma_wait3A_24 : memref<10000x256xf32, #tpu.memory_space<hbm>>)
        tpu.yield
      }) : () -> ()
    }
    %scan3A_6 = arith.constant 125 : i32
    return
  }
}

#map = affine_map<(d0, d1) -> (0, 0)>
#map1 = affine_map<(d0, d1) -> (0)>
module attributes {stable_mosaic.version = 14 : i64} {
  func.func @new_body(%arg0: i32, %arg1: i32, %arg2: memref<10000x256xf32, #tpu.memory_space<hbm>>, %arg3: memref<160000xi32, #tpu.memory_space<hbm>>, %arg4: memref<160000xi32, #tpu.memory_space<hbm>>, %arg5: memref<10000x256xf32, #tpu.memory_space<hbm>>, %arg6: memref<10000x256xf32, #tpu.memory_space<hbm>>, %arg7: memref<40xi32, #tpu.memory_space<vmem>>, %arg8: memref<40xi32, #tpu.memory_space<vmem>>, %arg9: memref<40x256xf32, #tpu.memory_space<vmem>>, %arg10: memref<!tpu.dma_semaphore, #tpu.memory_space<semaphore_mem>>) attributes {dimension_semantics = [#tpu.dimension_semantics<core_parallel>, #tpu.dimension_semantics<subcore_parallel>], iteration_bounds = array<i64: 2, 16>, scalar_prefetch = 0 : i64, scratch_operands = 4 : i64, tpu.core_type = #tpu.core_type<sc_vector_subcore>, window_params = [{transform_indices = #map}, {transform_indices = #map1}, {transform_indices = #map1}, {transform_indices = #map}, {transform_indices = #map}]} {
    %mul3A = arith.constant 2 : i32
    %mul3A_0 = arith.muli %arg1, %mul3A : i32
    %add3A = arith.addi %mul3A_0, %arg0 : i32
    %mul3A_1 = arith.constant 5000 : i32
    %mul3A_2 = arith.muli %add3A, %mul3A_1 : i32
    %scan3A = arith.constant 0 : i32
    %scan3A_3 = arith.constant 125 : i32
    %scan3A_4 = arith.addi %scan3A, %scan3A_3 : i32
    %scan3A_5 = arith.constant 1 : i32
    scf.for %scan3A_7 = %scan3A to %scan3A_4 step %scan3A_5  : i32 {
      %mul3A_8 = arith.constant 1 : i32
      %mul3A_9 = arith.muli %scan3A_7, %mul3A_8 : i32
      %add3A_10 = arith.constant 0 : i32
      %add3A_11 = arith.addi %add3A_10, %mul3A_9 : i32
      %mul3A_12 = arith.constant 40 : i32
      %mul3A_13 = arith.muli %add3A_11, %mul3A_12 : i32
      %add3A_14 = arith.addi %mul3A_2, %mul3A_13 : i32
      %multiple_of3A = tpu.assume_multiple %add3A_14, 8 : i32
      "tpu.region"() ({
        %run_scoped3A = tpu.sem_alloc : memref<!tpu.dma_semaphore, #tpu.memory_space<semaphore_mem>>
        %dma_start3A_19 = tpu.memref_slice %arg3[%multiple_of3A] : memref<160000xi32, #tpu.memory_space<hbm>> -> memref<40xi32, #tpu.memory_space<hbm>>
        %dma_start3A_20 = tpu.memref_slice %arg3[%multiple_of3A] : memref<160000xi32, #tpu.memory_space<hbm>> -> memref<40xi32, #tpu.memory_space<hbm>>
        tpu.enqueue_dma source(%dma_start3A_20 : memref<40xi32, #tpu.memory_space<hbm>>) target(%arg7 : memref<40xi32, #tpu.memory_space<vmem>>) target_semaphore(%run_scoped3A : memref<!tpu.dma_semaphore, #tpu.memory_space<semaphore_mem>>)
        %dma_wait3A_21 = tpu.memref_slice %arg3[%multiple_of3A] : memref<160000xi32, #tpu.memory_space<hbm>> -> memref<40xi32, #tpu.memory_space<hbm>>
        %dma_wait3A_22 = tpu.memref_slice %arg3[%multiple_of3A] : memref<160000xi32, #tpu.memory_space<hbm>> -> memref<40xi32, #tpu.memory_space<hbm>>
        tpu.wait_dma2 semaphore(%run_scoped3A : memref<!tpu.dma_semaphore, #tpu.memory_space<semaphore_mem>>) src(%dma_wait3A_22 : memref<40xi32, #tpu.memory_space<hbm>>) dst(%arg7 : memref<40xi32, #tpu.memory_space<vmem>>)
        tpu.yield
      }) : () -> ()
      "tpu.region"() ({
        %run_scoped3A = tpu.sem_alloc : memref<!tpu.dma_semaphore, #tpu.memory_space<semaphore_mem>>
        %dma_start3A_19 = tpu.memref_slice %arg4[%multiple_of3A] : memref<160000xi32, #tpu.memory_space<hbm>> -> memref<40xi32, #tpu.memory_space<hbm>>
        %dma_start3A_20 = tpu.memref_slice %arg4[%multiple_of3A] : memref<160000xi32, #tpu.memory_space<hbm>> -> memref<40xi32, #tpu.memory_space<hbm>>
        tpu.enqueue_dma source(%dma_start3A_20 : memref<40xi32, #tpu.memory_space<hbm>>) target(%arg8 : memref<40xi32, #tpu.memory_space<vmem>>) target_semaphore(%run_scoped3A : memref<!tpu.dma_semaphore, #tpu.memory_space<semaphore_mem>>)
        %dma_wait3A_21 = tpu.memref_slice %arg4[%multiple_of3A] : memref<160000xi32, #tpu.memory_space<hbm>> -> memref<40xi32, #tpu.memory_space<hbm>>
        %dma_wait3A_22 = tpu.memref_slice %arg4[%multiple_of3A] : memref<160000xi32, #tpu.memory_space<hbm>> -> memref<40xi32, #tpu.memory_space<hbm>>
        tpu.wait_dma2 semaphore(%run_scoped3A : memref<!tpu.dma_semaphore, #tpu.memory_space<semaphore_mem>>) src(%dma_wait3A_22 : memref<40xi32, #tpu.memory_space<hbm>>) dst(%arg8 : memref<40xi32, #tpu.memory_space<vmem>>)
        tpu.yield
      }) : () -> ()
      %dma_start3A = arith.constant 0 : i32
      %dma_start3A_15 = arith.constant 0 : i32
      %dma_start3A_16 = tpu.memref_slice %arg2[%dma_start3A, %dma_start3A_15] : memref<10000x256xf32, #tpu.memory_space<hbm>> -> memref<10000x256xf32, #tpu.memory_space<hbm>>
      tpu.enqueue_indirect_dma source(%dma_start3A_16 : memref<10000x256xf32, #tpu.memory_space<hbm>>) target(%arg9 : memref<40x256xf32, #tpu.memory_space<vmem>>) offsets(%arg7 : memref<40xi32, #tpu.memory_space<vmem>>) semaphore(%arg10 : memref<!tpu.dma_semaphore, #tpu.memory_space<semaphore_mem>>)
      %dma_wait3A = arith.constant 0 : i32
      %dma_wait3A_17 = arith.constant 0 : i32
      %dma_wait3A_18 = tpu.memref_slice %arg2[%dma_wait3A, %dma_wait3A_17] : memref<10000x256xf32, #tpu.memory_space<hbm>> -> memref<10000x256xf32, #tpu.memory_space<hbm>>
      tpu.wait_indirect_dma semaphore(%arg10 : memref<!tpu.dma_semaphore, #tpu.memory_space<semaphore_mem>>) src(%dma_wait3A_18 : memref<10000x256xf32, #tpu.memory_space<hbm>>) dst(%arg9 : memref<40x256xf32, #tpu.memory_space<vmem>>)
      "tpu.region"() ({
        %run_scoped3A = tpu.sem_alloc : memref<!tpu.dma_semaphore, #tpu.memory_space<semaphore_mem>>
        %dma_start3A_19 = arith.constant 0 : i32
        %dma_start3A_20 = arith.constant 0 : i32
        %dma_start3A_21 = tpu.memref_slice %arg5[%dma_start3A_19, %dma_start3A_20] : memref<10000x256xf32, #tpu.memory_space<hbm>> -> memref<10000x256xf32, #tpu.memory_space<hbm>>
        tpu.enqueue_indirect_dma source(%arg9 : memref<40x256xf32, #tpu.memory_space<vmem>>) target(%dma_start3A_21 : memref<10000x256xf32, #tpu.memory_space<hbm>>) offsets(%arg8 : memref<40xi32, #tpu.memory_space<vmem>>) semaphore(%run_scoped3A : memref<!tpu.dma_semaphore, #tpu.memory_space<semaphore_mem>>) {add = true}
        %dma_wait3A_22 = arith.constant 0 : i32
        %dma_wait3A_23 = arith.constant 0 : i32
        %dma_wait3A_24 = tpu.memref_slice %arg5[%dma_wait3A_22, %dma_wait3A_23] : memref<10000x256xf32, #tpu.memory_space<hbm>> -> memref<10000x256xf32, #tpu.memory_space<hbm>>
        tpu.wait_indirect_dma semaphore(%run_scoped3A : memref<!tpu.dma_semaphore, #tpu.memory_space<semaphore_mem>>) src(%arg9 : memref<40x256xf32, #tpu.memory_space<vmem>>) dst(%dma_wait3A_24 : memref<10000x256xf32, #tpu.memory_space<hbm>>)
        tpu.yield
      }) : () -> ()
    }
    %scan3A_6 = arith.constant 125 : i32
    return
  }
}

#map = affine_map<(d0, d1) -> (0, 0)>
#map1 = affine_map<(d0, d1) -> (0)>
module attributes {stable_mosaic.version = 14 : i64} {
  func.func @new_body(%arg0: i32, %arg1: i32, %arg2: memref<10000x256xf32, #tpu.memory_space<hbm>>, %arg3: memref<160000xi32, #tpu.memory_space<hbm>>, %arg4: memref<160000xi32, #tpu.memory_space<hbm>>, %arg5: memref<10000x256xf32, #tpu.memory_space<hbm>>, %arg6: memref<10000x256xf32, #tpu.memory_space<hbm>>, %arg7: memref<40xi32, #tpu.memory_space<vmem>>, %arg8: memref<40xi32, #tpu.memory_space<vmem>>, %arg9: memref<40x256xf32, #tpu.memory_space<vmem>>, %arg10: memref<!tpu.dma_semaphore, #tpu.memory_space<semaphore_mem>>) attributes {dimension_semantics = [#tpu.dimension_semantics<core_parallel>, #tpu.dimension_semantics<subcore_parallel>], iteration_bounds = array<i64: 2, 16>, scalar_prefetch = 0 : i64, scratch_operands = 4 : i64, tpu.core_type = #tpu.core_type<sc_vector_subcore>, window_params = [{transform_indices = #map}, {transform_indices = #map1}, {transform_indices = #map1}, {transform_indices = #map}, {transform_indices = #map}]} {
    %mul3A = arith.constant 2 : i32
    %mul3A_0 = arith.muli %arg1, %mul3A : i32
    %add3A = arith.addi %mul3A_0, %arg0 : i32
    %mul3A_1 = arith.constant 5000 : i32
    %mul3A_2 = arith.muli %add3A, %mul3A_1 : i32
    %scan3A = arith.constant 0 : i32
    %scan3A_3 = arith.constant 125 : i32
    %scan3A_4 = arith.addi %scan3A, %scan3A_3 : i32
    %scan3A_5 = arith.constant 1 : i32
    scf.for %scan3A_7 = %scan3A to %scan3A_4 step %scan3A_5  : i32 {
      %mul3A_8 = arith.constant 1 : i32
      %mul3A_9 = arith.muli %scan3A_7, %mul3A_8 : i32
      %add3A_10 = arith.constant 0 : i32
      %add3A_11 = arith.addi %add3A_10, %mul3A_9 : i32
      %mul3A_12 = arith.constant 40 : i32
      %mul3A_13 = arith.muli %add3A_11, %mul3A_12 : i32
      %add3A_14 = arith.addi %mul3A_2, %mul3A_13 : i32
      %multiple_of3A = tpu.assume_multiple %add3A_14, 8 : i32
      "tpu.region"() ({
        %run_scoped3A = tpu.sem_alloc : memref<!tpu.dma_semaphore, #tpu.memory_space<semaphore_mem>>
        %dma_start3A_19 = tpu.memref_slice %arg3[%multiple_of3A] : memref<160000xi32, #tpu.memory_space<hbm>> -> memref<40xi32, #tpu.memory_space<hbm>>
        %dma_start3A_20 = tpu.memref_slice %arg3[%multiple_of3A] : memref<160000xi32, #tpu.memory_space<hbm>> -> memref<40xi32, #tpu.memory_space<hbm>>
        tpu.enqueue_dma source(%dma_start3A_20 : memref<40xi32, #tpu.memory_space<hbm>>) target(%arg7 : memref<40xi32, #tpu.memory_space<vmem>>) target_semaphore(%run_scoped3A : memref<!tpu.dma_semaphore, #tpu.memory_space<semaphore_mem>>)
        %dma_wait3A_21 = tpu.memref_slice %arg3[%multiple_of3A] : memref<160000xi32, #tpu.memory_space<hbm>> -> memref<40xi32, #tpu.memory_space<hbm>>
        %dma_wait3A_22 = tpu.memref_slice %arg3[%multiple_of3A] : memref<160000xi32, #tpu.memory_space<hbm>> -> memref<40xi32, #tpu.memory_space<hbm>>
        tpu.wait_dma2 semaphore(%run_scoped3A : memref<!tpu.dma_semaphore, #tpu.memory_space<semaphore_mem>>) src(%dma_wait3A_22 : memref<40xi32, #tpu.memory_space<hbm>>) dst(%arg7 : memref<40xi32, #tpu.memory_space<vmem>>)
        tpu.yield
      }) : () -> ()
      "tpu.region"() ({
        %run_scoped3A = tpu.sem_alloc : memref<!tpu.dma_semaphore, #tpu.memory_space<semaphore_mem>>
        %dma_start3A_19 = tpu.memref_slice %arg4[%multiple_of3A] : memref<160000xi32, #tpu.memory_space<hbm>> -> memref<40xi32, #tpu.memory_space<hbm>>
        %dma_start3A_20 = tpu.memref_slice %arg4[%multiple_of3A] : memref<160000xi32, #tpu.memory_space<hbm>> -> memref<40xi32, #tpu.memory_space<hbm>>
        tpu.enqueue_dma source(%dma_start3A_20 : memref<40xi32, #tpu.memory_space<hbm>>) target(%arg8 : memref<40xi32, #tpu.memory_space<vmem>>) target_semaphore(%run_scoped3A : memref<!tpu.dma_semaphore, #tpu.memory_space<semaphore_mem>>)
        %dma_wait3A_21 = tpu.memref_slice %arg4[%multiple_of3A] : memref<160000xi32, #tpu.memory_space<hbm>> -> memref<40xi32, #tpu.memory_space<hbm>>
        %dma_wait3A_22 = tpu.memref_slice %arg4[%multiple_of3A] : memref<160000xi32, #tpu.memory_space<hbm>> -> memref<40xi32, #tpu.memory_space<hbm>>
        tpu.wait_dma2 semaphore(%run_scoped3A : memref<!tpu.dma_semaphore, #tpu.memory_space<semaphore_mem>>) src(%dma_wait3A_22 : memref<40xi32, #tpu.memory_space<hbm>>) dst(%arg8 : memref<40xi32, #tpu.memory_space<vmem>>)
        tpu.yield
      }) : () -> ()
      %dma_start3A = arith.constant 0 : i32
      %dma_start3A_15 = arith.constant 0 : i32
      %dma_start3A_16 = tpu.memref_slice %arg2[%dma_start3A, %dma_start3A_15] : memref<10000x256xf32, #tpu.memory_space<hbm>> -> memref<10000x256xf32, #tpu.memory_space<hbm>>
      tpu.enqueue_indirect_dma source(%dma_start3A_16 : memref<10000x256xf32, #tpu.memory_space<hbm>>) target(%arg9 : memref<40x256xf32, #tpu.memory_space<vmem>>) offsets(%arg7 : memref<40xi32, #tpu.memory_space<vmem>>) semaphore(%arg10 : memref<!tpu.dma_semaphore, #tpu.memory_space<semaphore_mem>>)
      %dma_wait3A = arith.constant 0 : i32
      %dma_wait3A_17 = arith.constant 0 : i32
      %dma_wait3A_18 = tpu.memref_slice %arg2[%dma_wait3A, %dma_wait3A_17] : memref<10000x256xf32, #tpu.memory_space<hbm>> -> memref<10000x256xf32, #tpu.memory_space<hbm>>
      tpu.wait_indirect_dma semaphore(%arg10 : memref<!tpu.dma_semaphore, #tpu.memory_space<semaphore_mem>>) src(%dma_wait3A_18 : memref<10000x256xf32, #tpu.memory_space<hbm>>) dst(%arg9 : memref<40x256xf32, #tpu.memory_space<vmem>>)
      "tpu.region"() ({
        %run_scoped3A = tpu.sem_alloc : memref<!tpu.dma_semaphore, #tpu.memory_space<semaphore_mem>>
        %dma_start3A_19 = arith.constant 0 : i32
        %dma_start3A_20 = arith.constant 0 : i32
        %dma_start3A_21 = tpu.memref_slice %arg5[%dma_start3A_19, %dma_start3A_20] : memref<10000x256xf32, #tpu.memory_space<hbm>> -> memref<10000x256xf32, #tpu.memory_space<hbm>>
        tpu.enqueue_indirect_dma source(%arg9 : memref<40x256xf32, #tpu.memory_space<vmem>>) target(%dma_start3A_21 : memref<10000x256xf32, #tpu.memory_space<hbm>>) offsets(%arg8 : memref<40xi32, #tpu.memory_space<vmem>>) semaphore(%run_scoped3A : memref<!tpu.dma_semaphore, #tpu.memory_space<semaphore_mem>>) {add = true}
        %dma_wait3A_22 = arith.constant 0 : i32
        %dma_wait3A_23 = arith.constant 0 : i32
        %dma_wait3A_24 = tpu.memref_slice %arg5[%dma_wait3A_22, %dma_wait3A_23] : memref<10000x256xf32, #tpu.memory_space<hbm>> -> memref<10000x256xf32, #tpu.memory_space<hbm>>
        tpu.wait_indirect_dma semaphore(%run_scoped3A : memref<!tpu.dma_semaphore, #tpu.memory_space<semaphore_mem>>) src(%arg9 : memref<40x256xf32, #tpu.memory_space<vmem>>) dst(%dma_wait3A_24 : memref<10000x256xf32, #tpu.memory_space<hbm>>)
        tpu.yield
      }) : () -> ()
    }
    %scan3A_6 = arith.constant 125 : i32
    return
  }
}

#map = affine_map<(d0, d1) -> (0, 0)>
#map1 = affine_map<(d0, d1) -> (0)>
module attributes {stable_mosaic.version = 14 : i64} {
  func.func @new_body(%arg0: i32, %arg1: i32, %arg2: memref<10000x256xf32, #tpu.memory_space<hbm>>, %arg3: memref<160000xi32, #tpu.memory_space<hbm>>, %arg4: memref<160000xi32, #tpu.memory_space<hbm>>, %arg5: memref<10000x256xf32, #tpu.memory_space<hbm>>, %arg6: memref<10000x256xf32, #tpu.memory_space<hbm>>, %arg7: memref<40xi32, #tpu.memory_space<vmem>>, %arg8: memref<40xi32, #tpu.memory_space<vmem>>, %arg9: memref<40x256xf32, #tpu.memory_space<vmem>>, %arg10: memref<!tpu.dma_semaphore, #tpu.memory_space<semaphore_mem>>) attributes {dimension_semantics = [#tpu.dimension_semantics<core_parallel>, #tpu.dimension_semantics<subcore_parallel>], iteration_bounds = array<i64: 2, 16>, scalar_prefetch = 0 : i64, scratch_operands = 4 : i64, tpu.core_type = #tpu.core_type<sc_vector_subcore>, window_params = [{transform_indices = #map}, {transform_indices = #map1}, {transform_indices = #map1}, {transform_indices = #map}, {transform_indices = #map}]} {
    %mul3A = arith.constant 2 : i32
    %mul3A_0 = arith.muli %arg1, %mul3A : i32
    %add3A = arith.addi %mul3A_0, %arg0 : i32
    %mul3A_1 = arith.constant 5000 : i32
    %mul3A_2 = arith.muli %add3A, %mul3A_1 : i32
    %scan3A = arith.constant 0 : i32
    %scan3A_3 = arith.constant 125 : i32
    %scan3A_4 = arith.addi %scan3A, %scan3A_3 : i32
    %scan3A_5 = arith.constant 1 : i32
    scf.for %scan3A_7 = %scan3A to %scan3A_4 step %scan3A_5  : i32 {
      %mul3A_8 = arith.constant 1 : i32
      %mul3A_9 = arith.muli %scan3A_7, %mul3A_8 : i32
      %add3A_10 = arith.constant 0 : i32
      %add3A_11 = arith.addi %add3A_10, %mul3A_9 : i32
      %mul3A_12 = arith.constant 40 : i32
      %mul3A_13 = arith.muli %add3A_11, %mul3A_12 : i32
      %add3A_14 = arith.addi %mul3A_2, %mul3A_13 : i32
      %multiple_of3A = tpu.assume_multiple %add3A_14, 8 : i32
      "tpu.region"() ({
        %run_scoped3A = tpu.sem_alloc : memref<!tpu.dma_semaphore, #tpu.memory_space<semaphore_mem>>
        %dma_start3A_19 = tpu.memref_slice %arg3[%multiple_of3A] : memref<160000xi32, #tpu.memory_space<hbm>> -> memref<40xi32, #tpu.memory_space<hbm>>
        %dma_start3A_20 = tpu.memref_slice %arg3[%multiple_of3A] : memref<160000xi32, #tpu.memory_space<hbm>> -> memref<40xi32, #tpu.memory_space<hbm>>
        tpu.enqueue_dma source(%dma_start3A_20 : memref<40xi32, #tpu.memory_space<hbm>>) target(%arg7 : memref<40xi32, #tpu.memory_space<vmem>>) target_semaphore(%run_scoped3A : memref<!tpu.dma_semaphore, #tpu.memory_space<semaphore_mem>>)
        %dma_wait3A_21 = tpu.memref_slice %arg3[%multiple_of3A] : memref<160000xi32, #tpu.memory_space<hbm>> -> memref<40xi32, #tpu.memory_space<hbm>>
        %dma_wait3A_22 = tpu.memref_slice %arg3[%multiple_of3A] : memref<160000xi32, #tpu.memory_space<hbm>> -> memref<40xi32, #tpu.memory_space<hbm>>
        tpu.wait_dma2 semaphore(%run_scoped3A : memref<!tpu.dma_semaphore, #tpu.memory_space<semaphore_mem>>) src(%dma_wait3A_22 : memref<40xi32, #tpu.memory_space<hbm>>) dst(%arg7 : memref<40xi32, #tpu.memory_space<vmem>>)
        tpu.yield
      }) : () -> ()
      "tpu.region"() ({
        %run_scoped3A = tpu.sem_alloc : memref<!tpu.dma_semaphore, #tpu.memory_space<semaphore_mem>>
        %dma_start3A_19 = tpu.memref_slice %arg4[%multiple_of3A] : memref<160000xi32, #tpu.memory_space<hbm>> -> memref<40xi32, #tpu.memory_space<hbm>>
        %dma_start3A_20 = tpu.memref_slice %arg4[%multiple_of3A] : memref<160000xi32, #tpu.memory_space<hbm>> -> memref<40xi32, #tpu.memory_space<hbm>>
        tpu.enqueue_dma source(%dma_start3A_20 : memref<40xi32, #tpu.memory_space<hbm>>) target(%arg8 : memref<40xi32, #tpu.memory_space<vmem>>) target_semaphore(%run_scoped3A : memref<!tpu.dma_semaphore, #tpu.memory_space<semaphore_mem>>)
        %dma_wait3A_21 = tpu.memref_slice %arg4[%multiple_of3A] : memref<160000xi32, #tpu.memory_space<hbm>> -> memref<40xi32, #tpu.memory_space<hbm>>
        %dma_wait3A_22 = tpu.memref_slice %arg4[%multiple_of3A] : memref<160000xi32, #tpu.memory_space<hbm>> -> memref<40xi32, #tpu.memory_space<hbm>>
        tpu.wait_dma2 semaphore(%run_scoped3A : memref<!tpu.dma_semaphore, #tpu.memory_space<semaphore_mem>>) src(%dma_wait3A_22 : memref<40xi32, #tpu.memory_space<hbm>>) dst(%arg8 : memref<40xi32, #tpu.memory_space<vmem>>)
        tpu.yield
      }) : () -> ()
      %dma_start3A = arith.constant 0 : i32
      %dma_start3A_15 = arith.constant 0 : i32
      %dma_start3A_16 = tpu.memref_slice %arg2[%dma_start3A, %dma_start3A_15] : memref<10000x256xf32, #tpu.memory_space<hbm>> -> memref<10000x256xf32, #tpu.memory_space<hbm>>
      tpu.enqueue_indirect_dma source(%dma_start3A_16 : memref<10000x256xf32, #tpu.memory_space<hbm>>) target(%arg9 : memref<40x256xf32, #tpu.memory_space<vmem>>) offsets(%arg7 : memref<40xi32, #tpu.memory_space<vmem>>) semaphore(%arg10 : memref<!tpu.dma_semaphore, #tpu.memory_space<semaphore_mem>>)
      %dma_wait3A = arith.constant 0 : i32
      %dma_wait3A_17 = arith.constant 0 : i32
      %dma_wait3A_18 = tpu.memref_slice %arg2[%dma_wait3A, %dma_wait3A_17] : memref<10000x256xf32, #tpu.memory_space<hbm>> -> memref<10000x256xf32, #tpu.memory_space<hbm>>
      tpu.wait_indirect_dma semaphore(%arg10 : memref<!tpu.dma_semaphore, #tpu.memory_space<semaphore_mem>>) src(%dma_wait3A_18 : memref<10000x256xf32, #tpu.memory_space<hbm>>) dst(%arg9 : memref<40x256xf32, #tpu.memory_space<vmem>>)
      "tpu.region"() ({
        %run_scoped3A = tpu.sem_alloc : memref<!tpu.dma_semaphore, #tpu.memory_space<semaphore_mem>>
        %dma_start3A_19 = arith.constant 0 : i32
        %dma_start3A_20 = arith.constant 0 : i32
        %dma_start3A_21 = tpu.memref_slice %arg5[%dma_start3A_19, %dma_start3A_20] : memref<10000x256xf32, #tpu.memory_space<hbm>> -> memref<10000x256xf32, #tpu.memory_space<hbm>>
        tpu.enqueue_indirect_dma source(%arg9 : memref<40x256xf32, #tpu.memory_space<vmem>>) target(%dma_start3A_21 : memref<10000x256xf32, #tpu.memory_space<hbm>>) offsets(%arg8 : memref<40xi32, #tpu.memory_space<vmem>>) semaphore(%run_scoped3A : memref<!tpu.dma_semaphore, #tpu.memory_space<semaphore_mem>>) {add = true}
        %dma_wait3A_22 = arith.constant 0 : i32
        %dma_wait3A_23 = arith.constant 0 : i32
        %dma_wait3A_24 = tpu.memref_slice %arg5[%dma_wait3A_22, %dma_wait3A_23] : memref<10000x256xf32, #tpu.memory_space<hbm>> -> memref<10000x256xf32, #tpu.memory_space<hbm>>
        tpu.wait_indirect_dma semaphore(%run_scoped3A : memref<!tpu.dma_semaphore, #tpu.memory_space<semaphore_mem>>) src(%arg9 : memref<40x256xf32, #tpu.memory_space<vmem>>) dst(%dma_wait3A_24 : memref<10000x256xf32, #tpu.memory_space<hbm>>)
        tpu.yield
      }) : () -> ()
    }
    %scan3A_6 = arith.constant 125 : i32
    return
  }
}

#map = affine_map<(d0, d1) -> (0, 0)>
#map1 = affine_map<(d0, d1) -> (0)>
module attributes {stable_mosaic.version = 14 : i64} {
  func.func @new_body(%arg0: i32, %arg1: i32, %arg2: memref<10000x256xf32, #tpu.memory_space<hbm>>, %arg3: memref<160000xi32, #tpu.memory_space<hbm>>, %arg4: memref<160000xi32, #tpu.memory_space<hbm>>, %arg5: memref<10000x256xf32, #tpu.memory_space<hbm>>, %arg6: memref<10000x256xf32, #tpu.memory_space<hbm>>, %arg7: memref<40xi32, #tpu.memory_space<vmem>>, %arg8: memref<40xi32, #tpu.memory_space<vmem>>, %arg9: memref<40x256xf32, #tpu.memory_space<vmem>>, %arg10: memref<!tpu.dma_semaphore, #tpu.memory_space<semaphore_mem>>) attributes {dimension_semantics = [#tpu.dimension_semantics<core_parallel>, #tpu.dimension_semantics<subcore_parallel>], iteration_bounds = array<i64: 2, 16>, scalar_prefetch = 0 : i64, scratch_operands = 4 : i64, tpu.core_type = #tpu.core_type<sc_vector_subcore>, window_params = [{transform_indices = #map}, {transform_indices = #map1}, {transform_indices = #map1}, {transform_indices = #map}, {transform_indices = #map}]} {
    %mul3A = arith.constant 2 : i32
    %mul3A_0 = arith.muli %arg1, %mul3A : i32
    %add3A = arith.addi %mul3A_0, %arg0 : i32
    %mul3A_1 = arith.constant 5000 : i32
    %mul3A_2 = arith.muli %add3A, %mul3A_1 : i32
    %scan3A = arith.constant 0 : i32
    %scan3A_3 = arith.constant 125 : i32
    %scan3A_4 = arith.addi %scan3A, %scan3A_3 : i32
    %scan3A_5 = arith.constant 1 : i32
    scf.for %scan3A_7 = %scan3A to %scan3A_4 step %scan3A_5  : i32 {
      %mul3A_8 = arith.constant 1 : i32
      %mul3A_9 = arith.muli %scan3A_7, %mul3A_8 : i32
      %add3A_10 = arith.constant 0 : i32
      %add3A_11 = arith.addi %add3A_10, %mul3A_9 : i32
      %mul3A_12 = arith.constant 40 : i32
      %mul3A_13 = arith.muli %add3A_11, %mul3A_12 : i32
      %add3A_14 = arith.addi %mul3A_2, %mul3A_13 : i32
      %multiple_of3A = tpu.assume_multiple %add3A_14, 8 : i32
      "tpu.region"() ({
        %run_scoped3A = tpu.sem_alloc : memref<!tpu.dma_semaphore, #tpu.memory_space<semaphore_mem>>
        %dma_start3A_19 = tpu.memref_slice %arg3[%multiple_of3A] : memref<160000xi32, #tpu.memory_space<hbm>> -> memref<40xi32, #tpu.memory_space<hbm>>
        %dma_start3A_20 = tpu.memref_slice %arg3[%multiple_of3A] : memref<160000xi32, #tpu.memory_space<hbm>> -> memref<40xi32, #tpu.memory_space<hbm>>
        tpu.enqueue_dma source(%dma_start3A_20 : memref<40xi32, #tpu.memory_space<hbm>>) target(%arg7 : memref<40xi32, #tpu.memory_space<vmem>>) target_semaphore(%run_scoped3A : memref<!tpu.dma_semaphore, #tpu.memory_space<semaphore_mem>>)
        %dma_wait3A_21 = tpu.memref_slice %arg3[%multiple_of3A] : memref<160000xi32, #tpu.memory_space<hbm>> -> memref<40xi32, #tpu.memory_space<hbm>>
        %dma_wait3A_22 = tpu.memref_slice %arg3[%multiple_of3A] : memref<160000xi32, #tpu.memory_space<hbm>> -> memref<40xi32, #tpu.memory_space<hbm>>
        tpu.wait_dma2 semaphore(%run_scoped3A : memref<!tpu.dma_semaphore, #tpu.memory_space<semaphore_mem>>) src(%dma_wait3A_22 : memref<40xi32, #tpu.memory_space<hbm>>) dst(%arg7 : memref<40xi32, #tpu.memory_space<vmem>>)
        tpu.yield
      }) : () -> ()
      "tpu.region"() ({
        %run_scoped3A = tpu.sem_alloc : memref<!tpu.dma_semaphore, #tpu.memory_space<semaphore_mem>>
        %dma_start3A_19 = tpu.memref_slice %arg4[%multiple_of3A] : memref<160000xi32, #tpu.memory_space<hbm>> -> memref<40xi32, #tpu.memory_space<hbm>>
        %dma_start3A_20 = tpu.memref_slice %arg4[%multiple_of3A] : memref<160000xi32, #tpu.memory_space<hbm>> -> memref<40xi32, #tpu.memory_space<hbm>>
        tpu.enqueue_dma source(%dma_start3A_20 : memref<40xi32, #tpu.memory_space<hbm>>) target(%arg8 : memref<40xi32, #tpu.memory_space<vmem>>) target_semaphore(%run_scoped3A : memref<!tpu.dma_semaphore, #tpu.memory_space<semaphore_mem>>)
        %dma_wait3A_21 = tpu.memref_slice %arg4[%multiple_of3A] : memref<160000xi32, #tpu.memory_space<hbm>> -> memref<40xi32, #tpu.memory_space<hbm>>
        %dma_wait3A_22 = tpu.memref_slice %arg4[%multiple_of3A] : memref<160000xi32, #tpu.memory_space<hbm>> -> memref<40xi32, #tpu.memory_space<hbm>>
        tpu.wait_dma2 semaphore(%run_scoped3A : memref<!tpu.dma_semaphore, #tpu.memory_space<semaphore_mem>>) src(%dma_wait3A_22 : memref<40xi32, #tpu.memory_space<hbm>>) dst(%arg8 : memref<40xi32, #tpu.memory_space<vmem>>)
        tpu.yield
      }) : () -> ()
      %dma_start3A = arith.constant 0 : i32
      %dma_start3A_15 = arith.constant 0 : i32
      %dma_start3A_16 = tpu.memref_slice %arg2[%dma_start3A, %dma_start3A_15] : memref<10000x256xf32, #tpu.memory_space<hbm>> -> memref<10000x256xf32, #tpu.memory_space<hbm>>
      tpu.enqueue_indirect_dma source(%dma_start3A_16 : memref<10000x256xf32, #tpu.memory_space<hbm>>) target(%arg9 : memref<40x256xf32, #tpu.memory_space<vmem>>) offsets(%arg7 : memref<40xi32, #tpu.memory_space<vmem>>) semaphore(%arg10 : memref<!tpu.dma_semaphore, #tpu.memory_space<semaphore_mem>>)
      %dma_wait3A = arith.constant 0 : i32
      %dma_wait3A_17 = arith.constant 0 : i32
      %dma_wait3A_18 = tpu.memref_slice %arg2[%dma_wait3A, %dma_wait3A_17] : memref<10000x256xf32, #tpu.memory_space<hbm>> -> memref<10000x256xf32, #tpu.memory_space<hbm>>
      tpu.wait_indirect_dma semaphore(%arg10 : memref<!tpu.dma_semaphore, #tpu.memory_space<semaphore_mem>>) src(%dma_wait3A_18 : memref<10000x256xf32, #tpu.memory_space<hbm>>) dst(%arg9 : memref<40x256xf32, #tpu.memory_space<vmem>>)
      "tpu.region"() ({
        %run_scoped3A = tpu.sem_alloc : memref<!tpu.dma_semaphore, #tpu.memory_space<semaphore_mem>>
        %dma_start3A_19 = arith.constant 0 : i32
        %dma_start3A_20 = arith.constant 0 : i32
        %dma_start3A_21 = tpu.memref_slice %arg5[%dma_start3A_19, %dma_start3A_20] : memref<10000x256xf32, #tpu.memory_space<hbm>> -> memref<10000x256xf32, #tpu.memory_space<hbm>>
        tpu.enqueue_indirect_dma source(%arg9 : memref<40x256xf32, #tpu.memory_space<vmem>>) target(%dma_start3A_21 : memref<10000x256xf32, #tpu.memory_space<hbm>>) offsets(%arg8 : memref<40xi32, #tpu.memory_space<vmem>>) semaphore(%run_scoped3A : memref<!tpu.dma_semaphore, #tpu.memory_space<semaphore_mem>>) {add = true}
        %dma_wait3A_22 = arith.constant 0 : i32
        %dma_wait3A_23 = arith.constant 0 : i32
        %dma_wait3A_24 = tpu.memref_slice %arg5[%dma_wait3A_22, %dma_wait3A_23] : memref<10000x256xf32, #tpu.memory_space<hbm>> -> memref<10000x256xf32, #tpu.memory_space<hbm>>
        tpu.wait_indirect_dma semaphore(%run_scoped3A : memref<!tpu.dma_semaphore, #tpu.memory_space<semaphore_mem>>) src(%arg9 : memref<40x256xf32, #tpu.memory_space<vmem>>) dst(%dma_wait3A_24 : memref<10000x256xf32, #tpu.memory_space<hbm>>)
        tpu.yield
      }) : () -> ()
    }
    %scan3A_6 = arith.constant 125 : i32
    return
  }
}

module attributes {stable_mosaic.version = 14 : i64} {
  func.func @_tc_layer_body(%arg0: memref<10000x256xf32, #tpu.memory_space<vmem>>, %arg1: memref<256x256xf32, #tpu.memory_space<vmem>>, %arg2: memref<1x256xf32, #tpu.memory_space<vmem>>, %arg3: memref<256x256xf32, #tpu.memory_space<vmem>>, %arg4: memref<1x256xf32, #tpu.memory_space<vmem>>, %arg5: memref<10000x256xf32, #tpu.memory_space<vmem>>) attributes {dimension_semantics = [], scalar_prefetch = 0 : i64, scratch_operands = 0 : i64, tpu.core_type = #tpu.core_type<tc>} {
    %get3A = arith.constant 0 : index
    %get3A_0 = arith.constant 0 : index
    %get3A_1 = vector.load %arg0[%get3A, %get3A_0] : memref<10000x256xf32, #tpu.memory_space<vmem>>, vector<10000x256xf32>
    %get3A_2 = arith.constant 0 : index
    %get3A_3 = arith.constant 0 : index
    %get3A_4 = vector.load %arg1[%get3A_2, %get3A_3] : memref<256x256xf32, #tpu.memory_space<vmem>>, vector<256x256xf32>
    %dot_general3A = arith.constant dense<0.000000e+00> : vector<10000x256xf32>
    %dot_general3A_5 = tpu.matmul %get3A_1, %get3A_4, %dot_general3A {dimension_numbers = #tpu.dot_dimension_numbers<[1], [0], [0], [1], [0, 0, 1, 1], [], []>, transpose_lhs_hint = false} : vector<10000x256xf32>, vector<256x256xf32>, vector<10000x256xf32> -> vector<10000x256xf32>
    %get3A_6 = arith.constant 0 : index
    %get3A_7 = arith.constant 0 : index
    %get3A_8 = vector.load %arg2[%get3A_6, %get3A_7] : memref<1x256xf32, #tpu.memory_space<vmem>>, vector<1x256xf32>
    %add3A = vector.broadcast %get3A_8 : vector<1x256xf32> to vector<10000x256xf32>
    %add3A_9 = arith.addf %dot_general3A_5, %add3A : vector<10000x256xf32>
    %mul3A = arith.constant 5.000000e-01 : f32
    %mul3A_10 = vector.broadcast %mul3A : f32 to vector<10000x256xf32>
    %mul3A_11 = arith.mulf %mul3A_10, %add3A_9 : vector<10000x256xf32>
    %mul3A_12 = arith.constant 0.707106769 : f32
    %mul3A_13 = vector.broadcast %mul3A_12 : f32 to vector<10000x256xf32>
    %mul3A_14 = arith.mulf %add3A_9, %mul3A_13 : vector<10000x256xf32>
    %erf3A = math.erf %mul3A_14 : vector<10000x256xf32>
    %add3A_15 = arith.constant 1.000000e+00 : f32
    %add3A_16 = vector.broadcast %add3A_15 : f32 to vector<10000x256xf32>
    %add3A_17 = arith.addf %add3A_16, %erf3A : vector<10000x256xf32>
    %mul3A_18 = arith.mulf %mul3A_11, %add3A_17 : vector<10000x256xf32>
    %get3A_19 = arith.constant 0 : index
    %get3A_20 = arith.constant 0 : index
    %get3A_21 = vector.load %arg3[%get3A_19, %get3A_20] : memref<256x256xf32, #tpu.memory_space<vmem>>, vector<256x256xf32>
    %dot_general3A_22 = arith.constant dense<0.000000e+00> : vector<10000x256xf32>
    %dot_general3A_23 = tpu.matmul %mul3A_18, %get3A_21, %dot_general3A_22 {dimension_numbers = #tpu.dot_dimension_numbers<[1], [0], [0], [1], [0, 0, 1, 1], [], []>, transpose_lhs_hint = false} : vector<10000x256xf32>, vector<256x256xf32>, vector<10000x256xf32> -> vector<10000x256xf32>
    %get3A_24 = arith.constant 0 : index
    %get3A_25 = arith.constant 0 : index
    %get3A_26 = vector.load %arg4[%get3A_24, %get3A_25] : memref<1x256xf32, #tpu.memory_space<vmem>>, vector<1x256xf32>
    %add3A_27 = vector.broadcast %get3A_26 : vector<1x256xf32> to vector<10000x256xf32>
    %add3A_28 = arith.addf %dot_general3A_23, %add3A_27 : vector<10000x256xf32>
    %reduce_sum3A = arith.constant dense<0.000000e+00> : vector<256xf32>
    %reduce_sum3A_29 = vector.multi_reduction <add>, %add3A_28, %reduce_sum3A [0] : vector<10000x256xf32> to vector<256xf32>
    %broadcast_in_dim3A = vector.shape_cast %reduce_sum3A_29 : vector<256xf32> to vector<1x256xf32>
    %mul3A_30 = arith.constant 9.99999974E-5 : f32
    %mul3A_31 = vector.broadcast %mul3A_30 : f32 to vector<1x256xf32>
    %mul3A_32 = arith.mulf %broadcast_in_dim3A, %mul3A_31 : vector<1x256xf32>
    %sub3A = vector.broadcast %mul3A_32 : vector<1x256xf32> to vector<10000x256xf32>
    %sub3A_33 = arith.subf %add3A_28, %sub3A : vector<10000x256xf32>
    %mul3A_34 = arith.mulf %sub3A_33, %sub3A_33 : vector<10000x256xf32>
    %reduce_sum3A_35 = vector.shape_cast %mul3A_34 : vector<10000x256xf32> to vector<1x10000x256xf32>
    %reduce_sum3A_36 = arith.constant dense<0.000000e+00> : vector<1xf32>
    %reduce_sum3A_37 = vector.multi_reduction <add>, %reduce_sum3A_35, %reduce_sum3A_36 [1, 2] : vector<1x10000x256xf32> to vector<1xf32>
    %reduce_sum3A_38 = vector.shape_cast %reduce_sum3A_37 : vector<1xf32> to vector<1x1x1xf32>
    %reduce_sum3A_39 = vector.extract %reduce_sum3A_38[0, 0, 0] : f32 from vector<1x1x1xf32>
    %mul3A_40 = arith.constant 9.99999974E-5 : f32
    %mul3A_41 = arith.mulf %reduce_sum3A_39, %mul3A_40 : f32
    %add3A_42 = arith.constant 9.99999974E-6 : f32
    %add3A_43 = arith.addf %add3A_42, %mul3A_41 : f32
    %rsqrt3A = math.rsqrt %add3A_43 : f32
    %mul3A_44 = arith.constant 2.560000e+02 : f32
    %mul3A_45 = arith.mulf %mul3A_44, %rsqrt3A : f32
    %mul3A_46 = vector.broadcast %mul3A_45 : f32 to vector<10000x256xf32>
    %mul3A_47 = arith.mulf %sub3A_33, %mul3A_46 : vector<10000x256xf32>
    %mul3A_48 = arith.constant 5.000000e-01 : f32
    %mul3A_49 = vector.broadcast %mul3A_48 : f32 to vector<10000x256xf32>
    %mul3A_50 = arith.mulf %mul3A_49, %mul3A_47 : vector<10000x256xf32>
    %mul3A_51 = arith.constant 0.707106769 : f32
    %mul3A_52 = vector.broadcast %mul3A_51 : f32 to vector<10000x256xf32>
    %mul3A_53 = arith.mulf %mul3A_47, %mul3A_52 : vector<10000x256xf32>
    %erf3A_54 = math.erf %mul3A_53 : vector<10000x256xf32>
    %add3A_55 = arith.constant 1.000000e+00 : f32
    %add3A_56 = vector.broadcast %add3A_55 : f32 to vector<10000x256xf32>
    %add3A_57 = arith.addf %add3A_56, %erf3A_54 : vector<10000x256xf32>
    %mul3A_58 = arith.mulf %mul3A_50, %add3A_57 : vector<10000x256xf32>
    %swap3A = arith.constant 0 : index
    %swap3A_59 = arith.constant 0 : index
    %swap3A_60 = vector.load %arg5[%swap3A, %swap3A_59] : memref<10000x256xf32, #tpu.memory_space<vmem>>, vector<10000x256xf32>
    tpu.vector_store %arg5[%swap3A, %swap3A_59], %mul3A_58 {strides = array<i32>} : memref<10000x256xf32, #tpu.memory_space<vmem>>, vector<10000x256xf32>,
    return
  }
}

module attributes {stable_mosaic.version = 14 : i64} {
  func.func @_tc_jk_body(%arg0: i32, %arg1: memref<1000x256xf32, #tpu.memory_space<vmem>>, %arg2: memref<1000x256xf32, #tpu.memory_space<vmem>>, %arg3: memref<1000x256xf32, #tpu.memory_space<vmem>>, %arg4: memref<1000x256xf32, #tpu.memory_space<vmem>>, %arg5: memref<1000x256xf32, #tpu.memory_space<vmem>>, %arg6: memref<1000x256xf32, #tpu.memory_space<vmem>>, %arg7: memref<1000x256xf32, #tpu.memory_space<vmem>>, %arg8: memref<1000x256xf32, #tpu.memory_space<vmem>>, %arg9: memref<1000x256xf32, #tpu.memory_space<vmem>>, %arg10: memref<1000x256xf32, #tpu.memory_space<vmem>>, %arg11: memref<10x256x256xf32, #tpu.memory_space<vmem>>, %arg12: memref<1x256xf32, #tpu.memory_space<vmem>>, %arg13: memref<1000x256xf32, #tpu.memory_space<vmem>>) attributes {dimension_semantics = [#tpu.dimension_semantics<arbitrary>], iteration_bounds = array<i64: 10>, scalar_prefetch = 0 : i64, scratch_operands = 0 : i64, tpu.core_type = #tpu.core_type<tc>, window_params = [{transform_indices = @transform_0, window_bounds = array<i64: 1000, 256>}, {transform_indices = @transform_1, window_bounds = array<i64: 1000, 256>}, {transform_indices = @transform_2, window_bounds = array<i64: 1000, 256>}, {transform_indices = @transform_3, window_bounds = array<i64: 1000, 256>}, {transform_indices = @transform_4, window_bounds = array<i64: 1000, 256>}, {transform_indices = @transform_5, window_bounds = array<i64: 1000, 256>}, {transform_indices = @transform_6, window_bounds = array<i64: 1000, 256>}, {transform_indices = @transform_7, window_bounds = array<i64: 1000, 256>}, {transform_indices = @transform_8, window_bounds = array<i64: 1000, 256>}, {transform_indices = @transform_9, window_bounds = array<i64: 1000, 256>}, {pipeline_mode = #tpu.pipeline_mode<synchronous>, transform_indices = @transform_10, window_bounds = array<i64: 10, 256, 256>}, {pipeline_mode = #tpu.pipeline_mode<synchronous>, transform_indices = @transform_11, window_bounds = array<i64: 1, 256>}, {transform_indices = @transform_12, window_bounds = array<i64: 1000, 256>}]} {
    %get3A = arith.constant 0 : index
    %get3A_0 = arith.constant 0 : index
    %get3A_1 = vector.load %arg12[%get3A, %get3A_0] : memref<1x256xf32, #tpu.memory_space<vmem>>, vector<1x256xf32>
    %get3A_2 = vector.shape_cast %get3A_1 : vector<1x256xf32> to vector<256xf32>
    %broadcast_in_dim3A = vector.shape_cast %get3A_2 : vector<256xf32> to vector<1x256xf32>
    %broadcast_in_dim3A_3 = vector.broadcast %broadcast_in_dim3A : vector<1x256xf32> to vector<1000x256xf32>
    %get3A_4 = arith.constant 0 : index
    %get3A_5 = arith.constant 0 : index
    %get3A_6 = vector.load %arg1[%get3A_4, %get3A_5] : memref<1000x256xf32, #tpu.memory_space<vmem>>, vector<1000x256xf32>
    %get3A_7 = arith.constant 0 : index
    %get3A_8 = arith.constant 0 : index
    %get3A_9 = arith.constant 0 : index
    %get3A_10 = vector.load %arg11[%get3A_7, %get3A_8, %get3A_9] : memref<10x256x256xf32, #tpu.memory_space<vmem>>, vector<1x256x256xf32>
    %get3A_11 = vector.shape_cast %get3A_10 : vector<1x256x256xf32> to vector<256x256xf32>
    %dot_general3A = arith.constant dense<0.000000e+00> : vector<1000x256xf32>
    %dot_general3A_12 = tpu.matmul %get3A_6, %get3A_11, %dot_general3A {dimension_numbers = #tpu.dot_dimension_numbers<[1], [0], [0], [1], [0, 0, 1, 1], [], []>, transpose_lhs_hint = false} : vector<1000x256xf32>, vector<256x256xf32>, vector<1000x256xf32> -> vector<1000x256xf32>
    %add3A = arith.addf %broadcast_in_dim3A_3, %dot_general3A_12 : vector<1000x256xf32>
    %get3A_13 = arith.constant 0 : index
    %get3A_14 = arith.constant 0 : index
    %get3A_15 = vector.load %arg2[%get3A_13, %get3A_14] : memref<1000x256xf32, #tpu.memory_space<vmem>>, vector<1000x256xf32>
    %get3A_16 = arith.constant 1 : index
    %get3A_17 = arith.constant 0 : index
    %get3A_18 = arith.constant 0 : index
    %get3A_19 = vector.load %arg11[%get3A_16, %get3A_17, %get3A_18] : memref<10x256x256xf32, #tpu.memory_space<vmem>>, vector<1x256x256xf32>
    %get3A_20 = vector.shape_cast %get3A_19 : vector<1x256x256xf32> to vector<256x256xf32>
    %dot_general3A_21 = arith.constant dense<0.000000e+00> : vector<1000x256xf32>
    %dot_general3A_22 = tpu.matmul %get3A_15, %get3A_20, %dot_general3A_21 {dimension_numbers = #tpu.dot_dimension_numbers<[1], [0], [0], [1], [0, 0, 1, 1], [], []>, transpose_lhs_hint = false} : vector<1000x256xf32>, vector<256x256xf32>, vector<1000x256xf32> -> vector<1000x256xf32>
    %add3A_23 = arith.addf %add3A, %dot_general3A_22 : vector<1000x256xf32>
    %get3A_24 = arith.constant 0 : index
    %get3A_25 = arith.constant 0 : index
    %get3A_26 = vector.load %arg3[%get3A_24, %get3A_25] : memref<1000x256xf32, #tpu.memory_space<vmem>>, vector<1000x256xf32>
    %get3A_27 = arith.constant 2 : index
    %get3A_28 = arith.constant 0 : index
    %get3A_29 = arith.constant 0 : index
    %get3A_30 = vector.load %arg11[%get3A_27, %get3A_28, %get3A_29] : memref<10x256x256xf32, #tpu.memory_space<vmem>>, vector<1x256x256xf32>
    %get3A_31 = vector.shape_cast %get3A_30 : vector<1x256x256xf32> to vector<256x256xf32>
    %dot_general3A_32 = arith.constant dense<0.000000e+00> : vector<1000x256xf32>
    %dot_general3A_33 = tpu.matmul %get3A_26, %get3A_31, %dot_general3A_32 {dimension_numbers = #tpu.dot_dimension_numbers<[1], [0], [0], [1], [0, 0, 1, 1], [], []>, transpose_lhs_hint = false} : vector<1000x256xf32>, vector<256x256xf32>, vector<1000x256xf32> -> vector<1000x256xf32>
    %add3A_34 = arith.addf %add3A_23, %dot_general3A_33 : vector<1000x256xf32>
    %get3A_35 = arith.constant 0 : index
    %get3A_36 = arith.constant 0 : index
    %get3A_37 = vector.load %arg4[%get3A_35, %get3A_36] : memref<1000x256xf32, #tpu.memory_space<vmem>>, vector<1000x256xf32>
    %get3A_38 = arith.constant 3 : index
    %get3A_39 = arith.constant 0 : index
    %get3A_40 = arith.constant 0 : index
    %get3A_41 = vector.load %arg11[%get3A_38, %get3A_39, %get3A_40] : memref<10x256x256xf32, #tpu.memory_space<vmem>>, vector<1x256x256xf32>
    %get3A_42 = vector.shape_cast %get3A_41 : vector<1x256x256xf32> to vector<256x256xf32>
    %dot_general3A_43 = arith.constant dense<0.000000e+00> : vector<1000x256xf32>
    %dot_general3A_44 = tpu.matmul %get3A_37, %get3A_42, %dot_general3A_43 {dimension_numbers = #tpu.dot_dimension_numbers<[1], [0], [0], [1], [0, 0, 1, 1], [], []>, transpose_lhs_hint = false} : vector<1000x256xf32>, vector<256x256xf32>, vector<1000x256xf32> -> vector<1000x256xf32>
    %add3A_45 = arith.addf %add3A_34, %dot_general3A_44 : vector<1000x256xf32>
    %get3A_46 = arith.constant 0 : index
    %get3A_47 = arith.constant 0 : index
    %get3A_48 = vector.load %arg5[%get3A_46, %get3A_47] : memref<1000x256xf32, #tpu.memory_space<vmem>>, vector<1000x256xf32>
    %get3A_49 = arith.constant 4 : index
    %get3A_50 = arith.constant 0 : index
    %get3A_51 = arith.constant 0 : index
    %get3A_52 = vector.load %arg11[%get3A_49, %get3A_50, %get3A_51] : memref<10x256x256xf32, #tpu.memory_space<vmem>>, vector<1x256x256xf32>
    %get3A_53 = vector.shape_cast %get3A_52 : vector<1x256x256xf32> to vector<256x256xf32>
    %dot_general3A_54 = arith.constant dense<0.000000e+00> : vector<1000x256xf32>
    %dot_general3A_55 = tpu.matmul %get3A_48, %get3A_53, %dot_general3A_54 {dimension_numbers = #tpu.dot_dimension_numbers<[1], [0], [0], [1], [0, 0, 1, 1], [], []>, transpose_lhs_hint = false} : vector<1000x256xf32>, vector<256x256xf32>, vector<1000x256xf32> -> vector<1000x256xf32>
    %add3A_56 = arith.addf %add3A_45, %dot_general3A_55 : vector<1000x256xf32>
    %get3A_57 = arith.constant 0 : index
    %get3A_58 = arith.constant 0 : index
    %get3A_59 = vector.load %arg6[%get3A_57, %get3A_58] : memref<1000x256xf32, #tpu.memory_space<vmem>>, vector<1000x256xf32>
    %get3A_60 = arith.constant 5 : index
    %get3A_61 = arith.constant 0 : index
    %get3A_62 = arith.constant 0 : index
    %get3A_63 = vector.load %arg11[%get3A_60, %get3A_61, %get3A_62] : memref<10x256x256xf32, #tpu.memory_space<vmem>>, vector<1x256x256xf32>
    %get3A_64 = vector.shape_cast %get3A_63 : vector<1x256x256xf32> to vector<256x256xf32>
    %dot_general3A_65 = arith.constant dense<0.000000e+00> : vector<1000x256xf32>
    %dot_general3A_66 = tpu.matmul %get3A_59, %get3A_64, %dot_general3A_65 {dimension_numbers = #tpu.dot_dimension_numbers<[1], [0], [0], [1], [0, 0, 1, 1], [], []>, transpose_lhs_hint = false} : vector<1000x256xf32>, vector<256x256xf32>, vector<1000x256xf32> -> vector<1000x256xf32>
    %add3A_67 = arith.addf %add3A_56, %dot_general3A_66 : vector<1000x256xf32>
    %get3A_68 = arith.constant 0 : index
    %get3A_69 = arith.constant 0 : index
    %get3A_70 = vector.load %arg7[%get3A_68, %get3A_69] : memref<1000x256xf32, #tpu.memory_space<vmem>>, vector<1000x256xf32>
    %get3A_71 = arith.constant 6 : index
    %get3A_72 = arith.constant 0 : index
    %get3A_73 = arith.constant 0 : index
    %get3A_74 = vector.load %arg11[%get3A_71, %get3A_72, %get3A_73] : memref<10x256x256xf32, #tpu.memory_space<vmem>>, vector<1x256x256xf32>
    %get3A_75 = vector.shape_cast %get3A_74 : vector<1x256x256xf32> to vector<256x256xf32>
    %dot_general3A_76 = arith.constant dense<0.000000e+00> : vector<1000x256xf32>
    %dot_general3A_77 = tpu.matmul %get3A_70, %get3A_75, %dot_general3A_76 {dimension_numbers = #tpu.dot_dimension_numbers<[1], [0], [0], [1], [0, 0, 1, 1], [], []>, transpose_lhs_hint = false} : vector<1000x256xf32>, vector<256x256xf32>, vector<1000x256xf32> -> vector<1000x256xf32>
    %add3A_78 = arith.addf %add3A_67, %dot_general3A_77 : vector<1000x256xf32>
    %get3A_79 = arith.constant 0 : index
    %get3A_80 = arith.constant 0 : index
    %get3A_81 = vector.load %arg8[%get3A_79, %get3A_80] : memref<1000x256xf32, #tpu.memory_space<vmem>>, vector<1000x256xf32>
    %get3A_82 = arith.constant 7 : index
    %get3A_83 = arith.constant 0 : index
    %get3A_84 = arith.constant 0 : index
    %get3A_85 = vector.load %arg11[%get3A_82, %get3A_83, %get3A_84] : memref<10x256x256xf32, #tpu.memory_space<vmem>>, vector<1x256x256xf32>
    %get3A_86 = vector.shape_cast %get3A_85 : vector<1x256x256xf32> to vector<256x256xf32>
    %dot_general3A_87 = arith.constant dense<0.000000e+00> : vector<1000x256xf32>
    %dot_general3A_88 = tpu.matmul %get3A_81, %get3A_86, %dot_general3A_87 {dimension_numbers = #tpu.dot_dimension_numbers<[1], [0], [0], [1], [0, 0, 1, 1], [], []>, transpose_lhs_hint = false} : vector<1000x256xf32>, vector<256x256xf32>, vector<1000x256xf32> -> vector<1000x256xf32>
    %add3A_89 = arith.addf %add3A_78, %dot_general3A_88 : vector<1000x256xf32>
    %get3A_90 = arith.constant 0 : index
    %get3A_91 = arith.constant 0 : index
    %get3A_92 = vector.load %arg9[%get3A_90, %get3A_91] : memref<1000x256xf32, #tpu.memory_space<vmem>>, vector<1000x256xf32>
    %get3A_93 = arith.constant 8 : index
    %get3A_94 = arith.constant 0 : index
    %get3A_95 = arith.constant 0 : index
    %get3A_96 = vector.load %arg11[%get3A_93, %get3A_94, %get3A_95] : memref<10x256x256xf32, #tpu.memory_space<vmem>>, vector<1x256x256xf32>
    %get3A_97 = vector.shape_cast %get3A_96 : vector<1x256x256xf32> to vector<256x256xf32>
    %dot_general3A_98 = arith.constant dense<0.000000e+00> : vector<1000x256xf32>
    %dot_general3A_99 = tpu.matmul %get3A_92, %get3A_97, %dot_general3A_98 {dimension_numbers = #tpu.dot_dimension_numbers<[1], [0], [0], [1], [0, 0, 1, 1], [], []>, transpose_lhs_hint = false} : vector<1000x256xf32>, vector<256x256xf32>, vector<1000x256xf32> -> vector<1000x256xf32>
    %add3A_100 = arith.addf %add3A_89, %dot_general3A_99 : vector<1000x256xf32>
    %get3A_101 = arith.constant 0 : index
    %get3A_102 = arith.constant 0 : index
    %get3A_103 = vector.load %arg10[%get3A_101, %get3A_102] : memref<1000x256xf32, #tpu.memory_space<vmem>>, vector<1000x256xf32>
    %get3A_104 = arith.constant 9 : index
    %get3A_105 = arith.constant 0 : index
    %get3A_106 = arith.constant 0 : index
    %get3A_107 = vector.load %arg11[%get3A_104, %get3A_105, %get3A_106] : memref<10x256x256xf32, #tpu.memory_space<vmem>>, vector<1x256x256xf32>
    %get3A_108 = vector.shape_cast %get3A_107 : vector<1x256x256xf32> to vector<256x256xf32>
    %dot_general3A_109 = arith.constant dense<0.000000e+00> : vector<1000x256xf32>
    %dot_general3A_110 = tpu.matmul %get3A_103, %get3A_108, %dot_general3A_109 {dimension_numbers = #tpu.dot_dimension_numbers<[1], [0], [0], [1], [0, 0, 1, 1], [], []>, transpose_lhs_hint = false} : vector<1000x256xf32>, vector<256x256xf32>, vector<1000x256xf32> -> vector<1000x256xf32>
    %add3A_111 = arith.addf %add3A_100, %dot_general3A_110 : vector<1000x256xf32>
    %tanh3A = math.tanh %add3A_111 : vector<1000x256xf32>
    %swap3A = arith.constant 0 : index
    %swap3A_112 = arith.constant 0 : index
    %swap3A_113 = vector.load %arg13[%swap3A, %swap3A_112] : memref<1000x256xf32, #tpu.memory_space<vmem>>, vector<1000x256xf32>
    tpu.vector_store %arg13[%swap3A, %swap3A_112], %tanh3A {strides = array<i32>} : memref<1000x256xf32, #tpu.memory_space<vmem>>, vector<1000x256xf32>,
    return
  }
  func.func @transform_0(%arg0: i32) -> (i32, i32) {
    %c0_i32 = arith.constant 0 : i32
    %c0_i32_0 = arith.constant 0 : i32
    return %arg0, %c0_i32 : i32, i32
  }
  func.func @transform_1(%arg0: i32) -> (i32, i32) {
    %c0_i32 = arith.constant 0 : i32
    %c0_i32_0 = arith.constant 0 : i32
    return %arg0, %c0_i32 : i32, i32
  }
  func.func @transform_2(%arg0: i32) -> (i32, i32) {
    %c0_i32 = arith.constant 0 : i32
    %c0_i32_0 = arith.constant 0 : i32
    return %arg0, %c0_i32 : i32, i32
  }
  func.func @transform_3(%arg0: i32) -> (i32, i32) {
    %c0_i32 = arith.constant 0 : i32
    %c0_i32_0 = arith.constant 0 : i32
    return %arg0, %c0_i32 : i32, i32
  }
  func.func @transform_4(%arg0: i32) -> (i32, i32) {
    %c0_i32 = arith.constant 0 : i32
    %c0_i32_0 = arith.constant 0 : i32
    return %arg0, %c0_i32 : i32, i32
  }
  func.func @transform_5(%arg0: i32) -> (i32, i32) {
    %c0_i32 = arith.constant 0 : i32
    %c0_i32_0 = arith.constant 0 : i32
    return %arg0, %c0_i32 : i32, i32
  }
  func.func @transform_6(%arg0: i32) -> (i32, i32) {
    %c0_i32 = arith.constant 0 : i32
    %c0_i32_0 = arith.constant 0 : i32
    return %arg0, %c0_i32 : i32, i32
  }
  func.func @transform_7(%arg0: i32) -> (i32, i32) {
    %c0_i32 = arith.constant 0 : i32
    %c0_i32_0 = arith.constant 0 : i32
    return %arg0, %c0_i32 : i32, i32
  }
  func.func @transform_8(%arg0: i32) -> (i32, i32) {
    %c0_i32 = arith.constant 0 : i32
    %c0_i32_0 = arith.constant 0 : i32
    return %arg0, %c0_i32 : i32, i32
  }
  func.func @transform_9(%arg0: i32) -> (i32, i32) {
    %c0_i32 = arith.constant 0 : i32
    %c0_i32_0 = arith.constant 0 : i32
    return %arg0, %c0_i32 : i32, i32
  }
  func.func @transform_10(%arg0: i32) -> (i32, i32, i32) {
    %c0_i32 = arith.constant 0 : i32
    %c0_i32_0 = arith.constant 0 : i32
    %c0_i32_1 = arith.constant 0 : i32
    %c0_i32_2 = arith.constant 0 : i32
    return %c0_i32, %c0_i32_0, %c0_i32_1 : i32, i32, i32
  }
  func.func @transform_11(%arg0: i32) -> (i32, i32) {
    %c0_i32 = arith.constant 0 : i32
    %c0_i32_0 = arith.constant 0 : i32
    %c0_i32_1 = arith.constant 0 : i32
    return %c0_i32, %c0_i32_0 : i32, i32
  }
  func.func @transform_12(%arg0: i32) -> (i32, i32) {
    %c0_i32 = arith.constant 0 : i32
    %c0_i32_0 = arith.constant 0 : i32
    return %arg0, %c0_i32 : i32, i32
  }
}

</mosaic_0001>

<sc_bundles>
// kernel: kernel.23.cloned.1.call-start
scs
__scs_entry_jumppad:
0x0: {  	(pc) =	sbr.rel $0x88, $3  }
0x1: {  	(tag) =	ssettag $0x0;
	lr =	simm.s32 $0x1  }
0x2: {  	[smem:$0x3F75] =	sst lr;
	_ =	strace $0xD0000000  }
0x3: {  	_ = 	snop  }
0x4: {  	_ = 	snop  }
0x5: {  	_ = 	snop  }
0x6: {  	_ = 	snop  }
0x7: {  	_ = 	snop  }
__scs_overlays_trampoline_lowered:
0x8: {  	[smem:$0x3F84] =	sst s0  }
0x9: {  	[smem:$0x3F85] =	sst s1  }
0xa: {  	[smem:$0x3F86] =	sst s2  }
0xb: {  	[smem:$0x3F87] =	sst s3  }
0xc: {  	[smem:$0x3F88] =	sst s4  }
0xd: {  	[smem:$0x3F89] =	sst s5  }
0xe: {  	[smem:$0x3F8A] =	sst s6  }
0xf: {  	[smem:$0x3F8B] =	sst s7  }
0x10: {  	[smem:$0x3F8C] =	sst s8  }
0x11: {  	[smem:$0x3F8D] =	sst s9;
	s0 =	simm.s32 @!p0 $0x0  }
0x12: {  	s1 =	sld [smem:$0x3F73];
	s0 =	simm.s32 @p0 $0x1  }
0x13: {  	[smem:$0x3F8E] =	sst s0;
	s0 =	simm.s32 @!p1 $0x0  }
0x14: {  	s2 =	sld [smem:$0x3F72];
	s0 =	simm.s32 @p1 $0x1  }
0x15: {  	[smem:$0x3F8F] =	sst s0;
	s0 =	simm.s32 @!p2 $0x0  }
0x16: {  	s3 =	sld [smem:$0x3FDB];
	s0 =	simm.s32 @p2 $0x1  }
0x17: {  	s4 =	simm.s32 $0x1BF5;
	[smem:$0x3F91] =	sst s0  }
0x18: {  	s0 =	sld [smem:$0x3F74];
	_ =	swait.ge [sflag:s4], $0x0  }
0x19: {  	s7 =	sld [smem:$0x3F75]  }
0x1a: {  	s8 =	sadd.s32 $0xFFFFE003, lr  }
0x1b: {  	s9 =	sadd.s32 $0xFFFFFEF7, lr;
	s5 =	simm.s32 $0xFFFFFFFF;
	p2 =	slt.u32 s8, $0xFFFFF086  }
0x1c: {  	p1 =	slt.u32 s9, $0xF7A;
	s5 =	simm.s32 @!p2 $0x0  }
0x1d: {  	s5 =	simm.s32 @p1 $0x1;
	p0 =	seq.s32 s7, s2  }
0x1e: {  	s7 =	smul.u32 @!p0 $0xF7A, s2;
	p2 =	seq.s32 @!p0 s5, $0x0  }
0x1f: {  	s9 =	smul.u32 $0xF7A, s1;
	s8 =	simm.s32 @!p0 $0x1BF5;
	p2 =	por !p2, p0  }
0x20: {  	[sflag:s8] =	ssyncset.s32 @!p0 $0xFFFFF086;
	s6 =	sadd.s32 @!p0 s3, s7;
	s7 =	simm.s32 @!p0 $0x108  }
0x21: {  	s3 =	sadd.s32 s3, s9;
	s6 =	sadd.s32 @!p0 $0x88, s6;
	s7 =	simm.s32 @p2 $0x1082  }
0x22: {  	[simem:s7], [sflag:s8] =	dma.local @!p0 [hbm:s6], $0xF7A  }
0x23: {  	s9 =	sor.u32 $0xD0000000, s2;
	s6 =	simm.s32 $0x108;
	_ =	swait.ge @!p0 [sflag:s8], $0x0  }
0x24: {  	s3 =	sadd.s32 $0x88, s3;
	s6 =	simm.s32 @!p1 $0x1082;
	[sflag:s4] =	ssyncset.s32 $0xFFFFF086  }
0x25: {  	[simem:s6], [sflag:s4] =	dma.local [hbm:s3], $0xF7A  }
0x26: {  	[smem:$0x3F75] =	sst s1;
	(tag) =	ssettag s2;
	_ =	strace s9  }
0x27: {  	s1 =	sld [smem:$0x3F85]  }
0x28: {  	s2 =	sld [smem:$0x3F86]  }
0x29: {  	s4 =	sld [smem:$0x3F88]  }
0x2a: {  	p0 =	seq.s32 s5, $0x0;
	s5 =	sld [smem:$0x3F89]  }
0x2b: {  	s6 =	sld [smem:$0x3F8A]  }
0x2c: {  	s7 =	sld [smem:$0x3F8B]  }
0x2d: {  	s3 =	simm.s32 $0x108;
	s8 =	sld [smem:$0x3F8C]  }
0x2e: {  	s3 =	simm.s32 @!p0 $0x1082;
	s9 =	sld [smem:$0x3F8D]  }
0x2f: {  	lr =	sadd.s32 s0, s3;
	s0 =	sld [smem:$0x3F84]  }
0x30: {  	s3 =	sld [smem:$0x3F87]  }
0x31: {  	[smem:$0x3F90] =	sst s10  }
0x32: {  	s10 =	sld [smem:$0x3F8E];
	_ =	sdelay $0x3  }
0x33: {  	p0 =	seq.s32 s10, $0x1;
	s10 =	sld [smem:$0x3F90];
	_ =	sdelay $0x3  }
0x34: {  	[smem:$0x3F90] =	sst s10  }
0x35: {  	s10 =	sld [smem:$0x3F8F];
	_ =	sdelay $0x3  }
0x36: {  	p1 =	seq.s32 s10, $0x1;
	s10 =	sld [smem:$0x3F90];
	_ =	sdelay $0x3  }
0x37: {  	[smem:$0x3F90] =	sst s10  }
0x38: {  	s10 =	sld [smem:$0x3F91]  }
0x39: {  	_ = 	snop;
	(pc) =	sbr.ind lr, $3  }
0x3a: {  	_ = 	snop  }
0x3b: {  	_ = 	snop  }
0x3c: {  	p2 =	seq.s32 s10, $0x1;
	s10 =	sld [smem:$0x3F90]  }
0x3d: {  	_ =	shalt  }
0x3e: {  	_ =	shalt  }
0x3f: {  	_ =	shalt  }
0x40: {  	_ =	shalt  }
0x41: {  	_ =	shalt  }
0x42: {  	_ =	shalt  }
0x43: {  	_ =	shalt  }
0x44: {  	_ =	shalt  }
0x45: {  	_ =	shalt  }
0x46: {  	_ =	shalt  }
0x47: {  	_ =	shalt  }
0x48: {  	_ =	shalt  }
0x49: {  	_ =	shalt  }
0x4a: {  	_ =	shalt  }
0x4b: {  	_ =	shalt  }
0x4c: {  	_ =	shalt  }
0x4d: {  	_ =	shalt  }
0x4e: {  	_ =	shalt  }
0x4f: {  	_ =	shalt  }
0x50: {  	_ =	shalt  }
0x51: {  	_ =	shalt  }
0x52: {  	_ =	shalt  }
0x53: {  	_ =	shalt  }
0x54: {  	_ =	shalt  }
0x55: {  	_ =	shalt  }
0x56: {  	_ =	shalt  }
0x57: {  	_ =	shalt  }
0x58: {  	_ =	shalt  }
0x59: {  	_ =	shalt  }
0x5a: {  	_ =	shalt  }
0x5b: {  	_ =	shalt  }
0x5c: {  	_ =	shalt  }
0x5d: {  	_ =	shalt  }
0x5e: {  	_ =	shalt  }
0x5f: {  	_ =	shalt  }
0x60: {  	_ =	shalt  }
0x61: {  	_ =	shalt  }
0x62: {  	_ =	shalt  }
0x63: {  	_ =	shalt  }
0x64: {  	_ =	shalt  }
0x65: {  	_ =	shalt  }
0x66: {  	_ =	shalt  }
0x67: {  	_ =	shalt  }
0x68: {  	_ =	shalt  }
0x69: {  	_ =	shalt  }
0x6a: {  	_ =	shalt  }
0x6b: {  	_ =	shalt  }
0x6c: {  	_ =	shalt  }
0x6d: {  	_ =	shalt  }
0x6e: {  	_ =	shalt  }
0x6f: {  	_ =	shalt  }
0x70: {  	_ =	shalt  }
0x71: {  	_ =	shalt  }
0x72: {  	_ =	shalt  }
0x73: {  	_ =	shalt  }
0x74: {  	_ =	shalt  }
0x75: {  	_ =	shalt  }
0x76: {  	_ =	shalt  }
0x77: {  	_ =	shalt  }
0x78: {  	_ =	shalt  }
0x79: {  	_ =	shalt  }
0x7a: {  	_ =	shalt  }
0x7b: {  	_ =	shalt  }
0x7c: {  	_ =	shalt  }
0x7d: {  	_ =	shalt  }
0x7e: {  	_ =	shalt  }
0x7f: {  	_ =	shalt  }
0x80: {  	_ =	shalt  }
0x81: {  	_ =	shalt  }
0x82: {  	_ =	shalt  }
0x83: {  	_ =	shalt  }
0x84: {  	_ =	shalt  }
0x85: {  	_ =	shalt  }
0x86: {  	_ =	shalt  }
0x87: {  	_ =	shalt  }
.Lfunc_end0:
.L_simem_size_0:
called_computation_lowered:
.L_overlay_start_0:
0x88: {  	s2 =	sld [smem:$0x3FD9]  }
0x89: {  	s3 =	sld [smem:$0x3FFE];
	_ =	sdelay $0x1  }
0x8a: {  	s1 =	srdreg.scid  }
0x8b: {  	s0 =	sand.u32 $0x1, s1  }
0x8c: {  	s17 =	sshll.u32 s0, $0xA;
	s2 =	sadd.s32 s3, s2  }
0x8d: {  	s2 =	sadd.s32 s2, s17  }
0x8e: {  	[smem:$0x3F9C] =	sst s2  }
0x8f: {  	_ = 	snop  }
0x90: {  	s2 =	sld [smem:$0x3FC9]  }
0x91: {  	s18 =	sld [smem:$0x3FD0];
	(tm) =	ssettm $0x1  }
0x92: {  	s4 =	sld [smem:$0x3FFB];
	_ =	sdelay $0x3  }
0x93: {  	_ =	strace s4  }
0x94: {  	s4 =	sld [smem:$0x3FFC];
	_ =	sdelay $0x3  }
0x95: {  	_ =	strace s4  }
0x96: {  	s4 =	sld [smem:$0x3FFD];
	_ =	sdelay $0x3  }
0x97: {  	_ =	strace s4  }
0x98: {  	_ =	strace $0x8FFFFFFF  }
0x99: {  	s19 =	sld [smem:$0x3FDB];
	_ =	sdelay $0x1  }
0x9a: {  	s5 =	simm.s32 $_scs_section_size  }
0x9b: {  	s6 =	simm.s32 $_size__tile_overlayer_lowered;
	s7 =	simm.s32 $_tile_overlayer_lowered  }
0x9c: {  	s22 =	simm.s32 $0x1BFF;
	s21 =	sshll.u32 s7, $0x1;
	s4 =	sadd.s32 s5, s19  }
0x9d: {  	s8 =	simm.s32 $0x0;
	s20 =	sshll.u32 s6, $0x1;
	s6 =	sadd.s32 s21, s4  }
0x9e: {  	[timem:s8], [sflag:s22] =	dma.local [hbm:s6], s20  }
0x9f: {  	_ =	swait.ge [sflag:s22], s20  }
0xa0: {  	s5 =	ssub.s32 $0x0, s20;
	[sflag:s22] =	ssyncset.done $0x0  }
0xa1: {  	[sflag:s22] =	ssyncadd.s32 s5;
	_ =	sdelay $0x1  }
0xa2: {  	s23 =	simm.s32 $0x1B8B  }
0xa3: {  	_ =	swait.ge [sflag:s23], $0x1  }
0xa4: {  	[sflag:s23] =	ssyncset.done $0x0  }
0xa5: {  	s25 =	simm.s32 $0x1B8E;
	s24 =	sld [smem:$0x3FFE];
	[sflag:s23] =	ssyncadd.s32 $0xFFFFFFFF  }
0xa6: {  	s26 =	simm.s32 $execute0_lowered;
	[smem:$0x3FD2] =	sst s25  }
0xa7: {  	s6 =	sshll.u32 s26, $0x1;
	_ =	strace $0x80000046;
	[dreg:$0x1] =	wrdreg $0xFFFFFFFF  }
0xa8: {  	s28 =	simm.s32 $_size_execute0_lowered;
	s4 =	sadd.s32 s4, s6;
	[dreg:$0x0] =	wrdreg $0x0  }
0xa9: {  	s6 =	sshll.u32 s28, $0x1;
	[dreg:$0x2] =	wrdreg s4  }
0xaa: {  	[dreg:$0x3] =	wrdreg s6  }
0xab: {  	[dreg:$0x4] =	wrdreg $0xC0  }
0xac: {  	_ =	task [dreg:s8], $0x5FFFF  }
0xad: {  	[dreg:$0x1] =	wrdreg $0xFFFFFFFF  }
0xae: {  	[dreg:$0x0] =	wrdreg $0x60  }
0xaf: {  	[dreg:$0x2] =	wrdreg s2  }
0xb0: {  	[dreg:$0x3] =	wrdreg s24  }
0xb1: {  	[dreg:$0x4] =	wrdreg s18  }
0xb2: {  	[dreg:$0x5] =	wrdreg $0x9  }
0xb3: {  	_ =	task.clear_ibuf [dreg:s8], $0x6FFFF;
	_ =	strace $0x90000046  }
0xb4: {  	s29 =	simm.s32 $0x9;
	_ =	strace $0x80000048  }
0xb5: {  	_ =	swait.ge [sflag:s29], $0x1  }
0xb6: {  	[sflag:s29] =	ssyncadd.s32 $0xFFFFFFFF  }
0xb7: {  	_ =	strace $0x90000048  }
0xb8: {  	_ =	sfence  }
0xb9: {  	s30 =	sld [smem:$0x0];
	_ =	sdelay $0x2  }
0xba: {  	s31 =	sshll.u32 s1, $0xD;
	s1 =	sshrl.u32 s1, $0x2  }
0xbb: {  	s3 =	sand.u32 $0x4000, s31;
	s1 =	sadd.s32 s1, s30  }
0xbc: {  	s0 =	sor.u32 s3, s0;
	s1 =	sshll.u32 s1, $0x11  }
0xbd: {  	s0 =	sor.u32 s1, s0  }
0xbe: {  	s0 =	sadd.s32 $0x8F2B, s0  }
0xbf: {  	[sflag:s0] =	ssyncadd.remote.s32 $0x1  }
0xc0: {  	_ =	sfence.sel $0xFFFF  }
0xc1: {  	[dreg:$0x0] =	wrdreg $0xFFFFFFFF;
	(pc) =	sbr.abs _section_cstart, $3  }
0xc2: {  	[dreg:$0x1] =	wrdreg $0xFFFFFFFF  }
0xc3: {  	_ =	task.clear_ibuf [dreg:s8], $0x2FFFF;
	_ =	strace $0x9FFFFFFF  }
0xc4: {  	(tm) =	ssettm $0x7FFFFFFF  }
0xc5: {  	_ =	shalt  }
tec
execute0_lowered:
.L_overlay_start_1:
0x0: {  	(tag) =	ssettag $0x1  }
0x1: {  	s1 =	rddreg [dreg:$0x0]  }
0x2: {  	s2 =	srdreg.scid;
	s5 =	rddreg [dreg:$0x1]  }
0x3: {  	s0 =	stileid.u32;
	s3 =	rddreg [dreg:$0x2];
	s4 =	simm.s32 $0x0  }
0x4: {  	s9 =	simm.s32 $0x80;
	s10 =	simm.s32 $0x100;
	s11 =	simm.s32 $0x900  }
0x5: {  	s12 =	simm.s32 $0x1100;
	s6 =	sand.u32 $0x1, s2;
	s7 =	smul.u32 $0x2710, s0  }
0x6: {  	s13 =	simm.s32 $0x1900;
	s14 =	simm.s32 $0x2100;
	s8 =	smul.u32 $0x1388, s6  }
0x7: {  	s15 =	simm.s32 $0x1;
	s16 =	simm.s32 $0x0;
	s2 =	rddreg [dreg:$0x3]  }
0x8: {  	[smem:$0x7FF] =	sst s4;
	s6 =	ssub.s32 $0x2, s6;
	s7 =	sadd.s32 s8, s7  }
0x9: {  	v2 =	vlaneseq.u32;
	_ =	strace $0x80000047;
	s30 =	sshrl.u32 s6, $0x1;
	s7 =	sshrl.u32 s7, $0x3  }
0xa: {  	vm0 =	vmmov $0xffff;
	v1 =	vshrl.u32 v2, $0x3;
	s31 =	ssub.s32 s6, s30;
	s8 =	simm.s32 $0x2;
	s7 =	sadd.s32 s7, s5  }
0xb: {  	v0 =	vand.u32 $0x7, v2;
	v2 =	vor.u32 $0x8, v2;
	v1 =	vmul.u32 $0x8, v1;
	s5 =	smax.u32 s31, $0x1;
	s6 =	sadd.s32 $0xA800, s7;
	s7 =	sadd.s32 $0xF800, s7  }
.LBB2_1:
0xc: {  	s17 =	simm.s32 $0x0  }
.LBB2_2:
0xd: {  	s18 =	sadd.s32 s17, s7  }
0xe: {  	[tilespmem:s4], [sflag:$0x2] =	stream.linear.gather [hbm4b:s18+s4], $0x28, $0x38;
	[tilespmem:$0x2900] =	vst v63  }
0xf: {  	_ =	swait.ge [sflag:s8], $0x28  }
0x10: {  	[sflag:s8] =	ssyncset.done $0x0  }
0x11: {  	s31 =	sadd.s32 s17, s6;
	[sflag:s8] =	ssyncadd.s32 $0xFFFFFFD8  }
0x12: {  	[tilespmem:s9], [sflag:$0x2] =	stream.linear.gather [hbm4b:s31+s4], $0x28, $0x38;
	[tilespmem:$0x2900] =	vst v63  }
0x13: {  	_ =	swait.ge [sflag:s8], $0x28  }
0x14: {  	[sflag:s8] =	ssyncset.done $0x0  }
0x15: {  	[sflag:s8] =	ssyncadd.s32 $0xFFFFFFD8  }
0x16: {  	v3 =	vld [tilespmem:$0x0];
	_ =	sdelay $0x4  }
0x17: {  	v4 =	vshll.u32 v3, $0x1  }
0x18: {  	v3 =	vand.u32 $0x7, v3;
	v4 =	vand.u32 $0xFFFFFFF0, v4  }
0x19: {  	v3 =	vor.u32 v3, v4  }
0x1a: {  	v4 =	vperm.xlane v3, v0;
	_ =	sdelay $0x1  }
0x1b: {  	v3 =	vperm.xlane v3, v2;
	v4 =	vadd.s32 v1, v4;
	_ =	sdelay $0x1  }
0x1c: {  	v3 =	vadd.s32 v1, v3;
	_ =	sdelay $0x2  }
0x1d: {  	[tilespmem:s10], [sflag:$0x1] =	stream.indirect_vreg.gather [hbm4b:s1+s4], $0x80, v4, vm0, $0xb8;
	[tilespmem:$0x2900] =	vst v63  }
0x1e: {  	_ = 	snop  }
0x1f: {  	[tilespmem:s11], [sflag:$0x1] =	stream.indirect_vreg.gather [hbm4b:s1+s4], $0x80, v3, vm0, $0xb8;
	[tilespmem:$0x2900] =	vst v63  }
0x20: {  	v3 =	vld [tilespmem:$0x10];
	_ =	sdelay $0x4  }
0x21: {  	v59 =	vshll.u32 v3, $0x1  }
0x22: {  	v3 =	vand.u32 $0x7, v3;
	v4 =	vand.u32 $0xFFFFFFF0, v59  }
0x23: {  	v3 =	vor.u32 v3, v4  }
0x24: {  	v4 =	vperm.xlane v3, v0;
	_ =	sdelay $0x1  }
0x25: {  	v3 =	vperm.xlane v3, v2;
	v4 =	vadd.s32 v1, v4;
	_ =	sdelay $0x1  }
0x26: {  	v3 =	vadd.s32 v1, v3;
	_ =	sdelay $0x2  }
0x27: {  	[tilespmem:s12], [sflag:$0x1] =	stream.indirect_vreg.gather [hbm4b:s1+s4], $0x80, v4, vm0, $0xb8;
	[tilespmem:$0x2900] =	vst v63  }
0x28: {  	_ = 	snop  }
0x29: {  	[tilespmem:s13], [sflag:$0x1] =	stream.indirect_vreg.gather [hbm4b:s1+s4], $0x80, v3, vm0, $0xb8;
	[tilespmem:$0x2900] =	vst v63  }
0x2a: {  	v3 =	vld.msk [tilespmem:$0x20], $0xff;
	_ =	sdelay $0x4  }
0x2b: {  	v60 =	vshll.u32 v3, $0x1  }
0x2c: {  	v3 =	vand.u32 $0x7, v3;
	v4 =	vand.u32 $0xFFFFFFF0, v60  }
0x2d: {  	v3 =	vor.u32 v3, v4  }
0x2e: {  	v3 =	vperm.xlane v3, v0;
	_ =	sdelay $0x1  }
0x2f: {  	v3 =	vadd.s32 v1, v3;
	_ =	sdelay $0x4  }
0x30: {  	[tilespmem:s14], [sflag:$0x1] =	stream.indirect_vreg.gather [hbm4b:s1+s4], $0x80, v3, vm0, $0xb8;
	[tilespmem:$0x2900] =	vst v63  }
0x31: {  	_ =	swait.ge [sflag:s15], $0x2800  }
0x32: {  	[sflag:s15] =	ssyncset.done $0x0  }
0x33: {  	[sflag:s15] =	ssyncadd.s32 $0xFFFFD800  }
0x34: {  	v3 =	vld [tilespmem:$0x80];
	_ =	sdelay $0x4  }
0x35: {  	v61 =	vshll.u32 v3, $0x1  }
0x36: {  	v3 =	vand.u32 $0x7, v3;
	v4 =	vand.u32 $0xFFFFFFF0, v61  }
0x37: {  	v3 =	vor.u32 v3, v4  }
0x38: {  	v4 =	vperm.xlane v3, v0;
	_ =	sdelay $0x1  }
0x39: {  	v3 =	vperm.xlane v3, v2;
	v4 =	vadd.s32 v1, v4;
	_ =	sdelay $0x1  }
0x3a: {  	v3 =	vadd.s32 v1, v3;
	_ =	sdelay $0x2  }
0x3b: {  	[hbm4b:s3+s4] =	stream.indirect_vreg.scatter [tilespmem:s10], [sflag:$0x2], $0x80, v4, vm0, $0xb8;
	[tilespmem:$0x2900] =	vst v63  }
0x3c: {  	_ = 	snop  }
0x3d: {  	[hbm4b:s3+s4] =	stream.indirect_vreg.scatter [tilespmem:s11], [sflag:$0x2], $0x80, v3, vm0, $0xb8;
	[tilespmem:$0x2900] =	vst v63  }
0x3e: {  	v3 =	vld [tilespmem:$0x90];
	_ =	sdelay $0x4  }
0x3f: {  	v62 =	vshll.u32 v3, $0x1  }
0x40: {  	v3 =	vand.u32 $0x7, v3;
	v4 =	vand.u32 $0xFFFFFFF0, v62  }
0x41: {  	v3 =	vor.u32 v3, v4  }
0x42: {  	v4 =	vperm.xlane v3, v0;
	_ =	sdelay $0x1  }
0x43: {  	v3 =	vperm.xlane v3, v2;
	v4 =	vadd.s32 v1, v4;
	_ =	sdelay $0x1  }
0x44: {  	v3 =	vadd.s32 v1, v3;
	_ =	sdelay $0x2  }
0x45: {  	[hbm4b:s3+s4] =	stream.indirect_vreg.scatter [tilespmem:s12], [sflag:$0x2], $0x80, v4, vm0, $0xb8;
	[tilespmem:$0x2900] =	vst v63  }
0x46: {  	_ = 	snop  }
0x47: {  	[hbm4b:s3+s4] =	stream.indirect_vreg.scatter [tilespmem:s13], [sflag:$0x2], $0x80, v3, vm0, $0xb8;
	[tilespmem:$0x2900] =	vst v63  }
0x48: {  	v3 =	vld.msk [tilespmem:$0xA0], $0xff;
	_ =	sdelay $0x4  }
0x49: {  	v63 =	vshll.u32 v3, $0x1  }
0x4a: {  	v3 =	vand.u32 $0x7, v3;
	v4 =	vand.u32 $0xFFFFFFF0, v63  }
0x4b: {  	v3 =	vor.u32 v3, v4  }
0x4c: {  	v3 =	vperm.xlane v3, v0;
	_ =	sdelay $0x1  }
0x4d: {  	v3 =	vadd.s32 v1, v3;
	_ =	sdelay $0x2  }
0x4e: {  	p0 =	sne.s32 s17, $0x26C  }
.Ltmp0:
0x4f: {  	_ = 	snop;
	(pc) =	sbr.rel @p0 .LBB2_2-.Ltmp0, $4  }
0x50: {  	[hbm4b:s3+s4] =	stream.indirect_vreg.scatter [tilespmem:s14], [sflag:$0x2], $0x80, v3, vm0, $0xb8;
	[tilespmem:$0x2900] =	vst v63  }
0x51: {  	_ =	swait.ge [sflag:s8], $0x2800  }
0x52: {  	[sflag:s8] =	ssyncset.done $0x0  }
0x53: {  	s17 =	sadd.s32 $0x5, s17;
	[sflag:s8] =	ssyncadd.s32 $0xFFFFD800  }
0x54: {  	s16 =	sadd.s32 $0x1, s16  }
0x55: {  	p0 =	sne.s32 s16, s5  }
.Ltmp1:
0x56: {  	_ = 	snop;
	(pc) =	sbr.rel @p0 .LBB2_1-.Ltmp1, $1  }
0x57: {  	_ =	sdelay $0x3  }
0x58: {  	_ =	sfence.sel $0x180000  }
0x59: {  	[bflag:$0x0] =	sbarrier.arrive $0xFFFF  }
0x5a: {  	p0 =	sne.s32 s0, $0x0;
	_ =	strace $0x90000047  }
0x5b: {  	s0 =	sadd.s32 @!p0 $0x100000, s2;
	[bflag:$0x2] =	sbarrier.arrive $0xFFFF  }
0x5c: {  	[sflag:s0] =	ssyncadd.tile.s32 @!p0 $0x1;
	_ =	shalt  }
.Lfunc_end2:
_tile_overlayer_lowered:
.L_overlay_start_2:
0x5d: {  	(tag) =	ssettag $0x2  }
0x5e: {  	s0 =	rddreg [dreg:$0x0];
	s2 =	stileid.u32  }
0x5f: {  	s1 =	rddreg [dreg:$0x1];
	p0 =	sne.s32 s2, $0x0  }
0x60: {  	s3 =	rddreg [dreg:$0x2];
	[bflag:$0x3] =	sbarrier.arrive $0xFFFF;
	s2 =	simm.s32 @!p0 $0x1C02  }
0x61: {  	[timem:s3], [sflag:s2] =	dma.local @!p0 [hbm:s0], s1  }
0x62: {  	s0 =	simm.s32 @!p0 $0x2  }
0x63: {  	_ =	swait.ge @!p0 [sflag:s0], s1  }
0x64: {  	s1 =	ssub.s32 @!p0 $0x0, s1;
	[sflag:s0] =	ssyncset.done @!p0 $0x0  }
0x65: {  	[sflag:s0] =	ssyncadd.s32 @!p0 s1  }
0x66: {  	[bflag:$0x3] =	sbarrier.arrive $0xFFFF  }
0x67: {  	_ =	shalt  }

// kernel: kernel.26.cloned.1.call-start
scs
__scs_entry_jumppad:
0x0: {  	(pc) =	sbr.rel $0x88, $3  }
0x1: {  	(tag) =	ssettag $0x0;
	lr =	simm.s32 $0x1  }
0x2: {  	[smem:$0x3F75] =	sst lr;
	_ =	strace $0xD0000000  }
0x3: {  	_ = 	snop  }
0x4: {  	_ = 	snop  }
0x5: {  	_ = 	snop  }
0x6: {  	_ = 	snop  }
0x7: {  	_ = 	snop  }
__scs_overlays_trampoline_lowered:
0x8: {  	[smem:$0x3F84] =	sst s0  }
0x9: {  	[smem:$0x3F85] =	sst s1  }
0xa: {  	[smem:$0x3F86] =	sst s2  }
0xb: {  	[smem:$0x3F87] =	sst s3  }
0xc: {  	[smem:$0x3F88] =	sst s4  }
0xd: {  	[smem:$0x3F89] =	sst s5  }
0xe: {  	[smem:$0x3F8A] =	sst s6  }
0xf: {  	[smem:$0x3F8B] =	sst s7  }
0x10: {  	[smem:$0x3F8C] =	sst s8  }
0x11: {  	[smem:$0x3F8D] =	sst s9;
	s0 =	simm.s32 @!p0 $0x0  }
0x12: {  	s1 =	sld [smem:$0x3F73];
	s0 =	simm.s32 @p0 $0x1  }
0x13: {  	[smem:$0x3F8E] =	sst s0;
	s0 =	simm.s32 @!p1 $0x0  }
0x14: {  	s2 =	sld [smem:$0x3F72];
	s0 =	simm.s32 @p1 $0x1  }
0x15: {  	[smem:$0x3F8F] =	sst s0;
	s0 =	simm.s32 @!p2 $0x0  }
0x16: {  	s3 =	sld [smem:$0x3FDB];
	s0 =	simm.s32 @p2 $0x1  }
0x17: {  	s4 =	simm.s32 $0x1BF5;
	[smem:$0x3F91] =	sst s0  }
0x18: {  	s0 =	sld [smem:$0x3F74];
	_ =	swait.ge [sflag:s4], $0x0  }
0x19: {  	s7 =	sld [smem:$0x3F75]  }
0x1a: {  	s8 =	sadd.s32 $0xFFFFE003, lr  }
0x1b: {  	s9 =	sadd.s32 $0xFFFFFEF7, lr;
	s5 =	simm.s32 $0xFFFFFFFF;
	p2 =	slt.u32 s8, $0xFFFFF086  }
0x1c: {  	p1 =	slt.u32 s9, $0xF7A;
	s5 =	simm.s32 @!p2 $0x0  }
0x1d: {  	s5 =	simm.s32 @p1 $0x1;
	p0 =	seq.s32 s7, s2  }
0x1e: {  	s7 =	smul.u32 @!p0 $0xF7A, s2;
	p2 =	seq.s32 @!p0 s5, $0x0  }
0x1f: {  	s9 =	smul.u32 $0xF7A, s1;
	s8 =	simm.s32 @!p0 $0x1BF5;
	p2 =	por !p2, p0  }
0x20: {  	[sflag:s8] =	ssyncset.s32 @!p0 $0xFFFFF086;
	s6 =	sadd.s32 @!p0 s3, s7;
	s7 =	simm.s32 @!p0 $0x108  }
0x21: {  	s3 =	sadd.s32 s3, s9;
	s6 =	sadd.s32 @!p0 $0x88, s6;
	s7 =	simm.s32 @p2 $0x1082  }
0x22: {  	[simem:s7], [sflag:s8] =	dma.local @!p0 [hbm:s6], $0xF7A  }
0x23: {  	s9 =	sor.u32 $0xD0000000, s2;
	s6 =	simm.s32 $0x108;
	_ =	swait.ge @!p0 [sflag:s8], $0x0  }
0x24: {  	s3 =	sadd.s32 $0x88, s3;
	s6 =	simm.s32 @!p1 $0x1082;
	[sflag:s4] =	ssyncset.s32 $0xFFFFF086  }
0x25: {  	[simem:s6], [sflag:s4] =	dma.local [hbm:s3], $0xF7A  }
0x26: {  	[smem:$0x3F75] =	sst s1;
	(tag) =	ssettag s2;
	_ =	strace s9  }
0x27: {  	s1 =	sld [smem:$0x3F85]  }
0x28: {  	s2 =	sld [smem:$0x3F86]  }
0x29: {  	s4 =	sld [smem:$0x3F88]  }
0x2a: {  	p0 =	seq.s32 s5, $0x0;
	s5 =	sld [smem:$0x3F89]  }
0x2b: {  	s6 =	sld [smem:$0x3F8A]  }
0x2c: {  	s7 =	sld [smem:$0x3F8B]  }
0x2d: {  	s3 =	simm.s32 $0x108;
	s8 =	sld [smem:$0x3F8C]  }
0x2e: {  	s3 =	simm.s32 @!p0 $0x1082;
	s9 =	sld [smem:$0x3F8D]  }
0x2f: {  	lr =	sadd.s32 s0, s3;
	s0 =	sld [smem:$0x3F84]  }
0x30: {  	s3 =	sld [smem:$0x3F87]  }
0x31: {  	[smem:$0x3F90] =	sst s10  }
0x32: {  	s10 =	sld [smem:$0x3F8E];
	_ =	sdelay $0x3  }
0x33: {  	p0 =	seq.s32 s10, $0x1;
	s10 =	sld [smem:$0x3F90];
	_ =	sdelay $0x3  }
0x34: {  	[smem:$0x3F90] =	sst s10  }
0x35: {  	s10 =	sld [smem:$0x3F8F];
	_ =	sdelay $0x3  }
0x36: {  	p1 =	seq.s32 s10, $0x1;
	s10 =	sld [smem:$0x3F90];
	_ =	sdelay $0x3  }
0x37: {  	[smem:$0x3F90] =	sst s10  }
0x38: {  	s10 =	sld [smem:$0x3F91]  }
0x39: {  	_ = 	snop;
	(pc) =	sbr.ind lr, $3  }
0x3a: {  	_ = 	snop  }
0x3b: {  	_ = 	snop  }
0x3c: {  	p2 =	seq.s32 s10, $0x1;
	s10 =	sld [smem:$0x3F90]  }
0x3d: {  	_ =	shalt  }
0x3e: {  	_ =	shalt  }
0x3f: {  	_ =	shalt  }
0x40: {  	_ =	shalt  }
0x41: {  	_ =	shalt  }
0x42: {  	_ =	shalt  }
0x43: {  	_ =	shalt  }
0x44: {  	_ =	shalt  }
0x45: {  	_ =	shalt  }
0x46: {  	_ =	shalt  }
0x47: {  	_ =	shalt  }
0x48: {  	_ =	shalt  }
0x49: {  	_ =	shalt  }
0x4a: {  	_ =	shalt  }
0x4b: {  	_ =	shalt  }
0x4c: {  	_ =	shalt  }
0x4d: {  	_ =	shalt  }
0x4e: {  	_ =	shalt  }
0x4f: {  	_ =	shalt  }
0x50: {  	_ =	shalt  }
0x51: {  	_ =	shalt  }
0x52: {  	_ =	shalt  }
0x53: {  	_ =	shalt  }
0x54: {  	_ =	shalt  }
0x55: {  	_ =	shalt  }
0x56: {  	_ =	shalt  }
0x57: {  	_ =	shalt  }
0x58: {  	_ =	shalt  }
0x59: {  	_ =	shalt  }
0x5a: {  	_ =	shalt  }
0x5b: {  	_ =	shalt  }
0x5c: {  	_ =	shalt  }
0x5d: {  	_ =	shalt  }
0x5e: {  	_ =	shalt  }
0x5f: {  	_ =	shalt  }
0x60: {  	_ =	shalt  }
0x61: {  	_ =	shalt  }
0x62: {  	_ =	shalt  }
0x63: {  	_ =	shalt  }
0x64: {  	_ =	shalt  }
0x65: {  	_ =	shalt  }
0x66: {  	_ =	shalt  }
0x67: {  	_ =	shalt  }
0x68: {  	_ =	shalt  }
0x69: {  	_ =	shalt  }
0x6a: {  	_ =	shalt  }
0x6b: {  	_ =	shalt  }
0x6c: {  	_ =	shalt  }
0x6d: {  	_ =	shalt  }
0x6e: {  	_ =	shalt  }
0x6f: {  	_ =	shalt  }
0x70: {  	_ =	shalt  }
0x71: {  	_ =	shalt  }
0x72: {  	_ =	shalt  }
0x73: {  	_ =	shalt  }
0x74: {  	_ =	shalt  }
0x75: {  	_ =	shalt  }
0x76: {  	_ =	shalt  }
0x77: {  	_ =	shalt  }
0x78: {  	_ =	shalt  }
0x79: {  	_ =	shalt  }
0x7a: {  	_ =	shalt  }
0x7b: {  	_ =	shalt  }
0x7c: {  	_ =	shalt  }
0x7d: {  	_ =	shalt  }
0x7e: {  	_ =	shalt  }
0x7f: {  	_ =	shalt  }
0x80: {  	_ =	shalt  }
0x81: {  	_ =	shalt  }
0x82: {  	_ =	shalt  }
0x83: {  	_ =	shalt  }
0x84: {  	_ =	shalt  }
0x85: {  	_ =	shalt  }
0x86: {  	_ =	shalt  }
0x87: {  	_ =	shalt  }
.Lfunc_end0:
.L_simem_size_0:
called_computation.1_lowered:
.L_overlay_start_0:
0x88: {  	s2 =	sld [smem:$0x3FD9]  }
0x89: {  	s3 =	sld [smem:$0x3FFE];
	_ =	sdelay $0x1  }
0x8a: {  	s1 =	srdreg.scid  }
0x8b: {  	s0 =	sand.u32 $0x1, s1  }
0x8c: {  	s17 =	sshll.u32 s0, $0xA;
	s2 =	sadd.s32 s3, s2  }
0x8d: {  	s2 =	sadd.s32 s2, s17  }
0x8e: {  	[smem:$0x3F9C] =	sst s2  }
0x8f: {  	_ = 	snop  }
0x90: {  	s2 =	sld [smem:$0x3FD0];
	(tm) =	ssettm $0x1  }
0x91: {  	s18 =	sld [smem:$0x3FFB];
	_ =	sdelay $0x3  }
0x92: {  	_ =	strace s18  }
0x93: {  	s3 =	sld [smem:$0x3FFC];
	_ =	sdelay $0x3  }
0x94: {  	_ =	strace s3  }
0x95: {  	s3 =	sld [smem:$0x3FFD];
	_ =	sdelay $0x3  }
0x96: {  	_ =	strace s3  }
0x97: {  	_ =	strace $0x8FFFFFFF  }
0x98: {  	s19 =	sld [smem:$0x3FDB];
	_ =	sdelay $0x1  }
0x99: {  	s4 =	simm.s32 $_scs_section_size  }
0x9a: {  	s5 =	simm.s32 $_size__tile_overlayer_lowered;
	s6 =	simm.s32 $_tile_overlayer_lowered  }
0x9b: {  	s22 =	simm.s32 $0x1BFF;
	s21 =	sshll.u32 s6, $0x1;
	s3 =	sadd.s32 s4, s19  }
0x9c: {  	s7 =	simm.s32 $0x0;
	s20 =	sshll.u32 s5, $0x1;
	s5 =	sadd.s32 s21, s3  }
0x9d: {  	[timem:s7], [sflag:s22] =	dma.local [hbm:s5], s20  }
0x9e: {  	_ =	swait.ge [sflag:s22], s20  }
0x9f: {  	s4 =	ssub.s32 $0x0, s20;
	[sflag:s22] =	ssyncset.done $0x0  }
0xa0: {  	[sflag:s22] =	ssyncadd.s32 s4;
	_ =	sdelay $0x1  }
0xa1: {  	s23 =	simm.s32 $0x1B8B  }
0xa2: {  	_ =	swait.ge [sflag:s23], $0x1  }
0xa3: {  	[sflag:s23] =	ssyncset.done $0x0  }
0xa4: {  	s25 =	simm.s32 $0x1B8E;
	s24 =	sld [smem:$0x3FFE];
	[sflag:s23] =	ssyncadd.s32 $0xFFFFFFFF  }
0xa5: {  	s26 =	simm.s32 $execute0_lowered;
	[smem:$0x3FD2] =	sst s25  }
0xa6: {  	s5 =	sshll.u32 s26, $0x1;
	_ =	strace $0x80000049;
	[dreg:$0x1] =	wrdreg $0xFFFFFFFF  }
0xa7: {  	s28 =	simm.s32 $_size_execute0_lowered;
	s3 =	sadd.s32 s3, s5;
	[dreg:$0x0] =	wrdreg $0x0  }
0xa8: {  	s5 =	sshll.u32 s28, $0x1;
	[dreg:$0x2] =	wrdreg s3  }
0xa9: {  	[dreg:$0x3] =	wrdreg s5  }
0xaa: {  	[dreg:$0x4] =	wrdreg $0xC0  }
0xab: {  	_ =	task [dreg:s7], $0x5FFFF  }
0xac: {  	[dreg:$0x1] =	wrdreg $0xFFFFFFFF  }
0xad: {  	[dreg:$0x0] =	wrdreg $0x60  }
0xae: {  	[dreg:$0x2] =	wrdreg s2  }
0xaf: {  	[dreg:$0x3] =	wrdreg s24  }
0xb0: {  	[dreg:$0x4] =	wrdreg $0x9  }
0xb1: {  	_ =	task.clear_ibuf [dreg:s7], $0x5FFFF;
	_ =	strace $0x90000049  }
0xb2: {  	s29 =	simm.s32 $0x9;
	_ =	strace $0x8000004B  }
0xb3: {  	_ =	swait.ge [sflag:s29], $0x1  }
0xb4: {  	[sflag:s29] =	ssyncadd.s32 $0xFFFFFFFF  }
0xb5: {  	_ =	strace $0x9000004B  }
0xb6: {  	_ =	sfence  }
0xb7: {  	s30 =	sld [smem:$0x0];
	_ =	sdelay $0x2  }
0xb8: {  	s31 =	sshll.u32 s1, $0xD;
	s1 =	sshrl.u32 s1, $0x2  }
0xb9: {  	s3 =	sand.u32 $0x4000, s31;
	s1 =	sadd.s32 s1, s30  }
0xba: {  	s0 =	sor.u32 s3, s0;
	s1 =	sshll.u32 s1, $0x11  }
0xbb: {  	s0 =	sor.u32 s1, s0  }
0xbc: {  	s0 =	sadd.s32 $0x8F2B, s0  }
0xbd: {  	[sflag:s0] =	ssyncadd.remote.s32 $0x1  }
0xbe: {  	_ =	sfence.sel $0xFFFF  }
0xbf: {  	[dreg:$0x0] =	wrdreg $0xFFFFFFFF;
	(pc) =	sbr.abs _section_cstart, $3  }
0xc0: {  	[dreg:$0x1] =	wrdreg $0xFFFFFFFF  }
0xc1: {  	_ =	task.clear_ibuf [dreg:s7], $0x2FFFF;
	_ =	strace $0x9FFFFFFF  }
0xc2: {  	(tm) =	ssettm $0x7FFFFFFF  }
0xc3: {  	_ =	shalt  }
tec
execute0_lowered:
.L_overlay_start_1:
0x0: {  	(tag) =	ssettag $0x1  }
0x1: {  	s1 =	srdreg.scid  }
0x2: {  	s0 =	stileid.u32;
	s2 =	rddreg [dreg:$0x0]  }
0x3: {  	s6 =	rddreg [dreg:$0x1];
	s3 =	simm.s32 $0x0;
	s9 =	simm.s32 $0x80  }
0x4: {  	s10 =	simm.s32 $0x100;
	s11 =	simm.s32 $0x900;
	s12 =	simm.s32 $0x1100  }
0x5: {  	s13 =	simm.s32 $0x1900;
	s4 =	sand.u32 $0x1, s1;
	s5 =	smul.u32 $0x2710, s0  }
0x6: {  	s14 =	simm.s32 $0x2100;
	s15 =	simm.s32 $0x1;
	s7 =	smul.u32 $0x1388, s4  }
0x7: {  	s16 =	simm.s32 $0x0;
	s1 =	rddreg [dreg:$0x2];
	s29 =	ssub.s32 $0x2, s4  }
0x8: {  	[smem:$0x7FF] =	sst s3;
	s31 =	sshrl.u32 s29, $0x1;
	s5 =	sadd.s32 s7, s5  }
0x9: {  	v2 =	vlaneseq.u32;
	_ =	strace $0x8000004A;
	s30 =	sshrl.u32 s5, $0x3;
	s5 =	ssub.s32 s29, s31  }
0xa: {  	vm0 =	vmmov $0xffff;
	v1 =	vshrl.u32 v2, $0x3;
	s4 =	sadd.s32 $0x14800, s6;
	s8 =	sadd.s32 s30, s6;
	s5 =	smax.u32 s5, $0x1  }
0xb: {  	v0 =	vand.u32 $0x7, v2;
	v2 =	vor.u32 $0x8, v2;
	v1 =	vmul.u32 $0x8, v1;
	s6 =	sadd.s32 $0xA800, s8;
	s7 =	sadd.s32 $0xF800, s8;
	s8 =	simm.s32 $0x2  }
.LBB2_1:
0xc: {  	s17 =	simm.s32 $0x0  }
.LBB2_2:
0xd: {  	s18 =	sadd.s32 s17, s7  }
0xe: {  	[tilespmem:s3], [sflag:$0x2] =	stream.linear.gather [hbm4b:s18+s3], $0x28, $0x38;
	[tilespmem:$0x2900] =	vst v63  }
0xf: {  	_ =	swait.ge [sflag:s8], $0x28  }
0x10: {  	[sflag:s8] =	ssyncset.done $0x0  }
0x11: {  	s31 =	sadd.s32 s17, s6;
	[sflag:s8] =	ssyncadd.s32 $0xFFFFFFD8  }
0x12: {  	[tilespmem:s9], [sflag:$0x2] =	stream.linear.gather [hbm4b:s31+s3], $0x28, $0x38;
	[tilespmem:$0x2900] =	vst v63  }
0x13: {  	_ =	swait.ge [sflag:s8], $0x28  }
0x14: {  	[sflag:s8] =	ssyncset.done $0x0  }
0x15: {  	[sflag:s8] =	ssyncadd.s32 $0xFFFFFFD8  }
0x16: {  	v3 =	vld [tilespmem:$0x0];
	_ =	sdelay $0x4  }
0x17: {  	v4 =	vshll.u32 v3, $0x1  }
0x18: {  	v3 =	vand.u32 $0x7, v3;
	v4 =	vand.u32 $0xFFFFFFF0, v4  }
0x19: {  	v3 =	vor.u32 v3, v4  }
0x1a: {  	v4 =	vperm.xlane v3, v0;
	_ =	sdelay $0x1  }
0x1b: {  	v3 =	vperm.xlane v3, v2;
	v4 =	vadd.s32 v1, v4;
	_ =	sdelay $0x1  }
0x1c: {  	v3 =	vadd.s32 v1, v3;
	_ =	sdelay $0x2  }
0x1d: {  	[tilespmem:s10], [sflag:$0x1] =	stream.indirect_vreg.gather [hbm4b:s2+s3], $0x80, v4, vm0, $0xb8;
	[tilespmem:$0x2900] =	vst v63  }
0x1e: {  	_ = 	snop  }
0x1f: {  	[tilespmem:s11], [sflag:$0x1] =	stream.indirect_vreg.gather [hbm4b:s2+s3], $0x80, v3, vm0, $0xb8;
	[tilespmem:$0x2900] =	vst v63  }
0x20: {  	v3 =	vld [tilespmem:$0x10];
	_ =	sdelay $0x4  }
0x21: {  	v59 =	vshll.u32 v3, $0x1  }
0x22: {  	v3 =	vand.u32 $0x7, v3;
	v4 =	vand.u32 $0xFFFFFFF0, v59  }
0x23: {  	v3 =	vor.u32 v3, v4  }
0x24: {  	v4 =	vperm.xlane v3, v0;
	_ =	sdelay $0x1  }
0x25: {  	v3 =	vperm.xlane v3, v2;
	v4 =	vadd.s32 v1, v4;
	_ =	sdelay $0x1  }
0x26: {  	v3 =	vadd.s32 v1, v3;
	_ =	sdelay $0x2  }
0x27: {  	[tilespmem:s12], [sflag:$0x1] =	stream.indirect_vreg.gather [hbm4b:s2+s3], $0x80, v4, vm0, $0xb8;
	[tilespmem:$0x2900] =	vst v63  }
0x28: {  	_ = 	snop  }
0x29: {  	[tilespmem:s13], [sflag:$0x1] =	stream.indirect_vreg.gather [hbm4b:s2+s3], $0x80, v3, vm0, $0xb8;
	[tilespmem:$0x2900] =	vst v63  }
0x2a: {  	v3 =	vld.msk [tilespmem:$0x20], $0xff;
	_ =	sdelay $0x4  }
0x2b: {  	v60 =	vshll.u32 v3, $0x1  }
0x2c: {  	v3 =	vand.u32 $0x7, v3;
	v4 =	vand.u32 $0xFFFFFFF0, v60  }
0x2d: {  	v3 =	vor.u32 v3, v4  }
0x2e: {  	v3 =	vperm.xlane v3, v0;
	_ =	sdelay $0x1  }
0x2f: {  	v3 =	vadd.s32 v1, v3;
	_ =	sdelay $0x4  }
0x30: {  	[tilespmem:s14], [sflag:$0x1] =	stream.indirect_vreg.gather [hbm4b:s2+s3], $0x80, v3, vm0, $0xb8;
	[tilespmem:$0x2900] =	vst v63  }
0x31: {  	_ =	swait.ge [sflag:s15], $0x2800  }
0x32: {  	[sflag:s15] =	ssyncset.done $0x0  }
0x33: {  	[sflag:s15] =	ssyncadd.s32 $0xFFFFD800  }
0x34: {  	v3 =	vld [tilespmem:$0x80];
	_ =	sdelay $0x4  }
0x35: {  	v61 =	vshll.u32 v3, $0x1  }
0x36: {  	v3 =	vand.u32 $0x7, v3;
	v4 =	vand.u32 $0xFFFFFFF0, v61  }
0x37: {  	v3 =	vor.u32 v3, v4  }
0x38: {  	v4 =	vperm.xlane v3, v0;
	_ =	sdelay $0x1  }
0x39: {  	v3 =	vperm.xlane v3, v2;
	v4 =	vadd.s32 v1, v4;
	_ =	sdelay $0x1  }
0x3a: {  	v3 =	vadd.s32 v1, v3;
	_ =	sdelay $0x2  }
0x3b: {  	[hbm4b:s4+s3] =	stream.indirect_vreg.scatter [tilespmem:s10], [sflag:$0x2], $0x80, v4, vm0, $0xb8;
	[tilespmem:$0x2900] =	vst v63  }
0x3c: {  	_ = 	snop  }
0x3d: {  	[hbm4b:s4+s3] =	stream.indirect_vreg.scatter [tilespmem:s11], [sflag:$0x2], $0x80, v3, vm0, $0xb8;
	[tilespmem:$0x2900] =	vst v63  }
0x3e: {  	v3 =	vld [tilespmem:$0x90];
	_ =	sdelay $0x4  }
0x3f: {  	v62 =	vshll.u32 v3, $0x1  }
0x40: {  	v3 =	vand.u32 $0x7, v3;
	v4 =	vand.u32 $0xFFFFFFF0, v62  }
0x41: {  	v3 =	vor.u32 v3, v4  }
0x42: {  	v4 =	vperm.xlane v3, v0;
	_ =	sdelay $0x1  }
0x43: {  	v3 =	vperm.xlane v3, v2;
	v4 =	vadd.s32 v1, v4;
	_ =	sdelay $0x1  }
0x44: {  	v3 =	vadd.s32 v1, v3;
	_ =	sdelay $0x2  }
0x45: {  	[hbm4b:s4+s3] =	stream.indirect_vreg.scatter [tilespmem:s12], [sflag:$0x2], $0x80, v4, vm0, $0xb8;
	[tilespmem:$0x2900] =	vst v63  }
0x46: {  	_ = 	snop  }
0x47: {  	[hbm4b:s4+s3] =	stream.indirect_vreg.scatter [tilespmem:s13], [sflag:$0x2], $0x80, v3, vm0, $0xb8;
	[tilespmem:$0x2900] =	vst v63  }
0x48: {  	v3 =	vld.msk [tilespmem:$0xA0], $0xff;
	_ =	sdelay $0x4  }
0x49: {  	v63 =	vshll.u32 v3, $0x1  }
0x4a: {  	v3 =	vand.u32 $0x7, v3;
	v4 =	vand.u32 $0xFFFFFFF0, v63  }
0x4b: {  	v3 =	vor.u32 v3, v4  }
0x4c: {  	v3 =	vperm.xlane v3, v0;
	_ =	sdelay $0x1  }
0x4d: {  	v3 =	vadd.s32 v1, v3;
	_ =	sdelay $0x2  }
0x4e: {  	p0 =	sne.s32 s17, $0x26C  }
.Ltmp0:
0x4f: {  	_ = 	snop;
	(pc) =	sbr.rel @p0 .LBB2_2-.Ltmp0, $4  }
0x50: {  	[hbm4b:s4+s3] =	stream.indirect_vreg.scatter [tilespmem:s14], [sflag:$0x2], $0x80, v3, vm0, $0xb8;
	[tilespmem:$0x2900] =	vst v63  }
0x51: {  	_ =	swait.ge [sflag:s8], $0x2800  }
0x52: {  	[sflag:s8] =	ssyncset.done $0x0  }
0x53: {  	s17 =	sadd.s32 $0x5, s17;
	[sflag:s8] =	ssyncadd.s32 $0xFFFFD800  }
0x54: {  	s16 =	sadd.s32 $0x1, s16  }
0x55: {  	p0 =	sne.s32 s16, s5  }
.Ltmp1:
0x56: {  	_ = 	snop;
	(pc) =	sbr.rel @p0 .LBB2_1-.Ltmp1, $1  }
0x57: {  	_ =	sdelay $0x3  }
0x58: {  	_ =	sfence.sel $0x180000  }
0x59: {  	[bflag:$0x0] =	sbarrier.arrive $0xFFFF  }
0x5a: {  	p0 =	sne.s32 s0, $0x0;
	_ =	strace $0x9000004A  }
0x5b: {  	s0 =	sadd.s32 @!p0 $0x100000, s1;
	[bflag:$0x2] =	sbarrier.arrive $0xFFFF  }
0x5c: {  	[sflag:s0] =	ssyncadd.tile.s32 @!p0 $0x1;
	_ =	shalt  }
.Lfunc_end2:
_tile_overlayer_lowered:
.L_overlay_start_2:
0x5d: {  	(tag) =	ssettag $0x2  }
0x5e: {  	s0 =	rddreg [dreg:$0x0];
	s2 =	stileid.u32  }
0x5f: {  	s1 =	rddreg [dreg:$0x1];
	p0 =	sne.s32 s2, $0x0  }
0x60: {  	s3 =	rddreg [dreg:$0x2];
	[bflag:$0x3] =	sbarrier.arrive $0xFFFF;
	s2 =	simm.s32 @!p0 $0x1C02  }
0x61: {  	[timem:s3], [sflag:s2] =	dma.local @!p0 [hbm:s0], s1  }
0x62: {  	s0 =	simm.s32 @!p0 $0x2  }
0x63: {  	_ =	swait.ge @!p0 [sflag:s0], s1  }
0x64: {  	s1 =	ssub.s32 @!p0 $0x0, s1;
	[sflag:s0] =	ssyncset.done @!p0 $0x0  }
0x65: {  	[sflag:s0] =	ssyncadd.s32 @!p0 s1  }
0x66: {  	[bflag:$0x3] =	sbarrier.arrive $0xFFFF  }
0x67: {  	_ =	shalt  }

// kernel: kernel.29.cloned.1.call-start
scs
__scs_entry_jumppad:
0x0: {  	(pc) =	sbr.rel $0x88, $3  }
0x1: {  	(tag) =	ssettag $0x0;
	lr =	simm.s32 $0x1  }
0x2: {  	[smem:$0x3F75] =	sst lr;
	_ =	strace $0xD0000000  }
0x3: {  	_ = 	snop  }
0x4: {  	_ = 	snop  }
0x5: {  	_ = 	snop  }
0x6: {  	_ = 	snop  }
0x7: {  	_ = 	snop  }
__scs_overlays_trampoline_lowered:
0x8: {  	[smem:$0x3F84] =	sst s0  }
0x9: {  	[smem:$0x3F85] =	sst s1  }
0xa: {  	[smem:$0x3F86] =	sst s2  }
0xb: {  	[smem:$0x3F87] =	sst s3  }
0xc: {  	[smem:$0x3F88] =	sst s4  }
0xd: {  	[smem:$0x3F89] =	sst s5  }
0xe: {  	[smem:$0x3F8A] =	sst s6  }
0xf: {  	[smem:$0x3F8B] =	sst s7  }
0x10: {  	[smem:$0x3F8C] =	sst s8  }
0x11: {  	[smem:$0x3F8D] =	sst s9;
	s0 =	simm.s32 @!p0 $0x0  }
0x12: {  	s1 =	sld [smem:$0x3F73];
	s0 =	simm.s32 @p0 $0x1  }
0x13: {  	[smem:$0x3F8E] =	sst s0;
	s0 =	simm.s32 @!p1 $0x0  }
0x14: {  	s2 =	sld [smem:$0x3F72];
	s0 =	simm.s32 @p1 $0x1  }
0x15: {  	[smem:$0x3F8F] =	sst s0;
	s0 =	simm.s32 @!p2 $0x0  }
0x16: {  	s3 =	sld [smem:$0x3FDB];
	s0 =	simm.s32 @p2 $0x1  }
0x17: {  	s4 =	simm.s32 $0x1BF5;
	[smem:$0x3F91] =	sst s0  }
0x18: {  	s0 =	sld [smem:$0x3F74];
	_ =	swait.ge [sflag:s4], $0x0  }
0x19: {  	s7 =	sld [smem:$0x3F75]  }
0x1a: {  	s8 =	sadd.s32 $0xFFFFE003, lr  }
0x1b: {  	s9 =	sadd.s32 $0xFFFFFEF7, lr;
	s5 =	simm.s32 $0xFFFFFFFF;
	p2 =	slt.u32 s8, $0xFFFFF086  }
0x1c: {  	p1 =	slt.u32 s9, $0xF7A;
	s5 =	simm.s32 @!p2 $0x0  }
0x1d: {  	s5 =	simm.s32 @p1 $0x1;
	p0 =	seq.s32 s7, s2  }
0x1e: {  	s7 =	smul.u32 @!p0 $0xF7A, s2;
	p2 =	seq.s32 @!p0 s5, $0x0  }
0x1f: {  	s9 =	smul.u32 $0xF7A, s1;
	s8 =	simm.s32 @!p0 $0x1BF5;
	p2 =	por !p2, p0  }
0x20: {  	[sflag:s8] =	ssyncset.s32 @!p0 $0xFFFFF086;
	s6 =	sadd.s32 @!p0 s3, s7;
	s7 =	simm.s32 @!p0 $0x108  }
0x21: {  	s3 =	sadd.s32 s3, s9;
	s6 =	sadd.s32 @!p0 $0x88, s6;
	s7 =	simm.s32 @p2 $0x1082  }
0x22: {  	[simem:s7], [sflag:s8] =	dma.local @!p0 [hbm:s6], $0xF7A  }
0x23: {  	s9 =	sor.u32 $0xD0000000, s2;
	s6 =	simm.s32 $0x108;
	_ =	swait.ge @!p0 [sflag:s8], $0x0  }
0x24: {  	s3 =	sadd.s32 $0x88, s3;
	s6 =	simm.s32 @!p1 $0x1082;
	[sflag:s4] =	ssyncset.s32 $0xFFFFF086  }
0x25: {  	[simem:s6], [sflag:s4] =	dma.local [hbm:s3], $0xF7A  }
0x26: {  	[smem:$0x3F75] =	sst s1;
	(tag) =	ssettag s2;
	_ =	strace s9  }
0x27: {  	s1 =	sld [smem:$0x3F85]  }
0x28: {  	s2 =	sld [smem:$0x3F86]  }
0x29: {  	s4 =	sld [smem:$0x3F88]  }
0x2a: {  	p0 =	seq.s32 s5, $0x0;
	s5 =	sld [smem:$0x3F89]  }
0x2b: {  	s6 =	sld [smem:$0x3F8A]  }
0x2c: {  	s7 =	sld [smem:$0x3F8B]  }
0x2d: {  	s3 =	simm.s32 $0x108;
	s8 =	sld [smem:$0x3F8C]  }
0x2e: {  	s3 =	simm.s32 @!p0 $0x1082;
	s9 =	sld [smem:$0x3F8D]  }
0x2f: {  	lr =	sadd.s32 s0, s3;
	s0 =	sld [smem:$0x3F84]  }
0x30: {  	s3 =	sld [smem:$0x3F87]  }
0x31: {  	[smem:$0x3F90] =	sst s10  }
0x32: {  	s10 =	sld [smem:$0x3F8E];
	_ =	sdelay $0x3  }
0x33: {  	p0 =	seq.s32 s10, $0x1;
	s10 =	sld [smem:$0x3F90];
	_ =	sdelay $0x3  }
0x34: {  	[smem:$0x3F90] =	sst s10  }
0x35: {  	s10 =	sld [smem:$0x3F8F];
	_ =	sdelay $0x3  }
0x36: {  	p1 =	seq.s32 s10, $0x1;
	s10 =	sld [smem:$0x3F90];
	_ =	sdelay $0x3  }
0x37: {  	[smem:$0x3F90] =	sst s10  }
0x38: {  	s10 =	sld [smem:$0x3F91]  }
0x39: {  	_ = 	snop;
	(pc) =	sbr.ind lr, $3  }
0x3a: {  	_ = 	snop  }
0x3b: {  	_ = 	snop  }
0x3c: {  	p2 =	seq.s32 s10, $0x1;
	s10 =	sld [smem:$0x3F90]  }
0x3d: {  	_ =	shalt  }
0x3e: {  	_ =	shalt  }
0x3f: {  	_ =	shalt  }
0x40: {  	_ =	shalt  }
0x41: {  	_ =	shalt  }
0x42: {  	_ =	shalt  }
0x43: {  	_ =	shalt  }
0x44: {  	_ =	shalt  }
0x45: {  	_ =	shalt  }
0x46: {  	_ =	shalt  }
0x47: {  	_ =	shalt  }
0x48: {  	_ =	shalt  }
0x49: {  	_ =	shalt  }
0x4a: {  	_ =	shalt  }
0x4b: {  	_ =	shalt  }
0x4c: {  	_ =	shalt  }
0x4d: {  	_ =	shalt  }
0x4e: {  	_ =	shalt  }
0x4f: {  	_ =	shalt  }
0x50: {  	_ =	shalt  }
0x51: {  	_ =	shalt  }
0x52: {  	_ =	shalt  }
0x53: {  	_ =	shalt  }
0x54: {  	_ =	shalt  }
0x55: {  	_ =	shalt  }
0x56: {  	_ =	shalt  }
0x57: {  	_ =	shalt  }
0x58: {  	_ =	shalt  }
0x59: {  	_ =	shalt  }
0x5a: {  	_ =	shalt  }
0x5b: {  	_ =	shalt  }
0x5c: {  	_ =	shalt  }
0x5d: {  	_ =	shalt  }
0x5e: {  	_ =	shalt  }
0x5f: {  	_ =	shalt  }
0x60: {  	_ =	shalt  }
0x61: {  	_ =	shalt  }
0x62: {  	_ =	shalt  }
0x63: {  	_ =	shalt  }
0x64: {  	_ =	shalt  }
0x65: {  	_ =	shalt  }
0x66: {  	_ =	shalt  }
0x67: {  	_ =	shalt  }
0x68: {  	_ =	shalt  }
0x69: {  	_ =	shalt  }
0x6a: {  	_ =	shalt  }
0x6b: {  	_ =	shalt  }
0x6c: {  	_ =	shalt  }
0x6d: {  	_ =	shalt  }
0x6e: {  	_ =	shalt  }
0x6f: {  	_ =	shalt  }
0x70: {  	_ =	shalt  }
0x71: {  	_ =	shalt  }
0x72: {  	_ =	shalt  }
0x73: {  	_ =	shalt  }
0x74: {  	_ =	shalt  }
0x75: {  	_ =	shalt  }
0x76: {  	_ =	shalt  }
0x77: {  	_ =	shalt  }
0x78: {  	_ =	shalt  }
0x79: {  	_ =	shalt  }
0x7a: {  	_ =	shalt  }
0x7b: {  	_ =	shalt  }
0x7c: {  	_ =	shalt  }
0x7d: {  	_ =	shalt  }
0x7e: {  	_ =	shalt  }
0x7f: {  	_ =	shalt  }
0x80: {  	_ =	shalt  }
0x81: {  	_ =	shalt  }
0x82: {  	_ =	shalt  }
0x83: {  	_ =	shalt  }
0x84: {  	_ =	shalt  }
0x85: {  	_ =	shalt  }
0x86: {  	_ =	shalt  }
0x87: {  	_ =	shalt  }
.Lfunc_end0:
.L_simem_size_0:
called_computation.2_lowered:
.L_overlay_start_0:
0x88: {  	s2 =	sld [smem:$0x3FD9]  }
0x89: {  	s3 =	sld [smem:$0x3FFE];
	_ =	sdelay $0x1  }
0x8a: {  	s1 =	srdreg.scid  }
0x8b: {  	s0 =	sand.u32 $0x1, s1  }
0x8c: {  	s16 =	sshll.u32 s0, $0xA;
	s2 =	sadd.s32 s3, s2  }
0x8d: {  	s2 =	sadd.s32 s2, s16  }
0x8e: {  	[smem:$0x3F9C] =	sst s2  }
0x8f: {  	_ = 	snop  }
0x90: {  	(tm) =	ssettm $0x1  }
0x91: {  	s17 =	sld [smem:$0x3FFB];
	_ =	sdelay $0x3  }
0x92: {  	_ =	strace s17  }
0x93: {  	s2 =	sld [smem:$0x3FFC];
	_ =	sdelay $0x3  }
0x94: {  	_ =	strace s2  }
0x95: {  	s2 =	sld [smem:$0x3FFD];
	_ =	sdelay $0x3  }
0x96: {  	_ =	strace s2  }
0x97: {  	_ =	strace $0x8FFFFFFF  }
0x98: {  	s18 =	sld [smem:$0x3FDB];
	_ =	sdelay $0x1  }
0x99: {  	s19 =	simm.s32 $_scs_section_size  }
0x9a: {  	s4 =	simm.s32 $_size__tile_overlayer_lowered;
	s5 =	simm.s32 $_tile_overlayer_lowered  }
0x9b: {  	s22 =	simm.s32 $0x1BFF;
	s21 =	sshll.u32 s5, $0x1;
	s2 =	sadd.s32 s19, s18  }
0x9c: {  	s6 =	simm.s32 $0x0;
	s20 =	sshll.u32 s4, $0x1;
	s4 =	sadd.s32 s21, s2  }
0x9d: {  	[timem:s6], [sflag:s22] =	dma.local [hbm:s4], s20  }
0x9e: {  	_ =	swait.ge [sflag:s22], s20  }
0x9f: {  	s3 =	ssub.s32 $0x0, s20;
	[sflag:s22] =	ssyncset.done $0x0  }
0xa0: {  	[sflag:s22] =	ssyncadd.s32 s3;
	_ =	sdelay $0x1  }
0xa1: {  	s23 =	simm.s32 $0x1B8B  }
0xa2: {  	_ =	swait.ge [sflag:s23], $0x1  }
0xa3: {  	[sflag:s23] =	ssyncset.done $0x0  }
0xa4: {  	s25 =	simm.s32 $0x1B8E;
	s24 =	sld [smem:$0x3FFE];
	[sflag:s23] =	ssyncadd.s32 $0xFFFFFFFF  }
0xa5: {  	s26 =	simm.s32 $execute0_lowered;
	[smem:$0x3FD2] =	sst s25  }
0xa6: {  	s4 =	sshll.u32 s26, $0x1;
	_ =	strace $0x8000004C;
	[dreg:$0x1] =	wrdreg $0xFFFFFFFF  }
0xa7: {  	s28 =	simm.s32 $_size_execute0_lowered;
	s2 =	sadd.s32 s2, s4;
	[dreg:$0x0] =	wrdreg $0x0  }
0xa8: {  	s4 =	sshll.u32 s28, $0x1;
	[dreg:$0x2] =	wrdreg s2  }
0xa9: {  	[dreg:$0x3] =	wrdreg s4  }
0xaa: {  	[dreg:$0x4] =	wrdreg $0xC0  }
0xab: {  	_ =	task [dreg:s6], $0x5FFFF  }
0xac: {  	[dreg:$0x1] =	wrdreg $0xFFFFFFFF  }
0xad: {  	[dreg:$0x0] =	wrdreg $0x60  }
0xae: {  	[dreg:$0x2] =	wrdreg s24  }
0xaf: {  	[dreg:$0x3] =	wrdreg $0x9  }
0xb0: {  	_ =	task.clear_ibuf [dreg:s6], $0x4FFFF;
	_ =	strace $0x9000004C  }
0xb1: {  	s29 =	simm.s32 $0x9;
	_ =	strace $0x8000004E  }
0xb2: {  	_ =	swait.ge [sflag:s29], $0x1  }
0xb3: {  	[sflag:s29] =	ssyncadd.s32 $0xFFFFFFFF  }
0xb4: {  	_ =	strace $0x9000004E  }
0xb5: {  	_ =	sfence  }
0xb6: {  	s30 =	sld [smem:$0x0];
	_ =	sdelay $0x2  }
0xb7: {  	s31 =	sshll.u32 s1, $0xD;
	s1 =	sshrl.u32 s1, $0x2  }
0xb8: {  	s3 =	sand.u32 $0x4000, s31;
	s1 =	sadd.s32 s1, s30  }
0xb9: {  	s0 =	sor.u32 s3, s0;
	s1 =	sshll.u32 s1, $0x11  }
0xba: {  	s0 =	sor.u32 s1, s0  }
0xbb: {  	s0 =	sadd.s32 $0x8F2B, s0  }
0xbc: {  	[sflag:s0] =	ssyncadd.remote.s32 $0x1  }
0xbd: {  	_ =	sfence.sel $0xFFFF  }
0xbe: {  	[dreg:$0x0] =	wrdreg $0xFFFFFFFF;
	(pc) =	sbr.abs _section_cstart, $3  }
0xbf: {  	[dreg:$0x1] =	wrdreg $0xFFFFFFFF  }
0xc0: {  	_ =	task.clear_ibuf [dreg:s6], $0x2FFFF;
	_ =	strace $0x9FFFFFFF  }
0xc1: {  	(tm) =	ssettm $0x7FFFFFFF  }
tec
execute0_lowered:
.L_overlay_start_1:
0x0: {  	(tag) =	ssettag $0x1  }
0x1: {  	s1 =	srdreg.scid  }
0x2: {  	s0 =	stileid.u32;
	s4 =	rddreg [dreg:$0x0]  }
0x3: {  	s2 =	simm.s32 $0x0;
	s9 =	simm.s32 $0x80;
	s10 =	simm.s32 $0x100  }
0x4: {  	s11 =	simm.s32 $0x900;
	s12 =	simm.s32 $0x1100;
	s13 =	simm.s32 $0x1900  }
0x5: {  	s14 =	simm.s32 $0x2100;
	s3 =	sand.u32 $0x1, s1;
	s5 =	smul.u32 $0x2710, s0  }
0x6: {  	s15 =	simm.s32 $0x1;
	s1 =	rddreg [dreg:$0x1];
	s6 =	smul.u32 $0x1388, s3  }
0x7: {  	s16 =	simm.s32 $0x0;
	[smem:$0x7FF] =	sst s2;
	s30 =	ssub.s32 $0x2, s3  }
0x8: {  	_ =	strace $0x8000004D;
	s7 =	sshrl.u32 s30, $0x1;
	s5 =	sadd.s32 s6, s5  }
0x9: {  	v2 =	vlaneseq.u32;
	s3 =	sadd.s32 $0x14800, s4;
	s31 =	ssub.s32 s30, s7;
	s5 =	sshrl.u32 s5, $0x3  }
0xa: {  	vm0 =	vmmov $0xffff;
	v1 =	vshrl.u32 v2, $0x3;
	s8 =	sadd.s32 s5, s4;
	s4 =	sadd.s32 $0x62A00, s4;
	s5 =	smax.u32 s31, $0x1  }
0xb: {  	v0 =	vand.u32 $0x7, v2;
	v2 =	vor.u32 $0x8, v2;
	v1 =	vmul.u32 $0x8, v1;
	s6 =	sadd.s32 $0xA800, s8;
	s7 =	sadd.s32 $0xF800, s8;
	s8 =	simm.s32 $0x2  }
.LBB2_1:
0xc: {  	s17 =	simm.s32 $0x0  }
.LBB2_2:
0xd: {  	s18 =	sadd.s32 s17, s7  }
0xe: {  	[tilespmem:s2], [sflag:$0x2] =	stream.linear.gather [hbm4b:s18+s2], $0x28, $0x38;
	[tilespmem:$0x2900] =	vst v63  }
0xf: {  	_ =	swait.ge [sflag:s8], $0x28  }
0x10: {  	[sflag:s8] =	ssyncset.done $0x0  }
0x11: {  	s31 =	sadd.s32 s17, s6;
	[sflag:s8] =	ssyncadd.s32 $0xFFFFFFD8  }
0x12: {  	[tilespmem:s9], [sflag:$0x2] =	stream.linear.gather [hbm4b:s31+s2], $0x28, $0x38;
	[tilespmem:$0x2900] =	vst v63  }
0x13: {  	_ =	swait.ge [sflag:s8], $0x28  }
0x14: {  	[sflag:s8] =	ssyncset.done $0x0  }
0x15: {  	[sflag:s8] =	ssyncadd.s32 $0xFFFFFFD8  }
0x16: {  	v3 =	vld [tilespmem:$0x0];
	_ =	sdelay $0x4  }
0x17: {  	v4 =	vshll.u32 v3, $0x1  }
0x18: {  	v3 =	vand.u32 $0x7, v3;
	v4 =	vand.u32 $0xFFFFFFF0, v4  }
0x19: {  	v3 =	vor.u32 v3, v4  }
0x1a: {  	v4 =	vperm.xlane v3, v0;
	_ =	sdelay $0x1  }
0x1b: {  	v3 =	vperm.xlane v3, v2;
	v4 =	vadd.s32 v1, v4;
	_ =	sdelay $0x1  }
0x1c: {  	v3 =	vadd.s32 v1, v3;
	_ =	sdelay $0x2  }
0x1d: {  	[tilespmem:s10], [sflag:$0x1] =	stream.indirect_vreg.gather [hbm4b:s3+s2], $0x80, v4, vm0, $0xb8;
	[tilespmem:$0x2900] =	vst v63  }
0x1e: {  	_ = 	snop  }
0x1f: {  	[tilespmem:s11], [sflag:$0x1] =	stream.indirect_vreg.gather [hbm4b:s3+s2], $0x80, v3, vm0, $0xb8;
	[tilespmem:$0x2900] =	vst v63  }
0x20: {  	v3 =	vld [tilespmem:$0x10];
	_ =	sdelay $0x4  }
0x21: {  	v59 =	vshll.u32 v3, $0x1  }
0x22: {  	v3 =	vand.u32 $0x7, v3;
	v4 =	vand.u32 $0xFFFFFFF0, v59  }
0x23: {  	v3 =	vor.u32 v3, v4  }
0x24: {  	v4 =	vperm.xlane v3, v0;
	_ =	sdelay $0x1  }
0x25: {  	v3 =	vperm.xlane v3, v2;
	v4 =	vadd.s32 v1, v4;
	_ =	sdelay $0x1  }
0x26: {  	v3 =	vadd.s32 v1, v3;
	_ =	sdelay $0x2  }
0x27: {  	[tilespmem:s12], [sflag:$0x1] =	stream.indirect_vreg.gather [hbm4b:s3+s2], $0x80, v4, vm0, $0xb8;
	[tilespmem:$0x2900] =	vst v63  }
0x28: {  	_ = 	snop  }
0x29: {  	[tilespmem:s13], [sflag:$0x1] =	stream.indirect_vreg.gather [hbm4b:s3+s2], $0x80, v3, vm0, $0xb8;
	[tilespmem:$0x2900] =	vst v63  }
0x2a: {  	v3 =	vld.msk [tilespmem:$0x20], $0xff;
	_ =	sdelay $0x4  }
0x2b: {  	v60 =	vshll.u32 v3, $0x1  }
0x2c: {  	v3 =	vand.u32 $0x7, v3;
	v4 =	vand.u32 $0xFFFFFFF0, v60  }
0x2d: {  	v3 =	vor.u32 v3, v4  }
0x2e: {  	v3 =	vperm.xlane v3, v0;
	_ =	sdelay $0x1  }
0x2f: {  	v3 =	vadd.s32 v1, v3;
	_ =	sdelay $0x4  }
0x30: {  	[tilespmem:s14], [sflag:$0x1] =	stream.indirect_vreg.gather [hbm4b:s3+s2], $0x80, v3, vm0, $0xb8;
	[tilespmem:$0x2900] =	vst v63  }
0x31: {  	_ =	swait.ge [sflag:s15], $0x2800  }
0x32: {  	[sflag:s15] =	ssyncset.done $0x0  }
0x33: {  	[sflag:s15] =	ssyncadd.s32 $0xFFFFD800  }
0x34: {  	v3 =	vld [tilespmem:$0x80];
	_ =	sdelay $0x4  }
0x35: {  	v61 =	vshll.u32 v3, $0x1  }
0x36: {  	v3 =	vand.u32 $0x7, v3;
	v4 =	vand.u32 $0xFFFFFFF0, v61  }
0x37: {  	v3 =	vor.u32 v3, v4  }
0x38: {  	v4 =	vperm.xlane v3, v0;
	_ =	sdelay $0x1  }
0x39: {  	v3 =	vperm.xlane v3, v2;
	v4 =	vadd.s32 v1, v4;
	_ =	sdelay $0x1  }
0x3a: {  	v3 =	vadd.s32 v1, v3;
	_ =	sdelay $0x2  }
0x3b: {  	[hbm4b:s4+s2] =	stream.indirect_vreg.scatter [tilespmem:s10], [sflag:$0x2], $0x80, v4, vm0, $0xb8;
	[tilespmem:$0x2900] =	vst v63  }
0x3c: {  	_ = 	snop  }
0x3d: {  	[hbm4b:s4+s2] =	stream.indirect_vreg.scatter [tilespmem:s11], [sflag:$0x2], $0x80, v3, vm0, $0xb8;
	[tilespmem:$0x2900] =	vst v63  }
0x3e: {  	v3 =	vld [tilespmem:$0x90];
	_ =	sdelay $0x4  }
0x3f: {  	v62 =	vshll.u32 v3, $0x1  }
0x40: {  	v3 =	vand.u32 $0x7, v3;
	v4 =	vand.u32 $0xFFFFFFF0, v62  }
0x41: {  	v3 =	vor.u32 v3, v4  }
0x42: {  	v4 =	vperm.xlane v3, v0;
	_ =	sdelay $0x1  }
0x43: {  	v3 =	vperm.xlane v3, v2;
	v4 =	vadd.s32 v1, v4;
	_ =	sdelay $0x1  }
0x44: {  	v3 =	vadd.s32 v1, v3;
	_ =	sdelay $0x2  }
0x45: {  	[hbm4b:s4+s2] =	stream.indirect_vreg.scatter [tilespmem:s12], [sflag:$0x2], $0x80, v4, vm0, $0xb8;
	[tilespmem:$0x2900] =	vst v63  }
0x46: {  	_ = 	snop  }
0x47: {  	[hbm4b:s4+s2] =	stream.indirect_vreg.scatter [tilespmem:s13], [sflag:$0x2], $0x80, v3, vm0, $0xb8;
	[tilespmem:$0x2900] =	vst v63  }
0x48: {  	v3 =	vld.msk [tilespmem:$0xA0], $0xff;
	_ =	sdelay $0x4  }
0x49: {  	v63 =	vshll.u32 v3, $0x1  }
0x4a: {  	v3 =	vand.u32 $0x7, v3;
	v4 =	vand.u32 $0xFFFFFFF0, v63  }
0x4b: {  	v3 =	vor.u32 v3, v4  }
0x4c: {  	v3 =	vperm.xlane v3, v0;
	_ =	sdelay $0x1  }
0x4d: {  	v3 =	vadd.s32 v1, v3;
	_ =	sdelay $0x2  }
0x4e: {  	p0 =	sne.s32 s17, $0x26C  }
.Ltmp0:
0x4f: {  	_ = 	snop;
	(pc) =	sbr.rel @p0 .LBB2_2-.Ltmp0, $4  }
0x50: {  	[hbm4b:s4+s2] =	stream.indirect_vreg.scatter [tilespmem:s14], [sflag:$0x2], $0x80, v3, vm0, $0xb8;
	[tilespmem:$0x2900] =	vst v63  }
0x51: {  	_ =	swait.ge [sflag:s8], $0x2800  }
0x52: {  	[sflag:s8] =	ssyncset.done $0x0  }
0x53: {  	s17 =	sadd.s32 $0x5, s17;
	[sflag:s8] =	ssyncadd.s32 $0xFFFFD800  }
0x54: {  	s16 =	sadd.s32 $0x1, s16  }
0x55: {  	p0 =	sne.s32 s16, s5  }
.Ltmp1:
0x56: {  	_ = 	snop;
	(pc) =	sbr.rel @p0 .LBB2_1-.Ltmp1, $1  }
0x57: {  	_ =	sdelay $0x3  }
0x58: {  	_ =	sfence.sel $0x180000  }
0x59: {  	[bflag:$0x0] =	sbarrier.arrive $0xFFFF  }
0x5a: {  	p0 =	sne.s32 s0, $0x0;
	_ =	strace $0x9000004D  }
0x5b: {  	s0 =	sadd.s32 @!p0 $0x100000, s1;
	[bflag:$0x2] =	sbarrier.arrive $0xFFFF  }
0x5c: {  	[sflag:s0] =	ssyncadd.tile.s32 @!p0 $0x1;
	_ =	shalt  }
.Lfunc_end2:
_tile_overlayer_lowered:
.L_overlay_start_2:
0x5d: {  	(tag) =	ssettag $0x2  }
0x5e: {  	s0 =	rddreg [dreg:$0x0];
	s2 =	stileid.u32  }
0x5f: {  	s1 =	rddreg [dreg:$0x1];
	p0 =	sne.s32 s2, $0x0  }
0x60: {  	s3 =	rddreg [dreg:$0x2];
	[bflag:$0x3] =	sbarrier.arrive $0xFFFF;
	s2 =	simm.s32 @!p0 $0x1C02  }
0x61: {  	[timem:s3], [sflag:s2] =	dma.local @!p0 [hbm:s0], s1  }
0x62: {  	s0 =	simm.s32 @!p0 $0x2  }
0x63: {  	_ =	swait.ge @!p0 [sflag:s0], s1  }
0x64: {  	s1 =	ssub.s32 @!p0 $0x0, s1;
	[sflag:s0] =	ssyncset.done @!p0 $0x0  }
0x65: {  	[sflag:s0] =	ssyncadd.s32 @!p0 s1  }
0x66: {  	[bflag:$0x3] =	sbarrier.arrive $0xFFFF  }
0x67: {  	_ =	shalt  }

// kernel: kernel.32.cloned.1.call-start
scs
__scs_entry_jumppad:
0x0: {  	(pc) =	sbr.rel $0x88, $3  }
0x1: {  	(tag) =	ssettag $0x0;
	lr =	simm.s32 $0x1  }
0x2: {  	[smem:$0x3F75] =	sst lr;
	_ =	strace $0xD0000000  }
0x3: {  	_ = 	snop  }
0x4: {  	_ = 	snop  }
0x5: {  	_ = 	snop  }
0x6: {  	_ = 	snop  }
0x7: {  	_ = 	snop  }
__scs_overlays_trampoline_lowered:
0x8: {  	[smem:$0x3F84] =	sst s0  }
0x9: {  	[smem:$0x3F85] =	sst s1  }
0xa: {  	[smem:$0x3F86] =	sst s2  }
0xb: {  	[smem:$0x3F87] =	sst s3  }
0xc: {  	[smem:$0x3F88] =	sst s4  }
0xd: {  	[smem:$0x3F89] =	sst s5  }
0xe: {  	[smem:$0x3F8A] =	sst s6  }
0xf: {  	[smem:$0x3F8B] =	sst s7  }
0x10: {  	[smem:$0x3F8C] =	sst s8  }
0x11: {  	[smem:$0x3F8D] =	sst s9;
	s0 =	simm.s32 @!p0 $0x0  }
0x12: {  	s1 =	sld [smem:$0x3F73];
	s0 =	simm.s32 @p0 $0x1  }
0x13: {  	[smem:$0x3F8E] =	sst s0;
	s0 =	simm.s32 @!p1 $0x0  }
0x14: {  	s2 =	sld [smem:$0x3F72];
	s0 =	simm.s32 @p1 $0x1  }
0x15: {  	[smem:$0x3F8F] =	sst s0;
	s0 =	simm.s32 @!p2 $0x0  }
0x16: {  	s3 =	sld [smem:$0x3FDB];
	s0 =	simm.s32 @p2 $0x1  }
0x17: {  	s4 =	simm.s32 $0x1BF5;
	[smem:$0x3F91] =	sst s0  }
0x18: {  	s0 =	sld [smem:$0x3F74];
	_ =	swait.ge [sflag:s4], $0x0  }
0x19: {  	s7 =	sld [smem:$0x3F75]  }
0x1a: {  	s8 =	sadd.s32 $0xFFFFE003, lr  }
0x1b: {  	s9 =	sadd.s32 $0xFFFFFEF7, lr;
	s5 =	simm.s32 $0xFFFFFFFF;
	p2 =	slt.u32 s8, $0xFFFFF086  }
0x1c: {  	p1 =	slt.u32 s9, $0xF7A;
	s5 =	simm.s32 @!p2 $0x0  }
0x1d: {  	s5 =	simm.s32 @p1 $0x1;
	p0 =	seq.s32 s7, s2  }
0x1e: {  	s7 =	smul.u32 @!p0 $0xF7A, s2;
	p2 =	seq.s32 @!p0 s5, $0x0  }
0x1f: {  	s9 =	smul.u32 $0xF7A, s1;
	s8 =	simm.s32 @!p0 $0x1BF5;
	p2 =	por !p2, p0  }
0x20: {  	[sflag:s8] =	ssyncset.s32 @!p0 $0xFFFFF086;
	s6 =	sadd.s32 @!p0 s3, s7;
	s7 =	simm.s32 @!p0 $0x108  }
0x21: {  	s3 =	sadd.s32 s3, s9;
	s6 =	sadd.s32 @!p0 $0x88, s6;
	s7 =	simm.s32 @p2 $0x1082  }
0x22: {  	[simem:s7], [sflag:s8] =	dma.local @!p0 [hbm:s6], $0xF7A  }
0x23: {  	s9 =	sor.u32 $0xD0000000, s2;
	s6 =	simm.s32 $0x108;
	_ =	swait.ge @!p0 [sflag:s8], $0x0  }
0x24: {  	s3 =	sadd.s32 $0x88, s3;
	s6 =	simm.s32 @!p1 $0x1082;
	[sflag:s4] =	ssyncset.s32 $0xFFFFF086  }
0x25: {  	[simem:s6], [sflag:s4] =	dma.local [hbm:s3], $0xF7A  }
0x26: {  	[smem:$0x3F75] =	sst s1;
	(tag) =	ssettag s2;
	_ =	strace s9  }
0x27: {  	s1 =	sld [smem:$0x3F85]  }
0x28: {  	s2 =	sld [smem:$0x3F86]  }
0x29: {  	s4 =	sld [smem:$0x3F88]  }
0x2a: {  	p0 =	seq.s32 s5, $0x0;
	s5 =	sld [smem:$0x3F89]  }
0x2b: {  	s6 =	sld [smem:$0x3F8A]  }
0x2c: {  	s7 =	sld [smem:$0x3F8B]  }
0x2d: {  	s3 =	simm.s32 $0x108;
	s8 =	sld [smem:$0x3F8C]  }
0x2e: {  	s3 =	simm.s32 @!p0 $0x1082;
	s9 =	sld [smem:$0x3F8D]  }
0x2f: {  	lr =	sadd.s32 s0, s3;
	s0 =	sld [smem:$0x3F84]  }
0x30: {  	s3 =	sld [smem:$0x3F87]  }
0x31: {  	[smem:$0x3F90] =	sst s10  }
0x32: {  	s10 =	sld [smem:$0x3F8E];
	_ =	sdelay $0x3  }
0x33: {  	p0 =	seq.s32 s10, $0x1;
	s10 =	sld [smem:$0x3F90];
	_ =	sdelay $0x3  }
0x34: {  	[smem:$0x3F90] =	sst s10  }
0x35: {  	s10 =	sld [smem:$0x3F8F];
	_ =	sdelay $0x3  }
0x36: {  	p1 =	seq.s32 s10, $0x1;
	s10 =	sld [smem:$0x3F90];
	_ =	sdelay $0x3  }
0x37: {  	[smem:$0x3F90] =	sst s10  }
0x38: {  	s10 =	sld [smem:$0x3F91]  }
0x39: {  	_ = 	snop;
	(pc) =	sbr.ind lr, $3  }
0x3a: {  	_ = 	snop  }
0x3b: {  	_ = 	snop  }
0x3c: {  	p2 =	seq.s32 s10, $0x1;
	s10 =	sld [smem:$0x3F90]  }
0x3d: {  	_ =	shalt  }
0x3e: {  	_ =	shalt  }
0x3f: {  	_ =	shalt  }
0x40: {  	_ =	shalt  }
0x41: {  	_ =	shalt  }
0x42: {  	_ =	shalt  }
0x43: {  	_ =	shalt  }
0x44: {  	_ =	shalt  }
0x45: {  	_ =	shalt  }
0x46: {  	_ =	shalt  }
0x47: {  	_ =	shalt  }
0x48: {  	_ =	shalt  }
0x49: {  	_ =	shalt  }
0x4a: {  	_ =	shalt  }
0x4b: {  	_ =	shalt  }
0x4c: {  	_ =	shalt  }
0x4d: {  	_ =	shalt  }
0x4e: {  	_ =	shalt  }
0x4f: {  	_ =	shalt  }
0x50: {  	_ =	shalt  }
0x51: {  	_ =	shalt  }
0x52: {  	_ =	shalt  }
0x53: {  	_ =	shalt  }
0x54: {  	_ =	shalt  }
0x55: {  	_ =	shalt  }
0x56: {  	_ =	shalt  }
0x57: {  	_ =	shalt  }
0x58: {  	_ =	shalt  }
0x59: {  	_ =	shalt  }
0x5a: {  	_ =	shalt  }
0x5b: {  	_ =	shalt  }
0x5c: {  	_ =	shalt  }
0x5d: {  	_ =	shalt  }
0x5e: {  	_ =	shalt  }
0x5f: {  	_ =	shalt  }
0x60: {  	_ =	shalt  }
0x61: {  	_ =	shalt  }
0x62: {  	_ =	shalt  }
0x63: {  	_ =	shalt  }
0x64: {  	_ =	shalt  }
0x65: {  	_ =	shalt  }
0x66: {  	_ =	shalt  }
0x67: {  	_ =	shalt  }
0x68: {  	_ =	shalt  }
0x69: {  	_ =	shalt  }
0x6a: {  	_ =	shalt  }
0x6b: {  	_ =	shalt  }
0x6c: {  	_ =	shalt  }
0x6d: {  	_ =	shalt  }
0x6e: {  	_ =	shalt  }
0x6f: {  	_ =	shalt  }
0x70: {  	_ =	shalt  }
0x71: {  	_ =	shalt  }
0x72: {  	_ =	shalt  }
0x73: {  	_ =	shalt  }
0x74: {  	_ =	shalt  }
0x75: {  	_ =	shalt  }
0x76: {  	_ =	shalt  }
0x77: {  	_ =	shalt  }
0x78: {  	_ =	shalt  }
0x79: {  	_ =	shalt  }
0x7a: {  	_ =	shalt  }
0x7b: {  	_ =	shalt  }
0x7c: {  	_ =	shalt  }
0x7d: {  	_ =	shalt  }
0x7e: {  	_ =	shalt  }
0x7f: {  	_ =	shalt  }
0x80: {  	_ =	shalt  }
0x81: {  	_ =	shalt  }
0x82: {  	_ =	shalt  }
0x83: {  	_ =	shalt  }
0x84: {  	_ =	shalt  }
0x85: {  	_ =	shalt  }
0x86: {  	_ =	shalt  }
0x87: {  	_ =	shalt  }
.Lfunc_end0:
.L_simem_size_0:
called_computation.3_lowered:
.L_overlay_start_0:
0x88: {  	s2 =	sld [smem:$0x3FD9]  }
0x89: {  	s3 =	sld [smem:$0x3FFE];
	_ =	sdelay $0x1  }
0x8a: {  	s1 =	srdreg.scid  }
0x8b: {  	s0 =	sand.u32 $0x1, s1  }
0x8c: {  	s16 =	sshll.u32 s0, $0xA;
	s2 =	sadd.s32 s3, s2  }
0x8d: {  	s2 =	sadd.s32 s2, s16  }
0x8e: {  	[smem:$0x3F9C] =	sst s2  }
0x8f: {  	_ = 	snop  }
0x90: {  	(tm) =	ssettm $0x1  }
0x91: {  	s17 =	sld [smem:$0x3FFB];
	_ =	sdelay $0x3  }
0x92: {  	_ =	strace s17  }
0x93: {  	s2 =	sld [smem:$0x3FFC];
	_ =	sdelay $0x3  }
0x94: {  	_ =	strace s2  }
0x95: {  	s2 =	sld [smem:$0x3FFD];
	_ =	sdelay $0x3  }
0x96: {  	_ =	strace s2  }
0x97: {  	_ =	strace $0x8FFFFFFF  }
0x98: {  	s18 =	sld [smem:$0x3FDB];
	_ =	sdelay $0x1  }
0x99: {  	s19 =	simm.s32 $_scs_section_size  }
0x9a: {  	s4 =	simm.s32 $_size__tile_overlayer_lowered;
	s5 =	simm.s32 $_tile_overlayer_lowered  }
0x9b: {  	s22 =	simm.s32 $0x1BFF;
	s21 =	sshll.u32 s5, $0x1;
	s2 =	sadd.s32 s19, s18  }
0x9c: {  	s6 =	simm.s32 $0x0;
	s20 =	sshll.u32 s4, $0x1;
	s4 =	sadd.s32 s21, s2  }
0x9d: {  	[timem:s6], [sflag:s22] =	dma.local [hbm:s4], s20  }
0x9e: {  	_ =	swait.ge [sflag:s22], s20  }
0x9f: {  	s3 =	ssub.s32 $0x0, s20;
	[sflag:s22] =	ssyncset.done $0x0  }
0xa0: {  	[sflag:s22] =	ssyncadd.s32 s3;
	_ =	sdelay $0x1  }
0xa1: {  	s23 =	simm.s32 $0x1B8B  }
0xa2: {  	_ =	swait.ge [sflag:s23], $0x1  }
0xa3: {  	[sflag:s23] =	ssyncset.done $0x0  }
0xa4: {  	s25 =	simm.s32 $0x1B8E;
	s24 =	sld [smem:$0x3FFE];
	[sflag:s23] =	ssyncadd.s32 $0xFFFFFFFF  }
0xa5: {  	s26 =	simm.s32 $execute0_lowered;
	[smem:$0x3FD2] =	sst s25  }
0xa6: {  	s4 =	sshll.u32 s26, $0x1;
	_ =	strace $0x8000004F;
	[dreg:$0x1] =	wrdreg $0xFFFFFFFF  }
0xa7: {  	s28 =	simm.s32 $_size_execute0_lowered;
	s2 =	sadd.s32 s2, s4;
	[dreg:$0x0] =	wrdreg $0x0  }
0xa8: {  	s4 =	sshll.u32 s28, $0x1;
	[dreg:$0x2] =	wrdreg s2  }
0xa9: {  	[dreg:$0x3] =	wrdreg s4  }
0xaa: {  	[dreg:$0x4] =	wrdreg $0xC0  }
0xab: {  	_ =	task [dreg:s6], $0x5FFFF  }
0xac: {  	[dreg:$0x1] =	wrdreg $0xFFFFFFFF  }
0xad: {  	[dreg:$0x0] =	wrdreg $0x60  }
0xae: {  	[dreg:$0x2] =	wrdreg s24  }
0xaf: {  	[dreg:$0x3] =	wrdreg $0x9  }
0xb0: {  	_ =	task.clear_ibuf [dreg:s6], $0x4FFFF;
	_ =	strace $0x9000004F  }
0xb1: {  	s29 =	simm.s32 $0x9;
	_ =	strace $0x80000051  }
0xb2: {  	_ =	swait.ge [sflag:s29], $0x1  }
0xb3: {  	[sflag:s29] =	ssyncadd.s32 $0xFFFFFFFF  }
0xb4: {  	_ =	strace $0x90000051  }
0xb5: {  	_ =	sfence  }
0xb6: {  	s30 =	sld [smem:$0x0];
	_ =	sdelay $0x2  }
0xb7: {  	s31 =	sshll.u32 s1, $0xD;
	s1 =	sshrl.u32 s1, $0x2  }
0xb8: {  	s3 =	sand.u32 $0x4000, s31;
	s1 =	sadd.s32 s1, s30  }
0xb9: {  	s0 =	sor.u32 s3, s0;
	s1 =	sshll.u32 s1, $0x11  }
0xba: {  	s0 =	sor.u32 s1, s0  }
0xbb: {  	s0 =	sadd.s32 $0x8F2B, s0  }
0xbc: {  	[sflag:s0] =	ssyncadd.remote.s32 $0x1  }
0xbd: {  	_ =	sfence.sel $0xFFFF  }
0xbe: {  	[dreg:$0x0] =	wrdreg $0xFFFFFFFF;
	(pc) =	sbr.abs _section_cstart, $3  }
0xbf: {  	[dreg:$0x1] =	wrdreg $0xFFFFFFFF  }
0xc0: {  	_ =	task.clear_ibuf [dreg:s6], $0x2FFFF;
	_ =	strace $0x9FFFFFFF  }
0xc1: {  	(tm) =	ssettm $0x7FFFFFFF  }
tec
execute0_lowered:
.L_overlay_start_1:
0x0: {  	(tag) =	ssettag $0x1  }
0x1: {  	s1 =	srdreg.scid  }
0x2: {  	s0 =	stileid.u32;
	s4 =	rddreg [dreg:$0x0]  }
0x3: {  	s2 =	simm.s32 $0x0;
	s9 =	simm.s32 $0x80;
	s10 =	simm.s32 $0x100  }
0x4: {  	s11 =	simm.s32 $0x900;
	s12 =	simm.s32 $0x1100;
	s13 =	simm.s32 $0x1900  }
0x5: {  	s14 =	simm.s32 $0x2100;
	s3 =	sand.u32 $0x1, s1;
	s5 =	smul.u32 $0x2710, s0  }
0x6: {  	s15 =	simm.s32 $0x1;
	s1 =	rddreg [dreg:$0x1];
	s6 =	smul.u32 $0x1388, s3  }
0x7: {  	s16 =	simm.s32 $0x0;
	[smem:$0x7FF] =	sst s2;
	s30 =	ssub.s32 $0x2, s3  }
0x8: {  	_ =	strace $0x80000050;
	s7 =	sshrl.u32 s30, $0x1;
	s5 =	sadd.s32 s6, s5  }
0x9: {  	v2 =	vlaneseq.u32;
	s3 =	sadd.s32 $0x62A00, s4;
	s31 =	ssub.s32 s30, s7;
	s5 =	sshrl.u32 s5, $0x3  }
0xa: {  	vm0 =	vmmov $0xffff;
	v1 =	vshrl.u32 v2, $0x3;
	s8 =	sadd.s32 s5, s4;
	s4 =	sadd.s32 $0xB0C00, s4;
	s5 =	smax.u32 s31, $0x1  }
0xb: {  	v0 =	vand.u32 $0x7, v2;
	v2 =	vor.u32 $0x8, v2;
	v1 =	vmul.u32 $0x8, v1;
	s6 =	sadd.s32 $0xA800, s8;
	s7 =	sadd.s32 $0xF800, s8;
	s8 =	simm.s32 $0x2  }
.LBB2_1:
0xc: {  	s17 =	simm.s32 $0x0  }
.LBB2_2:
0xd: {  	s18 =	sadd.s32 s17, s7  }
0xe: {  	[tilespmem:s2], [sflag:$0x2] =	stream.linear.gather [hbm4b:s18+s2], $0x28, $0x38;
	[tilespmem:$0x2900] =	vst v63  }
0xf: {  	_ =	swait.ge [sflag:s8], $0x28  }
0x10: {  	[sflag:s8] =	ssyncset.done $0x0  }
0x11: {  	s31 =	sadd.s32 s17, s6;
	[sflag:s8] =	ssyncadd.s32 $0xFFFFFFD8  }
0x12: {  	[tilespmem:s9], [sflag:$0x2] =	stream.linear.gather [hbm4b:s31+s2], $0x28, $0x38;
	[tilespmem:$0x2900] =	vst v63  }
0x13: {  	_ =	swait.ge [sflag:s8], $0x28  }
0x14: {  	[sflag:s8] =	ssyncset.done $0x0  }
0x15: {  	[sflag:s8] =	ssyncadd.s32 $0xFFFFFFD8  }
0x16: {  	v3 =	vld [tilespmem:$0x0];
	_ =	sdelay $0x4  }
0x17: {  	v4 =	vshll.u32 v3, $0x1  }
0x18: {  	v3 =	vand.u32 $0x7, v3;
	v4 =	vand.u32 $0xFFFFFFF0, v4  }
0x19: {  	v3 =	vor.u32 v3, v4  }
0x1a: {  	v4 =	vperm.xlane v3, v0;
	_ =	sdelay $0x1  }
0x1b: {  	v3 =	vperm.xlane v3, v2;
	v4 =	vadd.s32 v1, v4;
	_ =	sdelay $0x1  }
0x1c: {  	v3 =	vadd.s32 v1, v3;
	_ =	sdelay $0x2  }
0x1d: {  	[tilespmem:s10], [sflag:$0x1] =	stream.indirect_vreg.gather [hbm4b:s3+s2], $0x80, v4, vm0, $0xb8;
	[tilespmem:$0x2900] =	vst v63  }
0x1e: {  	_ = 	snop  }
0x1f: {  	[tilespmem:s11], [sflag:$0x1] =	stream.indirect_vreg.gather [hbm4b:s3+s2], $0x80, v3, vm0, $0xb8;
	[tilespmem:$0x2900] =	vst v63  }
0x20: {  	v3 =	vld [tilespmem:$0x10];
	_ =	sdelay $0x4  }
0x21: {  	v59 =	vshll.u32 v3, $0x1  }
0x22: {  	v3 =	vand.u32 $0x7, v3;
	v4 =	vand.u32 $0xFFFFFFF0, v59  }
0x23: {  	v3 =	vor.u32 v3, v4  }
0x24: {  	v4 =	vperm.xlane v3, v0;
	_ =	sdelay $0x1  }
0x25: {  	v3 =	vperm.xlane v3, v2;
	v4 =	vadd.s32 v1, v4;
	_ =	sdelay $0x1  }
0x26: {  	v3 =	vadd.s32 v1, v3;
	_ =	sdelay $0x2  }
0x27: {  	[tilespmem:s12], [sflag:$0x1] =	stream.indirect_vreg.gather [hbm4b:s3+s2], $0x80, v4, vm0, $0xb8;
	[tilespmem:$0x2900] =	vst v63  }
0x28: {  	_ = 	snop  }
0x29: {  	[tilespmem:s13], [sflag:$0x1] =	stream.indirect_vreg.gather [hbm4b:s3+s2], $0x80, v3, vm0, $0xb8;
	[tilespmem:$0x2900] =	vst v63  }
0x2a: {  	v3 =	vld.msk [tilespmem:$0x20], $0xff;
	_ =	sdelay $0x4  }
0x2b: {  	v60 =	vshll.u32 v3, $0x1  }
0x2c: {  	v3 =	vand.u32 $0x7, v3;
	v4 =	vand.u32 $0xFFFFFFF0, v60  }
0x2d: {  	v3 =	vor.u32 v3, v4  }
0x2e: {  	v3 =	vperm.xlane v3, v0;
	_ =	sdelay $0x1  }
0x2f: {  	v3 =	vadd.s32 v1, v3;
	_ =	sdelay $0x4  }
0x30: {  	[tilespmem:s14], [sflag:$0x1] =	stream.indirect_vreg.gather [hbm4b:s3+s2], $0x80, v3, vm0, $0xb8;
	[tilespmem:$0x2900] =	vst v63  }
0x31: {  	_ =	swait.ge [sflag:s15], $0x2800  }
0x32: {  	[sflag:s15] =	ssyncset.done $0x0  }
0x33: {  	[sflag:s15] =	ssyncadd.s32 $0xFFFFD800  }
0x34: {  	v3 =	vld [tilespmem:$0x80];
	_ =	sdelay $0x4  }
0x35: {  	v61 =	vshll.u32 v3, $0x1  }
0x36: {  	v3 =	vand.u32 $0x7, v3;
	v4 =	vand.u32 $0xFFFFFFF0, v61  }
0x37: {  	v3 =	vor.u32 v3, v4  }
0x38: {  	v4 =	vperm.xlane v3, v0;
	_ =	sdelay $0x1  }
0x39: {  	v3 =	vperm.xlane v3, v2;
	v4 =	vadd.s32 v1, v4;
	_ =	sdelay $0x1  }
0x3a: {  	v3 =	vadd.s32 v1, v3;
	_ =	sdelay $0x2  }
0x3b: {  	[hbm4b:s4+s2] =	stream.indirect_vreg.scatter [tilespmem:s10], [sflag:$0x2], $0x80, v4, vm0, $0xb8;
	[tilespmem:$0x2900] =	vst v63  }
0x3c: {  	_ = 	snop  }
0x3d: {  	[hbm4b:s4+s2] =	stream.indirect_vreg.scatter [tilespmem:s11], [sflag:$0x2], $0x80, v3, vm0, $0xb8;
	[tilespmem:$0x2900] =	vst v63  }
0x3e: {  	v3 =	vld [tilespmem:$0x90];
	_ =	sdelay $0x4  }
0x3f: {  	v62 =	vshll.u32 v3, $0x1  }
0x40: {  	v3 =	vand.u32 $0x7, v3;
	v4 =	vand.u32 $0xFFFFFFF0, v62  }
0x41: {  	v3 =	vor.u32 v3, v4  }
0x42: {  	v4 =	vperm.xlane v3, v0;
	_ =	sdelay $0x1  }
0x43: {  	v3 =	vperm.xlane v3, v2;
	v4 =	vadd.s32 v1, v4;
	_ =	sdelay $0x1  }
0x44: {  	v3 =	vadd.s32 v1, v3;
	_ =	sdelay $0x2  }
0x45: {  	[hbm4b:s4+s2] =	stream.indirect_vreg.scatter [tilespmem:s12], [sflag:$0x2], $0x80, v4, vm0, $0xb8;
	[tilespmem:$0x2900] =	vst v63  }
0x46: {  	_ = 	snop  }
0x47: {  	[hbm4b:s4+s2] =	stream.indirect_vreg.scatter [tilespmem:s13], [sflag:$0x2], $0x80, v3, vm0, $0xb8;
	[tilespmem:$0x2900] =	vst v63  }
0x48: {  	v3 =	vld.msk [tilespmem:$0xA0], $0xff;
	_ =	sdelay $0x4  }
0x49: {  	v63 =	vshll.u32 v3, $0x1  }
0x4a: {  	v3 =	vand.u32 $0x7, v3;
	v4 =	vand.u32 $0xFFFFFFF0, v63  }
0x4b: {  	v3 =	vor.u32 v3, v4  }
0x4c: {  	v3 =	vperm.xlane v3, v0;
	_ =	sdelay $0x1  }
0x4d: {  	v3 =	vadd.s32 v1, v3;
	_ =	sdelay $0x2  }
0x4e: {  	p0 =	sne.s32 s17, $0x26C  }
.Ltmp0:
0x4f: {  	_ = 	snop;
	(pc) =	sbr.rel @p0 .LBB2_2-.Ltmp0, $4  }
0x50: {  	[hbm4b:s4+s2] =	stream.indirect_vreg.scatter [tilespmem:s14], [sflag:$0x2], $0x80, v3, vm0, $0xb8;
	[tilespmem:$0x2900] =	vst v63  }
0x51: {  	_ =	swait.ge [sflag:s8], $0x2800  }
0x52: {  	[sflag:s8] =	ssyncset.done $0x0  }
0x53: {  	s17 =	sadd.s32 $0x5, s17;
	[sflag:s8] =	ssyncadd.s32 $0xFFFFD800  }
0x54: {  	s16 =	sadd.s32 $0x1, s16  }
0x55: {  	p0 =	sne.s32 s16, s5  }
.Ltmp1:
0x56: {  	_ = 	snop;
	(pc) =	sbr.rel @p0 .LBB2_1-.Ltmp1, $1  }
0x57: {  	_ =	sdelay $0x3  }
0x58: {  	_ =	sfence.sel $0x180000  }
0x59: {  	[bflag:$0x0] =	sbarrier.arrive $0xFFFF  }
0x5a: {  	p0 =	sne.s32 s0, $0x0;
	_ =	strace $0x90000050  }
0x5b: {  	s0 =	sadd.s32 @!p0 $0x100000, s1;
	[bflag:$0x2] =	sbarrier.arrive $0xFFFF  }
0x5c: {  	[sflag:s0] =	ssyncadd.tile.s32 @!p0 $0x1;
	_ =	shalt  }
.Lfunc_end2:
_tile_overlayer_lowered:
.L_overlay_start_2:
0x5d: {  	(tag) =	ssettag $0x2  }
0x5e: {  	s0 =	rddreg [dreg:$0x0];
	s2 =	stileid.u32  }
0x5f: {  	s1 =	rddreg [dreg:$0x1];
	p0 =	sne.s32 s2, $0x0  }
0x60: {  	s3 =	rddreg [dreg:$0x2];
	[bflag:$0x3] =	sbarrier.arrive $0xFFFF;
	s2 =	simm.s32 @!p0 $0x1C02  }
0x61: {  	[timem:s3], [sflag:s2] =	dma.local @!p0 [hbm:s0], s1  }
0x62: {  	s0 =	simm.s32 @!p0 $0x2  }
0x63: {  	_ =	swait.ge @!p0 [sflag:s0], s1  }
0x64: {  	s1 =	ssub.s32 @!p0 $0x0, s1;
	[sflag:s0] =	ssyncset.done @!p0 $0x0  }
0x65: {  	[sflag:s0] =	ssyncadd.s32 @!p0 s1  }
0x66: {  	[bflag:$0x3] =	sbarrier.arrive $0xFFFF  }
0x67: {  	_ =	shalt  }

// kernel: kernel.35.cloned.1.call-start
scs
__scs_entry_jumppad:
0x0: {  	(pc) =	sbr.rel $0x88, $3  }
0x1: {  	(tag) =	ssettag $0x0;
	lr =	simm.s32 $0x1  }
0x2: {  	[smem:$0x3F75] =	sst lr;
	_ =	strace $0xD0000000  }
0x3: {  	_ = 	snop  }
0x4: {  	_ = 	snop  }
0x5: {  	_ = 	snop  }
0x6: {  	_ = 	snop  }
0x7: {  	_ = 	snop  }
__scs_overlays_trampoline_lowered:
0x8: {  	[smem:$0x3F84] =	sst s0  }
0x9: {  	[smem:$0x3F85] =	sst s1  }
0xa: {  	[smem:$0x3F86] =	sst s2  }
0xb: {  	[smem:$0x3F87] =	sst s3  }
0xc: {  	[smem:$0x3F88] =	sst s4  }
0xd: {  	[smem:$0x3F89] =	sst s5  }
0xe: {  	[smem:$0x3F8A] =	sst s6  }
0xf: {  	[smem:$0x3F8B] =	sst s7  }
0x10: {  	[smem:$0x3F8C] =	sst s8  }
0x11: {  	[smem:$0x3F8D] =	sst s9;
	s0 =	simm.s32 @!p0 $0x0  }
0x12: {  	s1 =	sld [smem:$0x3F73];
	s0 =	simm.s32 @p0 $0x1  }
0x13: {  	[smem:$0x3F8E] =	sst s0;
	s0 =	simm.s32 @!p1 $0x0  }
0x14: {  	s2 =	sld [smem:$0x3F72];
	s0 =	simm.s32 @p1 $0x1  }
0x15: {  	[smem:$0x3F8F] =	sst s0;
	s0 =	simm.s32 @!p2 $0x0  }
0x16: {  	s3 =	sld [smem:$0x3FDB];
	s0 =	simm.s32 @p2 $0x1  }
0x17: {  	s4 =	simm.s32 $0x1BF5;
	[smem:$0x3F91] =	sst s0  }
0x18: {  	s0 =	sld [smem:$0x3F74];
	_ =	swait.ge [sflag:s4], $0x0  }
0x19: {  	s7 =	sld [smem:$0x3F75]  }
0x1a: {  	s8 =	sadd.s32 $0xFFFFE003, lr  }
0x1b: {  	s9 =	sadd.s32 $0xFFFFFEF7, lr;
	s5 =	simm.s32 $0xFFFFFFFF;
	p2 =	slt.u32 s8, $0xFFFFF086  }
0x1c: {  	p1 =	slt.u32 s9, $0xF7A;
	s5 =	simm.s32 @!p2 $0x0  }
0x1d: {  	s5 =	simm.s32 @p1 $0x1;
	p0 =	seq.s32 s7, s2  }
0x1e: {  	s7 =	smul.u32 @!p0 $0xF7A, s2;
	p2 =	seq.s32 @!p0 s5, $0x0  }
0x1f: {  	s9 =	smul.u32 $0xF7A, s1;
	s8 =	simm.s32 @!p0 $0x1BF5;
	p2 =	por !p2, p0  }
0x20: {  	[sflag:s8] =	ssyncset.s32 @!p0 $0xFFFFF086;
	s6 =	sadd.s32 @!p0 s3, s7;
	s7 =	simm.s32 @!p0 $0x108  }
0x21: {  	s3 =	sadd.s32 s3, s9;
	s6 =	sadd.s32 @!p0 $0x88, s6;
	s7 =	simm.s32 @p2 $0x1082  }
0x22: {  	[simem:s7], [sflag:s8] =	dma.local @!p0 [hbm:s6], $0xF7A  }
0x23: {  	s9 =	sor.u32 $0xD0000000, s2;
	s6 =	simm.s32 $0x108;
	_ =	swait.ge @!p0 [sflag:s8], $0x0  }
0x24: {  	s3 =	sadd.s32 $0x88, s3;
	s6 =	simm.s32 @!p1 $0x1082;
	[sflag:s4] =	ssyncset.s32 $0xFFFFF086  }
0x25: {  	[simem:s6], [sflag:s4] =	dma.local [hbm:s3], $0xF7A  }
0x26: {  	[smem:$0x3F75] =	sst s1;
	(tag) =	ssettag s2;
	_ =	strace s9  }
0x27: {  	s1 =	sld [smem:$0x3F85]  }
0x28: {  	s2 =	sld [smem:$0x3F86]  }
0x29: {  	s4 =	sld [smem:$0x3F88]  }
0x2a: {  	p0 =	seq.s32 s5, $0x0;
	s5 =	sld [smem:$0x3F89]  }
0x2b: {  	s6 =	sld [smem:$0x3F8A]  }
0x2c: {  	s7 =	sld [smem:$0x3F8B]  }
0x2d: {  	s3 =	simm.s32 $0x108;
	s8 =	sld [smem:$0x3F8C]  }
0x2e: {  	s3 =	simm.s32 @!p0 $0x1082;
	s9 =	sld [smem:$0x3F8D]  }
0x2f: {  	lr =	sadd.s32 s0, s3;
	s0 =	sld [smem:$0x3F84]  }
0x30: {  	s3 =	sld [smem:$0x3F87]  }
0x31: {  	[smem:$0x3F90] =	sst s10  }
0x32: {  	s10 =	sld [smem:$0x3F8E];
	_ =	sdelay $0x3  }
0x33: {  	p0 =	seq.s32 s10, $0x1;
	s10 =	sld [smem:$0x3F90];
	_ =	sdelay $0x3  }
0x34: {  	[smem:$0x3F90] =	sst s10  }
0x35: {  	s10 =	sld [smem:$0x3F8F];
	_ =	sdelay $0x3  }
0x36: {  	p1 =	seq.s32 s10, $0x1;
	s10 =	sld [smem:$0x3F90];
	_ =	sdelay $0x3  }
0x37: {  	[smem:$0x3F90] =	sst s10  }
0x38: {  	s10 =	sld [smem:$0x3F91]  }
0x39: {  	_ = 	snop;
	(pc) =	sbr.ind lr, $3  }
0x3a: {  	_ = 	snop  }
0x3b: {  	_ = 	snop  }
0x3c: {  	p2 =	seq.s32 s10, $0x1;
	s10 =	sld [smem:$0x3F90]  }
0x3d: {  	_ =	shalt  }
0x3e: {  	_ =	shalt  }
0x3f: {  	_ =	shalt  }
0x40: {  	_ =	shalt  }
0x41: {  	_ =	shalt  }
0x42: {  	_ =	shalt  }
0x43: {  	_ =	shalt  }
0x44: {  	_ =	shalt  }
0x45: {  	_ =	shalt  }
0x46: {  	_ =	shalt  }
0x47: {  	_ =	shalt  }
0x48: {  	_ =	shalt  }
0x49: {  	_ =	shalt  }
0x4a: {  	_ =	shalt  }
0x4b: {  	_ =	shalt  }
0x4c: {  	_ =	shalt  }
0x4d: {  	_ =	shalt  }
0x4e: {  	_ =	shalt  }
0x4f: {  	_ =	shalt  }
0x50: {  	_ =	shalt  }
0x51: {  	_ =	shalt  }
0x52: {  	_ =	shalt  }
0x53: {  	_ =	shalt  }
0x54: {  	_ =	shalt  }
0x55: {  	_ =	shalt  }
0x56: {  	_ =	shalt  }
0x57: {  	_ =	shalt  }
0x58: {  	_ =	shalt  }
0x59: {  	_ =	shalt  }
0x5a: {  	_ =	shalt  }
0x5b: {  	_ =	shalt  }
0x5c: {  	_ =	shalt  }
0x5d: {  	_ =	shalt  }
0x5e: {  	_ =	shalt  }
0x5f: {  	_ =	shalt  }
0x60: {  	_ =	shalt  }
0x61: {  	_ =	shalt  }
0x62: {  	_ =	shalt  }
0x63: {  	_ =	shalt  }
0x64: {  	_ =	shalt  }
0x65: {  	_ =	shalt  }
0x66: {  	_ =	shalt  }
0x67: {  	_ =	shalt  }
0x68: {  	_ =	shalt  }
0x69: {  	_ =	shalt  }
0x6a: {  	_ =	shalt  }
0x6b: {  	_ =	shalt  }
0x6c: {  	_ =	shalt  }
0x6d: {  	_ =	shalt  }
0x6e: {  	_ =	shalt  }
0x6f: {  	_ =	shalt  }
0x70: {  	_ =	shalt  }
0x71: {  	_ =	shalt  }
0x72: {  	_ =	shalt  }
0x73: {  	_ =	shalt  }
0x74: {  	_ =	shalt  }
0x75: {  	_ =	shalt  }
0x76: {  	_ =	shalt  }
0x77: {  	_ =	shalt  }
0x78: {  	_ =	shalt  }
0x79: {  	_ =	shalt  }
0x7a: {  	_ =	shalt  }
0x7b: {  	_ =	shalt  }
0x7c: {  	_ =	shalt  }
0x7d: {  	_ =	shalt  }
0x7e: {  	_ =	shalt  }
0x7f: {  	_ =	shalt  }
0x80: {  	_ =	shalt  }
0x81: {  	_ =	shalt  }
0x82: {  	_ =	shalt  }
0x83: {  	_ =	shalt  }
0x84: {  	_ =	shalt  }
0x85: {  	_ =	shalt  }
0x86: {  	_ =	shalt  }
0x87: {  	_ =	shalt  }
.Lfunc_end0:
.L_simem_size_0:
called_computation.4_lowered:
.L_overlay_start_0:
0x88: {  	s2 =	sld [smem:$0x3FD9]  }
0x89: {  	s3 =	sld [smem:$0x3FFE];
	_ =	sdelay $0x1  }
0x8a: {  	s1 =	srdreg.scid  }
0x8b: {  	s0 =	sand.u32 $0x1, s1  }
0x8c: {  	s16 =	sshll.u32 s0, $0xA;
	s2 =	sadd.s32 s3, s2  }
0x8d: {  	s2 =	sadd.s32 s2, s16  }
0x8e: {  	[smem:$0x3F9C] =	sst s2  }
0x8f: {  	_ = 	snop  }
0x90: {  	(tm) =	ssettm $0x1  }
0x91: {  	s17 =	sld [smem:$0x3FFB];
	_ =	sdelay $0x3  }
0x92: {  	_ =	strace s17  }
0x93: {  	s2 =	sld [smem:$0x3FFC];
	_ =	sdelay $0x3  }
0x94: {  	_ =	strace s2  }
0x95: {  	s2 =	sld [smem:$0x3FFD];
	_ =	sdelay $0x3  }
0x96: {  	_ =	strace s2  }
0x97: {  	_ =	strace $0x8FFFFFFF  }
0x98: {  	s18 =	sld [smem:$0x3FDB];
	_ =	sdelay $0x1  }
0x99: {  	s19 =	simm.s32 $_scs_section_size  }
0x9a: {  	s4 =	simm.s32 $_size__tile_overlayer_lowered;
	s5 =	simm.s32 $_tile_overlayer_lowered  }
0x9b: {  	s22 =	simm.s32 $0x1BFF;
	s21 =	sshll.u32 s5, $0x1;
	s2 =	sadd.s32 s19, s18  }
0x9c: {  	s6 =	simm.s32 $0x0;
	s20 =	sshll.u32 s4, $0x1;
	s4 =	sadd.s32 s21, s2  }
0x9d: {  	[timem:s6], [sflag:s22] =	dma.local [hbm:s4], s20  }
0x9e: {  	_ =	swait.ge [sflag:s22], s20  }
0x9f: {  	s3 =	ssub.s32 $0x0, s20;
	[sflag:s22] =	ssyncset.done $0x0  }
0xa0: {  	[sflag:s22] =	ssyncadd.s32 s3;
	_ =	sdelay $0x1  }
0xa1: {  	s23 =	simm.s32 $0x1B8B  }
0xa2: {  	_ =	swait.ge [sflag:s23], $0x1  }
0xa3: {  	[sflag:s23] =	ssyncset.done $0x0  }
0xa4: {  	s25 =	simm.s32 $0x1B8E;
	s24 =	sld [smem:$0x3FFE];
	[sflag:s23] =	ssyncadd.s32 $0xFFFFFFFF  }
0xa5: {  	s26 =	simm.s32 $execute0_lowered;
	[smem:$0x3FD2] =	sst s25  }
0xa6: {  	s4 =	sshll.u32 s26, $0x1;
	_ =	strace $0x80000052;
	[dreg:$0x1] =	wrdreg $0xFFFFFFFF  }
0xa7: {  	s28 =	simm.s32 $_size_execute0_lowered;
	s2 =	sadd.s32 s2, s4;
	[dreg:$0x0] =	wrdreg $0x0  }
0xa8: {  	s4 =	sshll.u32 s28, $0x1;
	[dreg:$0x2] =	wrdreg s2  }
0xa9: {  	[dreg:$0x3] =	wrdreg s4  }
0xaa: {  	[dreg:$0x4] =	wrdreg $0xC0  }
0xab: {  	_ =	task [dreg:s6], $0x5FFFF  }
0xac: {  	[dreg:$0x1] =	wrdreg $0xFFFFFFFF  }
0xad: {  	[dreg:$0x0] =	wrdreg $0x60  }
0xae: {  	[dreg:$0x2] =	wrdreg s24  }
0xaf: {  	[dreg:$0x3] =	wrdreg $0x9  }
0xb0: {  	_ =	task.clear_ibuf [dreg:s6], $0x4FFFF;
	_ =	strace $0x90000052  }
0xb1: {  	s29 =	simm.s32 $0x9;
	_ =	strace $0x80000054  }
0xb2: {  	_ =	swait.ge [sflag:s29], $0x1  }
0xb3: {  	[sflag:s29] =	ssyncadd.s32 $0xFFFFFFFF  }
0xb4: {  	_ =	strace $0x90000054  }
0xb5: {  	_ =	sfence  }
0xb6: {  	s30 =	sld [smem:$0x0];
	_ =	sdelay $0x2  }
0xb7: {  	s31 =	sshll.u32 s1, $0xD;
	s1 =	sshrl.u32 s1, $0x2  }
0xb8: {  	s3 =	sand.u32 $0x4000, s31;
	s1 =	sadd.s32 s1, s30  }
0xb9: {  	s0 =	sor.u32 s3, s0;
	s1 =	sshll.u32 s1, $0x11  }
0xba: {  	s0 =	sor.u32 s1, s0  }
0xbb: {  	s0 =	sadd.s32 $0x8F2B, s0  }
0xbc: {  	[sflag:s0] =	ssyncadd.remote.s32 $0x1  }
0xbd: {  	_ =	sfence.sel $0xFFFF  }
0xbe: {  	[dreg:$0x0] =	wrdreg $0xFFFFFFFF;
	(pc) =	sbr.abs _section_cstart, $3  }
0xbf: {  	[dreg:$0x1] =	wrdreg $0xFFFFFFFF  }
0xc0: {  	_ =	task.clear_ibuf [dreg:s6], $0x2FFFF;
	_ =	strace $0x9FFFFFFF  }
0xc1: {  	(tm) =	ssettm $0x7FFFFFFF  }
tec
execute0_lowered:
.L_overlay_start_1:
0x0: {  	(tag) =	ssettag $0x1  }
0x1: {  	s1 =	srdreg.scid  }
0x2: {  	s0 =	stileid.u32;
	s4 =	rddreg [dreg:$0x0]  }
0x3: {  	s2 =	simm.s32 $0x0;
	s9 =	simm.s32 $0x80;
	s10 =	simm.s32 $0x100  }
0x4: {  	s11 =	simm.s32 $0x900;
	s12 =	simm.s32 $0x1100;
	s13 =	simm.s32 $0x1900  }
0x5: {  	s14 =	simm.s32 $0x2100;
	s3 =	sand.u32 $0x1, s1;
	s5 =	smul.u32 $0x2710, s0  }
0x6: {  	s15 =	simm.s32 $0x1;
	s1 =	rddreg [dreg:$0x1];
	s6 =	smul.u32 $0x1388, s3  }
0x7: {  	s16 =	simm.s32 $0x0;
	[smem:$0x7FF] =	sst s2;
	s30 =	ssub.s32 $0x2, s3  }
0x8: {  	_ =	strace $0x80000053;
	s7 =	sshrl.u32 s30, $0x1;
	s5 =	sadd.s32 s6, s5  }
0x9: {  	v2 =	vlaneseq.u32;
	s3 =	sadd.s32 $0xB0C00, s4;
	s31 =	ssub.s32 s30, s7;
	s5 =	sshrl.u32 s5, $0x3  }
0xa: {  	vm0 =	vmmov $0xffff;
	v1 =	vshrl.u32 v2, $0x3;
	s8 =	sadd.s32 s5, s4;
	s4 =	sadd.s32 $0xFEE00, s4;
	s5 =	smax.u32 s31, $0x1  }
0xb: {  	v0 =	vand.u32 $0x7, v2;
	v2 =	vor.u32 $0x8, v2;
	v1 =	vmul.u32 $0x8, v1;
	s6 =	sadd.s32 $0xA800, s8;
	s7 =	sadd.s32 $0xF800, s8;
	s8 =	simm.s32 $0x2  }
.LBB2_1:
0xc: {  	s17 =	simm.s32 $0x0  }
.LBB2_2:
0xd: {  	s18 =	sadd.s32 s17, s7  }
0xe: {  	[tilespmem:s2], [sflag:$0x2] =	stream.linear.gather [hbm4b:s18+s2], $0x28, $0x38;
	[tilespmem:$0x2900] =	vst v63  }
0xf: {  	_ =	swait.ge [sflag:s8], $0x28  }
0x10: {  	[sflag:s8] =	ssyncset.done $0x0  }
0x11: {  	s31 =	sadd.s32 s17, s6;
	[sflag:s8] =	ssyncadd.s32 $0xFFFFFFD8  }
0x12: {  	[tilespmem:s9], [sflag:$0x2] =	stream.linear.gather [hbm4b:s31+s2], $0x28, $0x38;
	[tilespmem:$0x2900] =	vst v63  }
0x13: {  	_ =	swait.ge [sflag:s8], $0x28  }
0x14: {  	[sflag:s8] =	ssyncset.done $0x0  }
0x15: {  	[sflag:s8] =	ssyncadd.s32 $0xFFFFFFD8  }
0x16: {  	v3 =	vld [tilespmem:$0x0];
	_ =	sdelay $0x4  }
0x17: {  	v4 =	vshll.u32 v3, $0x1  }
0x18: {  	v3 =	vand.u32 $0x7, v3;
	v4 =	vand.u32 $0xFFFFFFF0, v4  }
0x19: {  	v3 =	vor.u32 v3, v4  }
0x1a: {  	v4 =	vperm.xlane v3, v0;
	_ =	sdelay $0x1  }
0x1b: {  	v3 =	vperm.xlane v3, v2;
	v4 =	vadd.s32 v1, v4;
	_ =	sdelay $0x1  }
0x1c: {  	v3 =	vadd.s32 v1, v3;
	_ =	sdelay $0x2  }
0x1d: {  	[tilespmem:s10], [sflag:$0x1] =	stream.indirect_vreg.gather [hbm4b:s3+s2], $0x80, v4, vm0, $0xb8;
	[tilespmem:$0x2900] =	vst v63  }
0x1e: {  	_ = 	snop  }
0x1f: {  	[tilespmem:s11], [sflag:$0x1] =	stream.indirect_vreg.gather [hbm4b:s3+s2], $0x80, v3, vm0, $0xb8;
	[tilespmem:$0x2900] =	vst v63  }
0x20: {  	v3 =	vld [tilespmem:$0x10];
	_ =	sdelay $0x4  }
0x21: {  	v59 =	vshll.u32 v3, $0x1  }
0x22: {  	v3 =	vand.u32 $0x7, v3;
	v4 =	vand.u32 $0xFFFFFFF0, v59  }
0x23: {  	v3 =	vor.u32 v3, v4  }
0x24: {  	v4 =	vperm.xlane v3, v0;
	_ =	sdelay $0x1  }
0x25: {  	v3 =	vperm.xlane v3, v2;
	v4 =	vadd.s32 v1, v4;
	_ =	sdelay $0x1  }
0x26: {  	v3 =	vadd.s32 v1, v3;
	_ =	sdelay $0x2  }
0x27: {  	[tilespmem:s12], [sflag:$0x1] =	stream.indirect_vreg.gather [hbm4b:s3+s2], $0x80, v4, vm0, $0xb8;
	[tilespmem:$0x2900] =	vst v63  }
0x28: {  	_ = 	snop  }
0x29: {  	[tilespmem:s13], [sflag:$0x1] =	stream.indirect_vreg.gather [hbm4b:s3+s2], $0x80, v3, vm0, $0xb8;
	[tilespmem:$0x2900] =	vst v63  }
0x2a: {  	v3 =	vld.msk [tilespmem:$0x20], $0xff;
	_ =	sdelay $0x4  }
0x2b: {  	v60 =	vshll.u32 v3, $0x1  }
0x2c: {  	v3 =	vand.u32 $0x7, v3;
	v4 =	vand.u32 $0xFFFFFFF0, v60  }
0x2d: {  	v3 =	vor.u32 v3, v4  }
0x2e: {  	v3 =	vperm.xlane v3, v0;
	_ =	sdelay $0x1  }
0x2f: {  	v3 =	vadd.s32 v1, v3;
	_ =	sdelay $0x4  }
0x30: {  	[tilespmem:s14], [sflag:$0x1] =	stream.indirect_vreg.gather [hbm4b:s3+s2], $0x80, v3, vm0, $0xb8;
	[tilespmem:$0x2900] =	vst v63  }
0x31: {  	_ =	swait.ge [sflag:s15], $0x2800  }
0x32: {  	[sflag:s15] =	ssyncset.done $0x0  }
0x33: {  	[sflag:s15] =	ssyncadd.s32 $0xFFFFD800  }
0x34: {  	v3 =	vld [tilespmem:$0x80];
	_ =	sdelay $0x4  }
0x35: {  	v61 =	vshll.u32 v3, $0x1  }
0x36: {  	v3 =	vand.u32 $0x7, v3;
	v4 =	vand.u32 $0xFFFFFFF0, v61  }
0x37: {  	v3 =	vor.u32 v3, v4  }
0x38: {  	v4 =	vperm.xlane v3, v0;
	_ =	sdelay $0x1  }
0x39: {  	v3 =	vperm.xlane v3, v2;
	v4 =	vadd.s32 v1, v4;
	_ =	sdelay $0x1  }
0x3a: {  	v3 =	vadd.s32 v1, v3;
	_ =	sdelay $0x2  }
0x3b: {  	[hbm4b:s4+s2] =	stream.indirect_vreg.scatter [tilespmem:s10], [sflag:$0x2], $0x80, v4, vm0, $0xb8;
	[tilespmem:$0x2900] =	vst v63  }
0x3c: {  	_ = 	snop  }
0x3d: {  	[hbm4b:s4+s2] =	stream.indirect_vreg.scatter [tilespmem:s11], [sflag:$0x2], $0x80, v3, vm0, $0xb8;
	[tilespmem:$0x2900] =	vst v63  }
0x3e: {  	v3 =	vld [tilespmem:$0x90];
	_ =	sdelay $0x4  }
0x3f: {  	v62 =	vshll.u32 v3, $0x1  }
0x40: {  	v3 =	vand.u32 $0x7, v3;
	v4 =	vand.u32 $0xFFFFFFF0, v62  }
0x41: {  	v3 =	vor.u32 v3, v4  }
0x42: {  	v4 =	vperm.xlane v3, v0;
	_ =	sdelay $0x1  }
0x43: {  	v3 =	vperm.xlane v3, v2;
	v4 =	vadd.s32 v1, v4;
	_ =	sdelay $0x1  }
0x44: {  	v3 =	vadd.s32 v1, v3;
	_ =	sdelay $0x2  }
0x45: {  	[hbm4b:s4+s2] =	stream.indirect_vreg.scatter [tilespmem:s12], [sflag:$0x2], $0x80, v4, vm0, $0xb8;
	[tilespmem:$0x2900] =	vst v63  }
0x46: {  	_ = 	snop  }
0x47: {  	[hbm4b:s4+s2] =	stream.indirect_vreg.scatter [tilespmem:s13], [sflag:$0x2], $0x80, v3, vm0, $0xb8;
	[tilespmem:$0x2900] =	vst v63  }
0x48: {  	v3 =	vld.msk [tilespmem:$0xA0], $0xff;
	_ =	sdelay $0x4  }
0x49: {  	v63 =	vshll.u32 v3, $0x1  }
0x4a: {  	v3 =	vand.u32 $0x7, v3;
	v4 =	vand.u32 $0xFFFFFFF0, v63  }
0x4b: {  	v3 =	vor.u32 v3, v4  }
0x4c: {  	v3 =	vperm.xlane v3, v0;
	_ =	sdelay $0x1  }
0x4d: {  	v3 =	vadd.s32 v1, v3;
	_ =	sdelay $0x2  }
0x4e: {  	p0 =	sne.s32 s17, $0x26C  }
.Ltmp0:
0x4f: {  	_ = 	snop;
	(pc) =	sbr.rel @p0 .LBB2_2-.Ltmp0, $4  }
0x50: {  	[hbm4b:s4+s2] =	stream.indirect_vreg.scatter [tilespmem:s14], [sflag:$0x2], $0x80, v3, vm0, $0xb8;
	[tilespmem:$0x2900] =	vst v63  }
0x51: {  	_ =	swait.ge [sflag:s8], $0x2800  }
0x52: {  	[sflag:s8] =	ssyncset.done $0x0  }
0x53: {  	s17 =	sadd.s32 $0x5, s17;
	[sflag:s8] =	ssyncadd.s32 $0xFFFFD800  }
0x54: {  	s16 =	sadd.s32 $0x1, s16  }
0x55: {  	p0 =	sne.s32 s16, s5  }
.Ltmp1:
0x56: {  	_ = 	snop;
	(pc) =	sbr.rel @p0 .LBB2_1-.Ltmp1, $1  }
0x57: {  	_ =	sdelay $0x3  }
0x58: {  	_ =	sfence.sel $0x180000  }
0x59: {  	[bflag:$0x0] =	sbarrier.arrive $0xFFFF  }
0x5a: {  	p0 =	sne.s32 s0, $0x0;
	_ =	strace $0x90000053  }
0x5b: {  	s0 =	sadd.s32 @!p0 $0x100000, s1;
	[bflag:$0x2] =	sbarrier.arrive $0xFFFF  }
0x5c: {  	[sflag:s0] =	ssyncadd.tile.s32 @!p0 $0x1;
	_ =	shalt  }
.Lfunc_end2:
_tile_overlayer_lowered:
.L_overlay_start_2:
0x5d: {  	(tag) =	ssettag $0x2  }
0x5e: {  	s0 =	rddreg [dreg:$0x0];
	s2 =	stileid.u32  }
0x5f: {  	s1 =	rddreg [dreg:$0x1];
	p0 =	sne.s32 s2, $0x0  }
0x60: {  	s3 =	rddreg [dreg:$0x2];
	[bflag:$0x3] =	sbarrier.arrive $0xFFFF;
	s2 =	simm.s32 @!p0 $0x1C02  }
0x61: {  	[timem:s3], [sflag:s2] =	dma.local @!p0 [hbm:s0], s1  }
0x62: {  	s0 =	simm.s32 @!p0 $0x2  }
0x63: {  	_ =	swait.ge @!p0 [sflag:s0], s1  }
0x64: {  	s1 =	ssub.s32 @!p0 $0x0, s1;
	[sflag:s0] =	ssyncset.done @!p0 $0x0  }
0x65: {  	[sflag:s0] =	ssyncadd.s32 @!p0 s1  }
0x66: {  	[bflag:$0x3] =	sbarrier.arrive $0xFFFF  }
0x67: {  	_ =	shalt  }

// kernel: kernel.38.cloned.1.call-start
scs
__scs_entry_jumppad:
0x0: {  	(pc) =	sbr.rel $0x88, $3  }
0x1: {  	(tag) =	ssettag $0x0;
	lr =	simm.s32 $0x1  }
0x2: {  	[smem:$0x3F75] =	sst lr;
	_ =	strace $0xD0000000  }
0x3: {  	_ = 	snop  }
0x4: {  	_ = 	snop  }
0x5: {  	_ = 	snop  }
0x6: {  	_ = 	snop  }
0x7: {  	_ = 	snop  }
__scs_overlays_trampoline_lowered:
0x8: {  	[smem:$0x3F84] =	sst s0  }
0x9: {  	[smem:$0x3F85] =	sst s1  }
0xa: {  	[smem:$0x3F86] =	sst s2  }
0xb: {  	[smem:$0x3F87] =	sst s3  }
0xc: {  	[smem:$0x3F88] =	sst s4  }
0xd: {  	[smem:$0x3F89] =	sst s5  }
0xe: {  	[smem:$0x3F8A] =	sst s6  }
0xf: {  	[smem:$0x3F8B] =	sst s7  }
0x10: {  	[smem:$0x3F8C] =	sst s8  }
0x11: {  	[smem:$0x3F8D] =	sst s9;
	s0 =	simm.s32 @!p0 $0x0  }
0x12: {  	s1 =	sld [smem:$0x3F73];
	s0 =	simm.s32 @p0 $0x1  }
0x13: {  	[smem:$0x3F8E] =	sst s0;
	s0 =	simm.s32 @!p1 $0x0  }
0x14: {  	s2 =	sld [smem:$0x3F72];
	s0 =	simm.s32 @p1 $0x1  }
0x15: {  	[smem:$0x3F8F] =	sst s0;
	s0 =	simm.s32 @!p2 $0x0  }
0x16: {  	s3 =	sld [smem:$0x3FDB];
	s0 =	simm.s32 @p2 $0x1  }
0x17: {  	s4 =	simm.s32 $0x1BF5;
	[smem:$0x3F91] =	sst s0  }
0x18: {  	s0 =	sld [smem:$0x3F74];
	_ =	swait.ge [sflag:s4], $0x0  }
0x19: {  	s7 =	sld [smem:$0x3F75]  }
0x1a: {  	s8 =	sadd.s32 $0xFFFFE003, lr  }
0x1b: {  	s9 =	sadd.s32 $0xFFFFFEF7, lr;
	s5 =	simm.s32 $0xFFFFFFFF;
	p2 =	slt.u32 s8, $0xFFFFF086  }
0x1c: {  	p1 =	slt.u32 s9, $0xF7A;
	s5 =	simm.s32 @!p2 $0x0  }
0x1d: {  	s5 =	simm.s32 @p1 $0x1;
	p0 =	seq.s32 s7, s2  }
0x1e: {  	s7 =	smul.u32 @!p0 $0xF7A, s2;
	p2 =	seq.s32 @!p0 s5, $0x0  }
0x1f: {  	s9 =	smul.u32 $0xF7A, s1;
	s8 =	simm.s32 @!p0 $0x1BF5;
	p2 =	por !p2, p0  }
0x20: {  	[sflag:s8] =	ssyncset.s32 @!p0 $0xFFFFF086;
	s6 =	sadd.s32 @!p0 s3, s7;
	s7 =	simm.s32 @!p0 $0x108  }
0x21: {  	s3 =	sadd.s32 s3, s9;
	s6 =	sadd.s32 @!p0 $0x88, s6;
	s7 =	simm.s32 @p2 $0x1082  }
0x22: {  	[simem:s7], [sflag:s8] =	dma.local @!p0 [hbm:s6], $0xF7A  }
0x23: {  	s9 =	sor.u32 $0xD0000000, s2;
	s6 =	simm.s32 $0x108;
	_ =	swait.ge @!p0 [sflag:s8], $0x0  }
0x24: {  	s3 =	sadd.s32 $0x88, s3;
	s6 =	simm.s32 @!p1 $0x1082;
	[sflag:s4] =	ssyncset.s32 $0xFFFFF086  }
0x25: {  	[simem:s6], [sflag:s4] =	dma.local [hbm:s3], $0xF7A  }
0x26: {  	[smem:$0x3F75] =	sst s1;
	(tag) =	ssettag s2;
	_ =	strace s9  }
0x27: {  	s1 =	sld [smem:$0x3F85]  }
0x28: {  	s2 =	sld [smem:$0x3F86]  }
0x29: {  	s4 =	sld [smem:$0x3F88]  }
0x2a: {  	p0 =	seq.s32 s5, $0x0;
	s5 =	sld [smem:$0x3F89]  }
0x2b: {  	s6 =	sld [smem:$0x3F8A]  }
0x2c: {  	s7 =	sld [smem:$0x3F8B]  }
0x2d: {  	s3 =	simm.s32 $0x108;
	s8 =	sld [smem:$0x3F8C]  }
0x2e: {  	s3 =	simm.s32 @!p0 $0x1082;
	s9 =	sld [smem:$0x3F8D]  }
0x2f: {  	lr =	sadd.s32 s0, s3;
	s0 =	sld [smem:$0x3F84]  }
0x30: {  	s3 =	sld [smem:$0x3F87]  }
0x31: {  	[smem:$0x3F90] =	sst s10  }
0x32: {  	s10 =	sld [smem:$0x3F8E];
	_ =	sdelay $0x3  }
0x33: {  	p0 =	seq.s32 s10, $0x1;
	s10 =	sld [smem:$0x3F90];
	_ =	sdelay $0x3  }
0x34: {  	[smem:$0x3F90] =	sst s10  }
0x35: {  	s10 =	sld [smem:$0x3F8F];
	_ =	sdelay $0x3  }
0x36: {  	p1 =	seq.s32 s10, $0x1;
	s10 =	sld [smem:$0x3F90];
	_ =	sdelay $0x3  }
0x37: {  	[smem:$0x3F90] =	sst s10  }
0x38: {  	s10 =	sld [smem:$0x3F91]  }
0x39: {  	_ = 	snop;
	(pc) =	sbr.ind lr, $3  }
0x3a: {  	_ = 	snop  }
0x3b: {  	_ = 	snop  }
0x3c: {  	p2 =	seq.s32 s10, $0x1;
	s10 =	sld [smem:$0x3F90]  }
0x3d: {  	_ =	shalt  }
0x3e: {  	_ =	shalt  }
0x3f: {  	_ =	shalt  }
0x40: {  	_ =	shalt  }
0x41: {  	_ =	shalt  }
0x42: {  	_ =	shalt  }
0x43: {  	_ =	shalt  }
0x44: {  	_ =	shalt  }
0x45: {  	_ =	shalt  }
0x46: {  	_ =	shalt  }
0x47: {  	_ =	shalt  }
0x48: {  	_ =	shalt  }
0x49: {  	_ =	shalt  }
0x4a: {  	_ =	shalt  }
0x4b: {  	_ =	shalt  }
0x4c: {  	_ =	shalt  }
0x4d: {  	_ =	shalt  }
0x4e: {  	_ =	shalt  }
0x4f: {  	_ =	shalt  }
0x50: {  	_ =	shalt  }
0x51: {  	_ =	shalt  }
0x52: {  	_ =	shalt  }
0x53: {  	_ =	shalt  }
0x54: {  	_ =	shalt  }
0x55: {  	_ =	shalt  }
0x56: {  	_ =	shalt  }
0x57: {  	_ =	shalt  }
0x58: {  	_ =	shalt  }
0x59: {  	_ =	shalt  }
0x5a: {  	_ =	shalt  }
0x5b: {  	_ =	shalt  }
0x5c: {  	_ =	shalt  }
0x5d: {  	_ =	shalt  }
0x5e: {  	_ =	shalt  }
0x5f: {  	_ =	shalt  }
0x60: {  	_ =	shalt  }
0x61: {  	_ =	shalt  }
0x62: {  	_ =	shalt  }
0x63: {  	_ =	shalt  }
0x64: {  	_ =	shalt  }
0x65: {  	_ =	shalt  }
0x66: {  	_ =	shalt  }
0x67: {  	_ =	shalt  }
0x68: {  	_ =	shalt  }
0x69: {  	_ =	shalt  }
0x6a: {  	_ =	shalt  }
0x6b: {  	_ =	shalt  }
0x6c: {  	_ =	shalt  }
0x6d: {  	_ =	shalt  }
0x6e: {  	_ =	shalt  }
0x6f: {  	_ =	shalt  }
0x70: {  	_ =	shalt  }
0x71: {  	_ =	shalt  }
0x72: {  	_ =	shalt  }
0x73: {  	_ =	shalt  }
0x74: {  	_ =	shalt  }
0x75: {  	_ =	shalt  }
0x76: {  	_ =	shalt  }
0x77: {  	_ =	shalt  }
0x78: {  	_ =	shalt  }
0x79: {  	_ =	shalt  }
0x7a: {  	_ =	shalt  }
0x7b: {  	_ =	shalt  }
0x7c: {  	_ =	shalt  }
0x7d: {  	_ =	shalt  }
0x7e: {  	_ =	shalt  }
0x7f: {  	_ =	shalt  }
0x80: {  	_ =	shalt  }
0x81: {  	_ =	shalt  }
0x82: {  	_ =	shalt  }
0x83: {  	_ =	shalt  }
0x84: {  	_ =	shalt  }
0x85: {  	_ =	shalt  }
0x86: {  	_ =	shalt  }
0x87: {  	_ =	shalt  }
.Lfunc_end0:
.L_simem_size_0:
called_computation.5_lowered:
.L_overlay_start_0:
0x88: {  	s2 =	sld [smem:$0x3FD9]  }
0x89: {  	s3 =	sld [smem:$0x3FFE];
	_ =	sdelay $0x1  }
0x8a: {  	s1 =	srdreg.scid  }
0x8b: {  	s0 =	sand.u32 $0x1, s1  }
0x8c: {  	s16 =	sshll.u32 s0, $0xA;
	s2 =	sadd.s32 s3, s2  }
0x8d: {  	s2 =	sadd.s32 s2, s16  }
0x8e: {  	[smem:$0x3F9C] =	sst s2  }
0x8f: {  	_ = 	snop  }
0x90: {  	(tm) =	ssettm $0x1  }
0x91: {  	s17 =	sld [smem:$0x3FFB];
	_ =	sdelay $0x3  }
0x92: {  	_ =	strace s17  }
0x93: {  	s2 =	sld [smem:$0x3FFC];
	_ =	sdelay $0x3  }
0x94: {  	_ =	strace s2  }
0x95: {  	s2 =	sld [smem:$0x3FFD];
	_ =	sdelay $0x3  }
0x96: {  	_ =	strace s2  }
0x97: {  	_ =	strace $0x8FFFFFFF  }
0x98: {  	s18 =	sld [smem:$0x3FDB];
	_ =	sdelay $0x1  }
0x99: {  	s19 =	simm.s32 $_scs_section_size  }
0x9a: {  	s4 =	simm.s32 $_size__tile_overlayer_lowered;
	s5 =	simm.s32 $_tile_overlayer_lowered  }
0x9b: {  	s22 =	simm.s32 $0x1BFF;
	s21 =	sshll.u32 s5, $0x1;
	s2 =	sadd.s32 s19, s18  }
0x9c: {  	s6 =	simm.s32 $0x0;
	s20 =	sshll.u32 s4, $0x1;
	s4 =	sadd.s32 s21, s2  }
0x9d: {  	[timem:s6], [sflag:s22] =	dma.local [hbm:s4], s20  }
0x9e: {  	_ =	swait.ge [sflag:s22], s20  }
0x9f: {  	s3 =	ssub.s32 $0x0, s20;
	[sflag:s22] =	ssyncset.done $0x0  }
0xa0: {  	[sflag:s22] =	ssyncadd.s32 s3;
	_ =	sdelay $0x1  }
0xa1: {  	s23 =	simm.s32 $0x1B8B  }
0xa2: {  	_ =	swait.ge [sflag:s23], $0x1  }
0xa3: {  	[sflag:s23] =	ssyncset.done $0x0  }
0xa4: {  	s25 =	simm.s32 $0x1B8E;
	s24 =	sld [smem:$0x3FFE];
	[sflag:s23] =	ssyncadd.s32 $0xFFFFFFFF  }
0xa5: {  	s26 =	simm.s32 $execute0_lowered;
	[smem:$0x3FD2] =	sst s25  }
0xa6: {  	s4 =	sshll.u32 s26, $0x1;
	_ =	strace $0x80000055;
	[dreg:$0x1] =	wrdreg $0xFFFFFFFF  }
0xa7: {  	s28 =	simm.s32 $_size_execute0_lowered;
	s2 =	sadd.s32 s2, s4;
	[dreg:$0x0] =	wrdreg $0x0  }
0xa8: {  	s4 =	sshll.u32 s28, $0x1;
	[dreg:$0x2] =	wrdreg s2  }
0xa9: {  	[dreg:$0x3] =	wrdreg s4  }
0xaa: {  	[dreg:$0x4] =	wrdreg $0xC0  }
0xab: {  	_ =	task [dreg:s6], $0x5FFFF  }
0xac: {  	[dreg:$0x1] =	wrdreg $0xFFFFFFFF  }
0xad: {  	[dreg:$0x0] =	wrdreg $0x60  }
0xae: {  	[dreg:$0x2] =	wrdreg s24  }
0xaf: {  	[dreg:$0x3] =	wrdreg $0x9  }
0xb0: {  	_ =	task.clear_ibuf [dreg:s6], $0x4FFFF;
	_ =	strace $0x90000055  }
0xb1: {  	s29 =	simm.s32 $0x9;
	_ =	strace $0x80000057  }
0xb2: {  	_ =	swait.ge [sflag:s29], $0x1  }
0xb3: {  	[sflag:s29] =	ssyncadd.s32 $0xFFFFFFFF  }
0xb4: {  	_ =	strace $0x90000057  }
0xb5: {  	_ =	sfence  }
0xb6: {  	s30 =	sld [smem:$0x0];
	_ =	sdelay $0x2  }
0xb7: {  	s31 =	sshll.u32 s1, $0xD;
	s1 =	sshrl.u32 s1, $0x2  }
0xb8: {  	s3 =	sand.u32 $0x4000, s31;
	s1 =	sadd.s32 s1, s30  }
0xb9: {  	s0 =	sor.u32 s3, s0;
	s1 =	sshll.u32 s1, $0x11  }
0xba: {  	s0 =	sor.u32 s1, s0  }
0xbb: {  	s0 =	sadd.s32 $0x8F2B, s0  }
0xbc: {  	[sflag:s0] =	ssyncadd.remote.s32 $0x1  }
0xbd: {  	_ =	sfence.sel $0xFFFF  }
0xbe: {  	[dreg:$0x0] =	wrdreg $0xFFFFFFFF;
	(pc) =	sbr.abs _section_cstart, $3  }
0xbf: {  	[dreg:$0x1] =	wrdreg $0xFFFFFFFF  }
0xc0: {  	_ =	task.clear_ibuf [dreg:s6], $0x2FFFF;
	_ =	strace $0x9FFFFFFF  }
0xc1: {  	(tm) =	ssettm $0x7FFFFFFF  }
tec
execute0_lowered:
.L_overlay_start_1:
0x0: {  	(tag) =	ssettag $0x1  }
0x1: {  	s1 =	srdreg.scid  }
0x2: {  	s0 =	stileid.u32;
	s4 =	rddreg [dreg:$0x0]  }
0x3: {  	s2 =	simm.s32 $0x0;
	s9 =	simm.s32 $0x80;
	s10 =	simm.s32 $0x100  }
0x4: {  	s11 =	simm.s32 $0x900;
	s12 =	simm.s32 $0x1100;
	s13 =	simm.s32 $0x1900  }
0x5: {  	s14 =	simm.s32 $0x2100;
	s3 =	sand.u32 $0x1, s1;
	s5 =	smul.u32 $0x2710, s0  }
0x6: {  	s15 =	simm.s32 $0x1;
	s1 =	rddreg [dreg:$0x1];
	s6 =	smul.u32 $0x1388, s3  }
0x7: {  	s16 =	simm.s32 $0x0;
	[smem:$0x7FF] =	sst s2;
	s30 =	ssub.s32 $0x2, s3  }
0x8: {  	_ =	strace $0x80000056;
	s7 =	sshrl.u32 s30, $0x1;
	s5 =	sadd.s32 s6, s5  }
0x9: {  	v2 =	vlaneseq.u32;
	s3 =	sadd.s32 $0xFEE00, s4;
	s31 =	ssub.s32 s30, s7;
	s5 =	sshrl.u32 s5, $0x3  }
0xa: {  	vm0 =	vmmov $0xffff;
	v1 =	vshrl.u32 v2, $0x3;
	s8 =	sadd.s32 s5, s4;
	s4 =	sadd.s32 $0x14D000, s4;
	s5 =	smax.u32 s31, $0x1  }
0xb: {  	v0 =	vand.u32 $0x7, v2;
	v2 =	vor.u32 $0x8, v2;
	v1 =	vmul.u32 $0x8, v1;
	s6 =	sadd.s32 $0xA800, s8;
	s7 =	sadd.s32 $0xF800, s8;
	s8 =	simm.s32 $0x2  }
.LBB2_1:
0xc: {  	s17 =	simm.s32 $0x0  }
.LBB2_2:
0xd: {  	s18 =	sadd.s32 s17, s7  }
0xe: {  	[tilespmem:s2], [sflag:$0x2] =	stream.linear.gather [hbm4b:s18+s2], $0x28, $0x38;
	[tilespmem:$0x2900] =	vst v63  }
0xf: {  	_ =	swait.ge [sflag:s8], $0x28  }
0x10: {  	[sflag:s8] =	ssyncset.done $0x0  }
0x11: {  	s31 =	sadd.s32 s17, s6;
	[sflag:s8] =	ssyncadd.s32 $0xFFFFFFD8  }
0x12: {  	[tilespmem:s9], [sflag:$0x2] =	stream.linear.gather [hbm4b:s31+s2], $0x28, $0x38;
	[tilespmem:$0x2900] =	vst v63  }
0x13: {  	_ =	swait.ge [sflag:s8], $0x28  }
0x14: {  	[sflag:s8] =	ssyncset.done $0x0  }
0x15: {  	[sflag:s8] =	ssyncadd.s32 $0xFFFFFFD8  }
0x16: {  	v3 =	vld [tilespmem:$0x0];
	_ =	sdelay $0x4  }
0x17: {  	v4 =	vshll.u32 v3, $0x1  }
0x18: {  	v3 =	vand.u32 $0x7, v3;
	v4 =	vand.u32 $0xFFFFFFF0, v4  }
0x19: {  	v3 =	vor.u32 v3, v4  }
0x1a: {  	v4 =	vperm.xlane v3, v0;
	_ =	sdelay $0x1  }
0x1b: {  	v3 =	vperm.xlane v3, v2;
	v4 =	vadd.s32 v1, v4;
	_ =	sdelay $0x1  }
0x1c: {  	v3 =	vadd.s32 v1, v3;
	_ =	sdelay $0x2  }
0x1d: {  	[tilespmem:s10], [sflag:$0x1] =	stream.indirect_vreg.gather [hbm4b:s3+s2], $0x80, v4, vm0, $0xb8;
	[tilespmem:$0x2900] =	vst v63  }
0x1e: {  	_ = 	snop  }
0x1f: {  	[tilespmem:s11], [sflag:$0x1] =	stream.indirect_vreg.gather [hbm4b:s3+s2], $0x80, v3, vm0, $0xb8;
	[tilespmem:$0x2900] =	vst v63  }
0x20: {  	v3 =	vld [tilespmem:$0x10];
	_ =	sdelay $0x4  }
0x21: {  	v59 =	vshll.u32 v3, $0x1  }
0x22: {  	v3 =	vand.u32 $0x7, v3;
	v4 =	vand.u32 $0xFFFFFFF0, v59  }
0x23: {  	v3 =	vor.u32 v3, v4  }
0x24: {  	v4 =	vperm.xlane v3, v0;
	_ =	sdelay $0x1  }
0x25: {  	v3 =	vperm.xlane v3, v2;
	v4 =	vadd.s32 v1, v4;
	_ =	sdelay $0x1  }
0x26: {  	v3 =	vadd.s32 v1, v3;
	_ =	sdelay $0x2  }
0x27: {  	[tilespmem:s12], [sflag:$0x1] =	stream.indirect_vreg.gather [hbm4b:s3+s2], $0x80, v4, vm0, $0xb8;
	[tilespmem:$0x2900] =	vst v63  }
0x28: {  	_ = 	snop  }
0x29: {  	[tilespmem:s13], [sflag:$0x1] =	stream.indirect_vreg.gather [hbm4b:s3+s2], $0x80, v3, vm0, $0xb8;
	[tilespmem:$0x2900] =	vst v63  }
0x2a: {  	v3 =	vld.msk [tilespmem:$0x20], $0xff;
	_ =	sdelay $0x4  }
0x2b: {  	v60 =	vshll.u32 v3, $0x1  }
0x2c: {  	v3 =	vand.u32 $0x7, v3;
	v4 =	vand.u32 $0xFFFFFFF0, v60  }
0x2d: {  	v3 =	vor.u32 v3, v4  }
0x2e: {  	v3 =	vperm.xlane v3, v0;
	_ =	sdelay $0x1  }
0x2f: {  	v3 =	vadd.s32 v1, v3;
	_ =	sdelay $0x4  }
0x30: {  	[tilespmem:s14], [sflag:$0x1] =	stream.indirect_vreg.gather [hbm4b:s3+s2], $0x80, v3, vm0, $0xb8;
	[tilespmem:$0x2900] =	vst v63  }
0x31: {  	_ =	swait.ge [sflag:s15], $0x2800  }
0x32: {  	[sflag:s15] =	ssyncset.done $0x0  }
0x33: {  	[sflag:s15] =	ssyncadd.s32 $0xFFFFD800  }
0x34: {  	v3 =	vld [tilespmem:$0x80];
	_ =	sdelay $0x4  }
0x35: {  	v61 =	vshll.u32 v3, $0x1  }
0x36: {  	v3 =	vand.u32 $0x7, v3;
	v4 =	vand.u32 $0xFFFFFFF0, v61  }
0x37: {  	v3 =	vor.u32 v3, v4  }
0x38: {  	v4 =	vperm.xlane v3, v0;
	_ =	sdelay $0x1  }
0x39: {  	v3 =	vperm.xlane v3, v2;
	v4 =	vadd.s32 v1, v4;
	_ =	sdelay $0x1  }
0x3a: {  	v3 =	vadd.s32 v1, v3;
	_ =	sdelay $0x2  }
0x3b: {  	[hbm4b:s4+s2] =	stream.indirect_vreg.scatter [tilespmem:s10], [sflag:$0x2], $0x80, v4, vm0, $0xb8;
	[tilespmem:$0x2900] =	vst v63  }
0x3c: {  	_ = 	snop  }
0x3d: {  	[hbm4b:s4+s2] =	stream.indirect_vreg.scatter [tilespmem:s11], [sflag:$0x2], $0x80, v3, vm0, $0xb8;
	[tilespmem:$0x2900] =	vst v63  }
0x3e: {  	v3 =	vld [tilespmem:$0x90];
	_ =	sdelay $0x4  }
0x3f: {  	v62 =	vshll.u32 v3, $0x1  }
0x40: {  	v3 =	vand.u32 $0x7, v3;
	v4 =	vand.u32 $0xFFFFFFF0, v62  }
0x41: {  	v3 =	vor.u32 v3, v4  }
0x42: {  	v4 =	vperm.xlane v3, v0;
	_ =	sdelay $0x1  }
0x43: {  	v3 =	vperm.xlane v3, v2;
	v4 =	vadd.s32 v1, v4;
	_ =	sdelay $0x1  }
0x44: {  	v3 =	vadd.s32 v1, v3;
	_ =	sdelay $0x2  }
0x45: {  	[hbm4b:s4+s2] =	stream.indirect_vreg.scatter [tilespmem:s12], [sflag:$0x2], $0x80, v4, vm0, $0xb8;
	[tilespmem:$0x2900] =	vst v63  }
0x46: {  	_ = 	snop  }
0x47: {  	[hbm4b:s4+s2] =	stream.indirect_vreg.scatter [tilespmem:s13], [sflag:$0x2], $0x80, v3, vm0, $0xb8;
	[tilespmem:$0x2900] =	vst v63  }
0x48: {  	v3 =	vld.msk [tilespmem:$0xA0], $0xff;
	_ =	sdelay $0x4  }
0x49: {  	v63 =	vshll.u32 v3, $0x1  }
0x4a: {  	v3 =	vand.u32 $0x7, v3;
	v4 =	vand.u32 $0xFFFFFFF0, v63  }
0x4b: {  	v3 =	vor.u32 v3, v4  }
0x4c: {  	v3 =	vperm.xlane v3, v0;
	_ =	sdelay $0x1  }
0x4d: {  	v3 =	vadd.s32 v1, v3;
	_ =	sdelay $0x2  }
0x4e: {  	p0 =	sne.s32 s17, $0x26C  }
.Ltmp0:
0x4f: {  	_ = 	snop;
	(pc) =	sbr.rel @p0 .LBB2_2-.Ltmp0, $4  }
0x50: {  	[hbm4b:s4+s2] =	stream.indirect_vreg.scatter [tilespmem:s14], [sflag:$0x2], $0x80, v3, vm0, $0xb8;
	[tilespmem:$0x2900] =	vst v63  }
0x51: {  	_ =	swait.ge [sflag:s8], $0x2800  }
0x52: {  	[sflag:s8] =	ssyncset.done $0x0  }
0x53: {  	s17 =	sadd.s32 $0x5, s17;
	[sflag:s8] =	ssyncadd.s32 $0xFFFFD800  }
0x54: {  	s16 =	sadd.s32 $0x1, s16  }
0x55: {  	p0 =	sne.s32 s16, s5  }
.Ltmp1:
0x56: {  	_ = 	snop;
	(pc) =	sbr.rel @p0 .LBB2_1-.Ltmp1, $1  }
0x57: {  	_ =	sdelay $0x3  }
0x58: {  	_ =	sfence.sel $0x180000  }
0x59: {  	[bflag:$0x0] =	sbarrier.arrive $0xFFFF  }
0x5a: {  	p0 =	sne.s32 s0, $0x0;
	_ =	strace $0x90000056  }
0x5b: {  	s0 =	sadd.s32 @!p0 $0x100000, s1;
	[bflag:$0x2] =	sbarrier.arrive $0xFFFF  }
0x5c: {  	[sflag:s0] =	ssyncadd.tile.s32 @!p0 $0x1;
	_ =	shalt  }
.Lfunc_end2:
_tile_overlayer_lowered:
.L_overlay_start_2:
0x5d: {  	(tag) =	ssettag $0x2  }
0x5e: {  	s0 =	rddreg [dreg:$0x0];
	s2 =	stileid.u32  }
0x5f: {  	s1 =	rddreg [dreg:$0x1];
	p0 =	sne.s32 s2, $0x0  }
0x60: {  	s3 =	rddreg [dreg:$0x2];
	[bflag:$0x3] =	sbarrier.arrive $0xFFFF;
	s2 =	simm.s32 @!p0 $0x1C02  }
0x61: {  	[timem:s3], [sflag:s2] =	dma.local @!p0 [hbm:s0], s1  }
0x62: {  	s0 =	simm.s32 @!p0 $0x2  }
0x63: {  	_ =	swait.ge @!p0 [sflag:s0], s1  }
0x64: {  	s1 =	ssub.s32 @!p0 $0x0, s1;
	[sflag:s0] =	ssyncset.done @!p0 $0x0  }
0x65: {  	[sflag:s0] =	ssyncadd.s32 @!p0 s1  }
0x66: {  	[bflag:$0x3] =	sbarrier.arrive $0xFFFF  }
0x67: {  	_ =	shalt  }

// kernel: kernel.41.cloned.1.call-start
scs
__scs_entry_jumppad:
0x0: {  	(pc) =	sbr.rel $0x88, $3  }
0x1: {  	(tag) =	ssettag $0x0;
	lr =	simm.s32 $0x1  }
0x2: {  	[smem:$0x3F75] =	sst lr;
	_ =	strace $0xD0000000  }
0x3: {  	_ = 	snop  }
0x4: {  	_ = 	snop  }
0x5: {  	_ = 	snop  }
0x6: {  	_ = 	snop  }
0x7: {  	_ = 	snop  }
__scs_overlays_trampoline_lowered:
0x8: {  	[smem:$0x3F84] =	sst s0  }
0x9: {  	[smem:$0x3F85] =	sst s1  }
0xa: {  	[smem:$0x3F86] =	sst s2  }
0xb: {  	[smem:$0x3F87] =	sst s3  }
0xc: {  	[smem:$0x3F88] =	sst s4  }
0xd: {  	[smem:$0x3F89] =	sst s5  }
0xe: {  	[smem:$0x3F8A] =	sst s6  }
0xf: {  	[smem:$0x3F8B] =	sst s7  }
0x10: {  	[smem:$0x3F8C] =	sst s8  }
0x11: {  	[smem:$0x3F8D] =	sst s9;
	s0 =	simm.s32 @!p0 $0x0  }
0x12: {  	s1 =	sld [smem:$0x3F73];
	s0 =	simm.s32 @p0 $0x1  }
0x13: {  	[smem:$0x3F8E] =	sst s0;
	s0 =	simm.s32 @!p1 $0x0  }
0x14: {  	s2 =	sld [smem:$0x3F72];
	s0 =	simm.s32 @p1 $0x1  }
0x15: {  	[smem:$0x3F8F] =	sst s0;
	s0 =	simm.s32 @!p2 $0x0  }
0x16: {  	s3 =	sld [smem:$0x3FDB];
	s0 =	simm.s32 @p2 $0x1  }
0x17: {  	s4 =	simm.s32 $0x1BF5;
	[smem:$0x3F91] =	sst s0  }
0x18: {  	s0 =	sld [smem:$0x3F74];
	_ =	swait.ge [sflag:s4], $0x0  }
0x19: {  	s7 =	sld [smem:$0x3F75]  }
0x1a: {  	s8 =	sadd.s32 $0xFFFFE003, lr  }
0x1b: {  	s9 =	sadd.s32 $0xFFFFFEF7, lr;
	s5 =	simm.s32 $0xFFFFFFFF;
	p2 =	slt.u32 s8, $0xFFFFF086  }
0x1c: {  	p1 =	slt.u32 s9, $0xF7A;
	s5 =	simm.s32 @!p2 $0x0  }
0x1d: {  	s5 =	simm.s32 @p1 $0x1;
	p0 =	seq.s32 s7, s2  }
0x1e: {  	s7 =	smul.u32 @!p0 $0xF7A, s2;
	p2 =	seq.s32 @!p0 s5, $0x0  }
0x1f: {  	s9 =	smul.u32 $0xF7A, s1;
	s8 =	simm.s32 @!p0 $0x1BF5;
	p2 =	por !p2, p0  }
0x20: {  	[sflag:s8] =	ssyncset.s32 @!p0 $0xFFFFF086;
	s6 =	sadd.s32 @!p0 s3, s7;
	s7 =	simm.s32 @!p0 $0x108  }
0x21: {  	s3 =	sadd.s32 s3, s9;
	s6 =	sadd.s32 @!p0 $0x88, s6;
	s7 =	simm.s32 @p2 $0x1082  }
0x22: {  	[simem:s7], [sflag:s8] =	dma.local @!p0 [hbm:s6], $0xF7A  }
0x23: {  	s9 =	sor.u32 $0xD0000000, s2;
	s6 =	simm.s32 $0x108;
	_ =	swait.ge @!p0 [sflag:s8], $0x0  }
0x24: {  	s3 =	sadd.s32 $0x88, s3;
	s6 =	simm.s32 @!p1 $0x1082;
	[sflag:s4] =	ssyncset.s32 $0xFFFFF086  }
0x25: {  	[simem:s6], [sflag:s4] =	dma.local [hbm:s3], $0xF7A  }
0x26: {  	[smem:$0x3F75] =	sst s1;
	(tag) =	ssettag s2;
	_ =	strace s9  }
0x27: {  	s1 =	sld [smem:$0x3F85]  }
0x28: {  	s2 =	sld [smem:$0x3F86]  }
0x29: {  	s4 =	sld [smem:$0x3F88]  }
0x2a: {  	p0 =	seq.s32 s5, $0x0;
	s5 =	sld [smem:$0x3F89]  }
0x2b: {  	s6 =	sld [smem:$0x3F8A]  }
0x2c: {  	s7 =	sld [smem:$0x3F8B]  }
0x2d: {  	s3 =	simm.s32 $0x108;
	s8 =	sld [smem:$0x3F8C]  }
0x2e: {  	s3 =	simm.s32 @!p0 $0x1082;
	s9 =	sld [smem:$0x3F8D]  }
0x2f: {  	lr =	sadd.s32 s0, s3;
	s0 =	sld [smem:$0x3F84]  }
0x30: {  	s3 =	sld [smem:$0x3F87]  }
0x31: {  	[smem:$0x3F90] =	sst s10  }
0x32: {  	s10 =	sld [smem:$0x3F8E];
	_ =	sdelay $0x3  }
0x33: {  	p0 =	seq.s32 s10, $0x1;
	s10 =	sld [smem:$0x3F90];
	_ =	sdelay $0x3  }
0x34: {  	[smem:$0x3F90] =	sst s10  }
0x35: {  	s10 =	sld [smem:$0x3F8F];
	_ =	sdelay $0x3  }
0x36: {  	p1 =	seq.s32 s10, $0x1;
	s10 =	sld [smem:$0x3F90];
	_ =	sdelay $0x3  }
0x37: {  	[smem:$0x3F90] =	sst s10  }
0x38: {  	s10 =	sld [smem:$0x3F91]  }
0x39: {  	_ = 	snop;
	(pc) =	sbr.ind lr, $3  }
0x3a: {  	_ = 	snop  }
0x3b: {  	_ = 	snop  }
0x3c: {  	p2 =	seq.s32 s10, $0x1;
	s10 =	sld [smem:$0x3F90]  }
0x3d: {  	_ =	shalt  }
0x3e: {  	_ =	shalt  }
0x3f: {  	_ =	shalt  }
0x40: {  	_ =	shalt  }
0x41: {  	_ =	shalt  }
0x42: {  	_ =	shalt  }
0x43: {  	_ =	shalt  }
0x44: {  	_ =	shalt  }
0x45: {  	_ =	shalt  }
0x46: {  	_ =	shalt  }
0x47: {  	_ =	shalt  }
0x48: {  	_ =	shalt  }
0x49: {  	_ =	shalt  }
0x4a: {  	_ =	shalt  }
0x4b: {  	_ =	shalt  }
0x4c: {  	_ =	shalt  }
0x4d: {  	_ =	shalt  }
0x4e: {  	_ =	shalt  }
0x4f: {  	_ =	shalt  }
0x50: {  	_ =	shalt  }
0x51: {  	_ =	shalt  }
0x52: {  	_ =	shalt  }
0x53: {  	_ =	shalt  }
0x54: {  	_ =	shalt  }
0x55: {  	_ =	shalt  }
0x56: {  	_ =	shalt  }
0x57: {  	_ =	shalt  }
0x58: {  	_ =	shalt  }
0x59: {  	_ =	shalt  }
0x5a: {  	_ =	shalt  }
0x5b: {  	_ =	shalt  }
0x5c: {  	_ =	shalt  }
0x5d: {  	_ =	shalt  }
0x5e: {  	_ =	shalt  }
0x5f: {  	_ =	shalt  }
0x60: {  	_ =	shalt  }
0x61: {  	_ =	shalt  }
0x62: {  	_ =	shalt  }
0x63: {  	_ =	shalt  }
0x64: {  	_ =	shalt  }
0x65: {  	_ =	shalt  }
0x66: {  	_ =	shalt  }
0x67: {  	_ =	shalt  }
0x68: {  	_ =	shalt  }
0x69: {  	_ =	shalt  }
0x6a: {  	_ =	shalt  }
0x6b: {  	_ =	shalt  }
0x6c: {  	_ =	shalt  }
0x6d: {  	_ =	shalt  }
0x6e: {  	_ =	shalt  }
0x6f: {  	_ =	shalt  }
0x70: {  	_ =	shalt  }
0x71: {  	_ =	shalt  }
0x72: {  	_ =	shalt  }
0x73: {  	_ =	shalt  }
0x74: {  	_ =	shalt  }
0x75: {  	_ =	shalt  }
0x76: {  	_ =	shalt  }
0x77: {  	_ =	shalt  }
0x78: {  	_ =	shalt  }
0x79: {  	_ =	shalt  }
0x7a: {  	_ =	shalt  }
0x7b: {  	_ =	shalt  }
0x7c: {  	_ =	shalt  }
0x7d: {  	_ =	shalt  }
0x7e: {  	_ =	shalt  }
0x7f: {  	_ =	shalt  }
0x80: {  	_ =	shalt  }
0x81: {  	_ =	shalt  }
0x82: {  	_ =	shalt  }
0x83: {  	_ =	shalt  }
0x84: {  	_ =	shalt  }
0x85: {  	_ =	shalt  }
0x86: {  	_ =	shalt  }
0x87: {  	_ =	shalt  }
.Lfunc_end0:
.L_simem_size_0:
called_computation.6_lowered:
.L_overlay_start_0:
0x88: {  	s2 =	sld [smem:$0x3FD9]  }
0x89: {  	s3 =	sld [smem:$0x3FFE];
	_ =	sdelay $0x1  }
0x8a: {  	s1 =	srdreg.scid  }
0x8b: {  	s0 =	sand.u32 $0x1, s1  }
0x8c: {  	s16 =	sshll.u32 s0, $0xA;
	s2 =	sadd.s32 s3, s2  }
0x8d: {  	s2 =	sadd.s32 s2, s16  }
0x8e: {  	[smem:$0x3F9C] =	sst s2  }
0x8f: {  	_ = 	snop  }
0x90: {  	(tm) =	ssettm $0x1  }
0x91: {  	s17 =	sld [smem:$0x3FFB];
	_ =	sdelay $0x3  }
0x92: {  	_ =	strace s17  }
0x93: {  	s2 =	sld [smem:$0x3FFC];
	_ =	sdelay $0x3  }
0x94: {  	_ =	strace s2  }
0x95: {  	s2 =	sld [smem:$0x3FFD];
	_ =	sdelay $0x3  }
0x96: {  	_ =	strace s2  }
0x97: {  	_ =	strace $0x8FFFFFFF  }
0x98: {  	s18 =	sld [smem:$0x3FDB];
	_ =	sdelay $0x1  }
0x99: {  	s19 =	simm.s32 $_scs_section_size  }
0x9a: {  	s4 =	simm.s32 $_size__tile_overlayer_lowered;
	s5 =	simm.s32 $_tile_overlayer_lowered  }
0x9b: {  	s22 =	simm.s32 $0x1BFF;
	s21 =	sshll.u32 s5, $0x1;
	s2 =	sadd.s32 s19, s18  }
0x9c: {  	s6 =	simm.s32 $0x0;
	s20 =	sshll.u32 s4, $0x1;
	s4 =	sadd.s32 s21, s2  }
0x9d: {  	[timem:s6], [sflag:s22] =	dma.local [hbm:s4], s20  }
0x9e: {  	_ =	swait.ge [sflag:s22], s20  }
0x9f: {  	s3 =	ssub.s32 $0x0, s20;
	[sflag:s22] =	ssyncset.done $0x0  }
0xa0: {  	[sflag:s22] =	ssyncadd.s32 s3;
	_ =	sdelay $0x1  }
0xa1: {  	s23 =	simm.s32 $0x1B8B  }
0xa2: {  	_ =	swait.ge [sflag:s23], $0x1  }
0xa3: {  	[sflag:s23] =	ssyncset.done $0x0  }
0xa4: {  	s25 =	simm.s32 $0x1B8E;
	s24 =	sld [smem:$0x3FFE];
	[sflag:s23] =	ssyncadd.s32 $0xFFFFFFFF  }
0xa5: {  	s26 =	simm.s32 $execute0_lowered;
	[smem:$0x3FD2] =	sst s25  }
0xa6: {  	s4 =	sshll.u32 s26, $0x1;
	_ =	strace $0x80000058;
	[dreg:$0x1] =	wrdreg $0xFFFFFFFF  }
0xa7: {  	s28 =	simm.s32 $_size_execute0_lowered;
	s2 =	sadd.s32 s2, s4;
	[dreg:$0x0] =	wrdreg $0x0  }
0xa8: {  	s4 =	sshll.u32 s28, $0x1;
	[dreg:$0x2] =	wrdreg s2  }
0xa9: {  	[dreg:$0x3] =	wrdreg s4  }
0xaa: {  	[dreg:$0x4] =	wrdreg $0xC0  }
0xab: {  	_ =	task [dreg:s6], $0x5FFFF  }
0xac: {  	[dreg:$0x1] =	wrdreg $0xFFFFFFFF  }
0xad: {  	[dreg:$0x0] =	wrdreg $0x60  }
0xae: {  	[dreg:$0x2] =	wrdreg s24  }
0xaf: {  	[dreg:$0x3] =	wrdreg $0x9  }
0xb0: {  	_ =	task.clear_ibuf [dreg:s6], $0x4FFFF;
	_ =	strace $0x90000058  }
0xb1: {  	s29 =	simm.s32 $0x9;
	_ =	strace $0x8000005A  }
0xb2: {  	_ =	swait.ge [sflag:s29], $0x1  }
0xb3: {  	[sflag:s29] =	ssyncadd.s32 $0xFFFFFFFF  }
0xb4: {  	_ =	strace $0x9000005A  }
0xb5: {  	_ =	sfence  }
0xb6: {  	s30 =	sld [smem:$0x0];
	_ =	sdelay $0x2  }
0xb7: {  	s31 =	sshll.u32 s1, $0xD;
	s1 =	sshrl.u32 s1, $0x2  }
0xb8: {  	s3 =	sand.u32 $0x4000, s31;
	s1 =	sadd.s32 s1, s30  }
0xb9: {  	s0 =	sor.u32 s3, s0;
	s1 =	sshll.u32 s1, $0x11  }
0xba: {  	s0 =	sor.u32 s1, s0  }
0xbb: {  	s0 =	sadd.s32 $0x8F2B, s0  }
0xbc: {  	[sflag:s0] =	ssyncadd.remote.s32 $0x1  }
0xbd: {  	_ =	sfence.sel $0xFFFF  }
0xbe: {  	[dreg:$0x0] =	wrdreg $0xFFFFFFFF;
	(pc) =	sbr.abs _section_cstart, $3  }
0xbf: {  	[dreg:$0x1] =	wrdreg $0xFFFFFFFF  }
0xc0: {  	_ =	task.clear_ibuf [dreg:s6], $0x2FFFF;
	_ =	strace $0x9FFFFFFF  }
0xc1: {  	(tm) =	ssettm $0x7FFFFFFF  }
tec
execute0_lowered:
.L_overlay_start_1:
0x0: {  	(tag) =	ssettag $0x1  }
0x1: {  	s1 =	srdreg.scid  }
0x2: {  	s0 =	stileid.u32;
	s4 =	rddreg [dreg:$0x0]  }
0x3: {  	s2 =	simm.s32 $0x0;
	s9 =	simm.s32 $0x80;
	s10 =	simm.s32 $0x100  }
0x4: {  	s11 =	simm.s32 $0x900;
	s12 =	simm.s32 $0x1100;
	s13 =	simm.s32 $0x1900  }
0x5: {  	s14 =	simm.s32 $0x2100;
	s3 =	sand.u32 $0x1, s1;
	s5 =	smul.u32 $0x2710, s0  }
0x6: {  	s15 =	simm.s32 $0x1;
	s1 =	rddreg [dreg:$0x1];
	s6 =	smul.u32 $0x1388, s3  }
0x7: {  	s16 =	simm.s32 $0x0;
	[smem:$0x7FF] =	sst s2;
	s30 =	ssub.s32 $0x2, s3  }
0x8: {  	_ =	strace $0x80000059;
	s7 =	sshrl.u32 s30, $0x1;
	s5 =	sadd.s32 s6, s5  }
0x9: {  	v2 =	vlaneseq.u32;
	s3 =	sadd.s32 $0x14D000, s4;
	s31 =	ssub.s32 s30, s7;
	s5 =	sshrl.u32 s5, $0x3  }
0xa: {  	vm0 =	vmmov $0xffff;
	v1 =	vshrl.u32 v2, $0x3;
	s8 =	sadd.s32 s5, s4;
	s4 =	sadd.s32 $0x19B200, s4;
	s5 =	smax.u32 s31, $0x1  }
0xb: {  	v0 =	vand.u32 $0x7, v2;
	v2 =	vor.u32 $0x8, v2;
	v1 =	vmul.u32 $0x8, v1;
	s6 =	sadd.s32 $0xA800, s8;
	s7 =	sadd.s32 $0xF800, s8;
	s8 =	simm.s32 $0x2  }
.LBB2_1:
0xc: {  	s17 =	simm.s32 $0x0  }
.LBB2_2:
0xd: {  	s18 =	sadd.s32 s17, s7  }
0xe: {  	[tilespmem:s2], [sflag:$0x2] =	stream.linear.gather [hbm4b:s18+s2], $0x28, $0x38;
	[tilespmem:$0x2900] =	vst v63  }
0xf: {  	_ =	swait.ge [sflag:s8], $0x28  }
0x10: {  	[sflag:s8] =	ssyncset.done $0x0  }
0x11: {  	s31 =	sadd.s32 s17, s6;
	[sflag:s8] =	ssyncadd.s32 $0xFFFFFFD8  }
0x12: {  	[tilespmem:s9], [sflag:$0x2] =	stream.linear.gather [hbm4b:s31+s2], $0x28, $0x38;
	[tilespmem:$0x2900] =	vst v63  }
0x13: {  	_ =	swait.ge [sflag:s8], $0x28  }
0x14: {  	[sflag:s8] =	ssyncset.done $0x0  }
0x15: {  	[sflag:s8] =	ssyncadd.s32 $0xFFFFFFD8  }
0x16: {  	v3 =	vld [tilespmem:$0x0];
	_ =	sdelay $0x4  }
0x17: {  	v4 =	vshll.u32 v3, $0x1  }
0x18: {  	v3 =	vand.u32 $0x7, v3;
	v4 =	vand.u32 $0xFFFFFFF0, v4  }
0x19: {  	v3 =	vor.u32 v3, v4  }
0x1a: {  	v4 =	vperm.xlane v3, v0;
	_ =	sdelay $0x1  }
0x1b: {  	v3 =	vperm.xlane v3, v2;
	v4 =	vadd.s32 v1, v4;
	_ =	sdelay $0x1  }
0x1c: {  	v3 =	vadd.s32 v1, v3;
	_ =	sdelay $0x2  }
0x1d: {  	[tilespmem:s10], [sflag:$0x1] =	stream.indirect_vreg.gather [hbm4b:s3+s2], $0x80, v4, vm0, $0xb8;
	[tilespmem:$0x2900] =	vst v63  }
0x1e: {  	_ = 	snop  }
0x1f: {  	[tilespmem:s11], [sflag:$0x1] =	stream.indirect_vreg.gather [hbm4b:s3+s2], $0x80, v3, vm0, $0xb8;
	[tilespmem:$0x2900] =	vst v63  }
0x20: {  	v3 =	vld [tilespmem:$0x10];
	_ =	sdelay $0x4  }
0x21: {  	v59 =	vshll.u32 v3, $0x1  }
0x22: {  	v3 =	vand.u32 $0x7, v3;
	v4 =	vand.u32 $0xFFFFFFF0, v59  }
0x23: {  	v3 =	vor.u32 v3, v4  }
0x24: {  	v4 =	vperm.xlane v3, v0;
	_ =	sdelay $0x1  }
0x25: {  	v3 =	vperm.xlane v3, v2;
	v4 =	vadd.s32 v1, v4;
	_ =	sdelay $0x1  }
0x26: {  	v3 =	vadd.s32 v1, v3;
	_ =	sdelay $0x2  }
0x27: {  	[tilespmem:s12], [sflag:$0x1] =	stream.indirect_vreg.gather [hbm4b:s3+s2], $0x80, v4, vm0, $0xb8;
	[tilespmem:$0x2900] =	vst v63  }
0x28: {  	_ = 	snop  }
0x29: {  	[tilespmem:s13], [sflag:$0x1] =	stream.indirect_vreg.gather [hbm4b:s3+s2], $0x80, v3, vm0, $0xb8;
	[tilespmem:$0x2900] =	vst v63  }
0x2a: {  	v3 =	vld.msk [tilespmem:$0x20], $0xff;
	_ =	sdelay $0x4  }
0x2b: {  	v60 =	vshll.u32 v3, $0x1  }
0x2c: {  	v3 =	vand.u32 $0x7, v3;
	v4 =	vand.u32 $0xFFFFFFF0, v60  }
0x2d: {  	v3 =	vor.u32 v3, v4  }
0x2e: {  	v3 =	vperm.xlane v3, v0;
	_ =	sdelay $0x1  }
0x2f: {  	v3 =	vadd.s32 v1, v3;
	_ =	sdelay $0x4  }
0x30: {  	[tilespmem:s14], [sflag:$0x1] =	stream.indirect_vreg.gather [hbm4b:s3+s2], $0x80, v3, vm0, $0xb8;
	[tilespmem:$0x2900] =	vst v63  }
0x31: {  	_ =	swait.ge [sflag:s15], $0x2800  }
0x32: {  	[sflag:s15] =	ssyncset.done $0x0  }
0x33: {  	[sflag:s15] =	ssyncadd.s32 $0xFFFFD800  }
0x34: {  	v3 =	vld [tilespmem:$0x80];
	_ =	sdelay $0x4  }
0x35: {  	v61 =	vshll.u32 v3, $0x1  }
0x36: {  	v3 =	vand.u32 $0x7, v3;
	v4 =	vand.u32 $0xFFFFFFF0, v61  }
0x37: {  	v3 =	vor.u32 v3, v4  }
0x38: {  	v4 =	vperm.xlane v3, v0;
	_ =	sdelay $0x1  }
0x39: {  	v3 =	vperm.xlane v3, v2;
	v4 =	vadd.s32 v1, v4;
	_ =	sdelay $0x1  }
0x3a: {  	v3 =	vadd.s32 v1, v3;
	_ =	sdelay $0x2  }
0x3b: {  	[hbm4b:s4+s2] =	stream.indirect_vreg.scatter [tilespmem:s10], [sflag:$0x2], $0x80, v4, vm0, $0xb8;
	[tilespmem:$0x2900] =	vst v63  }
0x3c: {  	_ = 	snop  }
0x3d: {  	[hbm4b:s4+s2] =	stream.indirect_vreg.scatter [tilespmem:s11], [sflag:$0x2], $0x80, v3, vm0, $0xb8;
	[tilespmem:$0x2900] =	vst v63  }
0x3e: {  	v3 =	vld [tilespmem:$0x90];
	_ =	sdelay $0x4  }
0x3f: {  	v62 =	vshll.u32 v3, $0x1  }
0x40: {  	v3 =	vand.u32 $0x7, v3;
	v4 =	vand.u32 $0xFFFFFFF0, v62  }
0x41: {  	v3 =	vor.u32 v3, v4  }
0x42: {  	v4 =	vperm.xlane v3, v0;
	_ =	sdelay $0x1  }
0x43: {  	v3 =	vperm.xlane v3, v2;
	v4 =	vadd.s32 v1, v4;
	_ =	sdelay $0x1  }
0x44: {  	v3 =	vadd.s32 v1, v3;
	_ =	sdelay $0x2  }
0x45: {  	[hbm4b:s4+s2] =	stream.indirect_vreg.scatter [tilespmem:s12], [sflag:$0x2], $0x80, v4, vm0, $0xb8;
	[tilespmem:$0x2900] =	vst v63  }
0x46: {  	_ = 	snop  }
0x47: {  	[hbm4b:s4+s2] =	stream.indirect_vreg.scatter [tilespmem:s13], [sflag:$0x2], $0x80, v3, vm0, $0xb8;
	[tilespmem:$0x2900] =	vst v63  }
0x48: {  	v3 =	vld.msk [tilespmem:$0xA0], $0xff;
	_ =	sdelay $0x4  }
0x49: {  	v63 =	vshll.u32 v3, $0x1  }
0x4a: {  	v3 =	vand.u32 $0x7, v3;
	v4 =	vand.u32 $0xFFFFFFF0, v63  }
0x4b: {  	v3 =	vor.u32 v3, v4  }
0x4c: {  	v3 =	vperm.xlane v3, v0;
	_ =	sdelay $0x1  }
0x4d: {  	v3 =	vadd.s32 v1, v3;
	_ =	sdelay $0x2  }
0x4e: {  	p0 =	sne.s32 s17, $0x26C  }
.Ltmp0:
0x4f: {  	_ = 	snop;
	(pc) =	sbr.rel @p0 .LBB2_2-.Ltmp0, $4  }
0x50: {  	[hbm4b:s4+s2] =	stream.indirect_vreg.scatter [tilespmem:s14], [sflag:$0x2], $0x80, v3, vm0, $0xb8;
	[tilespmem:$0x2900] =	vst v63  }
0x51: {  	_ =	swait.ge [sflag:s8], $0x2800  }
0x52: {  	[sflag:s8] =	ssyncset.done $0x0  }
0x53: {  	s17 =	sadd.s32 $0x5, s17;
	[sflag:s8] =	ssyncadd.s32 $0xFFFFD800  }
0x54: {  	s16 =	sadd.s32 $0x1, s16  }
0x55: {  	p0 =	sne.s32 s16, s5  }
.Ltmp1:
0x56: {  	_ = 	snop;
	(pc) =	sbr.rel @p0 .LBB2_1-.Ltmp1, $1  }
0x57: {  	_ =	sdelay $0x3  }
0x58: {  	_ =	sfence.sel $0x180000  }
0x59: {  	[bflag:$0x0] =	sbarrier.arrive $0xFFFF  }
0x5a: {  	p0 =	sne.s32 s0, $0x0;
	_ =	strace $0x90000059  }
0x5b: {  	s0 =	sadd.s32 @!p0 $0x100000, s1;
	[bflag:$0x2] =	sbarrier.arrive $0xFFFF  }
0x5c: {  	[sflag:s0] =	ssyncadd.tile.s32 @!p0 $0x1;
	_ =	shalt  }
.Lfunc_end2:
_tile_overlayer_lowered:
.L_overlay_start_2:
0x5d: {  	(tag) =	ssettag $0x2  }
0x5e: {  	s0 =	rddreg [dreg:$0x0];
	s2 =	stileid.u32  }
0x5f: {  	s1 =	rddreg [dreg:$0x1];
	p0 =	sne.s32 s2, $0x0  }
0x60: {  	s3 =	rddreg [dreg:$0x2];
	[bflag:$0x3] =	sbarrier.arrive $0xFFFF;
	s2 =	simm.s32 @!p0 $0x1C02  }
0x61: {  	[timem:s3], [sflag:s2] =	dma.local @!p0 [hbm:s0], s1  }
0x62: {  	s0 =	simm.s32 @!p0 $0x2  }
0x63: {  	_ =	swait.ge @!p0 [sflag:s0], s1  }
0x64: {  	s1 =	ssub.s32 @!p0 $0x0, s1;
	[sflag:s0] =	ssyncset.done @!p0 $0x0  }
0x65: {  	[sflag:s0] =	ssyncadd.s32 @!p0 s1  }
0x66: {  	[bflag:$0x3] =	sbarrier.arrive $0xFFFF  }
0x67: {  	_ =	shalt  }

// kernel: kernel.44.cloned.1.call-start
scs
__scs_entry_jumppad:
0x0: {  	(pc) =	sbr.rel $0x88, $3  }
0x1: {  	(tag) =	ssettag $0x0;
	lr =	simm.s32 $0x1  }
0x2: {  	[smem:$0x3F75] =	sst lr;
	_ =	strace $0xD0000000  }
0x3: {  	_ = 	snop  }
0x4: {  	_ = 	snop  }
0x5: {  	_ = 	snop  }
0x6: {  	_ = 	snop  }
0x7: {  	_ = 	snop  }
__scs_overlays_trampoline_lowered:
0x8: {  	[smem:$0x3F84] =	sst s0  }
0x9: {  	[smem:$0x3F85] =	sst s1  }
0xa: {  	[smem:$0x3F86] =	sst s2  }
0xb: {  	[smem:$0x3F87] =	sst s3  }
0xc: {  	[smem:$0x3F88] =	sst s4  }
0xd: {  	[smem:$0x3F89] =	sst s5  }
0xe: {  	[smem:$0x3F8A] =	sst s6  }
0xf: {  	[smem:$0x3F8B] =	sst s7  }
0x10: {  	[smem:$0x3F8C] =	sst s8  }
0x11: {  	[smem:$0x3F8D] =	sst s9;
	s0 =	simm.s32 @!p0 $0x0  }
0x12: {  	s1 =	sld [smem:$0x3F73];
	s0 =	simm.s32 @p0 $0x1  }
0x13: {  	[smem:$0x3F8E] =	sst s0;
	s0 =	simm.s32 @!p1 $0x0  }
0x14: {  	s2 =	sld [smem:$0x3F72];
	s0 =	simm.s32 @p1 $0x1  }
0x15: {  	[smem:$0x3F8F] =	sst s0;
	s0 =	simm.s32 @!p2 $0x0  }
0x16: {  	s3 =	sld [smem:$0x3FDB];
	s0 =	simm.s32 @p2 $0x1  }
0x17: {  	s4 =	simm.s32 $0x1BF5;
	[smem:$0x3F91] =	sst s0  }
0x18: {  	s0 =	sld [smem:$0x3F74];
	_ =	swait.ge [sflag:s4], $0x0  }
0x19: {  	s7 =	sld [smem:$0x3F75]  }
0x1a: {  	s8 =	sadd.s32 $0xFFFFE003, lr  }
0x1b: {  	s9 =	sadd.s32 $0xFFFFFEF7, lr;
	s5 =	simm.s32 $0xFFFFFFFF;
	p2 =	slt.u32 s8, $0xFFFFF086  }
0x1c: {  	p1 =	slt.u32 s9, $0xF7A;
	s5 =	simm.s32 @!p2 $0x0  }
0x1d: {  	s5 =	simm.s32 @p1 $0x1;
	p0 =	seq.s32 s7, s2  }
0x1e: {  	s7 =	smul.u32 @!p0 $0xF7A, s2;
	p2 =	seq.s32 @!p0 s5, $0x0  }
0x1f: {  	s9 =	smul.u32 $0xF7A, s1;
	s8 =	simm.s32 @!p0 $0x1BF5;
	p2 =	por !p2, p0  }
0x20: {  	[sflag:s8] =	ssyncset.s32 @!p0 $0xFFFFF086;
	s6 =	sadd.s32 @!p0 s3, s7;
	s7 =	simm.s32 @!p0 $0x108  }
0x21: {  	s3 =	sadd.s32 s3, s9;
	s6 =	sadd.s32 @!p0 $0x88, s6;
	s7 =	simm.s32 @p2 $0x1082  }
0x22: {  	[simem:s7], [sflag:s8] =	dma.local @!p0 [hbm:s6], $0xF7A  }
0x23: {  	s9 =	sor.u32 $0xD0000000, s2;
	s6 =	simm.s32 $0x108;
	_ =	swait.ge @!p0 [sflag:s8], $0x0  }
0x24: {  	s3 =	sadd.s32 $0x88, s3;
	s6 =	simm.s32 @!p1 $0x1082;
	[sflag:s4] =	ssyncset.s32 $0xFFFFF086  }
0x25: {  	[simem:s6], [sflag:s4] =	dma.local [hbm:s3], $0xF7A  }
0x26: {  	[smem:$0x3F75] =	sst s1;
	(tag) =	ssettag s2;
	_ =	strace s9  }
0x27: {  	s1 =	sld [smem:$0x3F85]  }
0x28: {  	s2 =	sld [smem:$0x3F86]  }
0x29: {  	s4 =	sld [smem:$0x3F88]  }
0x2a: {  	p0 =	seq.s32 s5, $0x0;
	s5 =	sld [smem:$0x3F89]  }
0x2b: {  	s6 =	sld [smem:$0x3F8A]  }
0x2c: {  	s7 =	sld [smem:$0x3F8B]  }
0x2d: {  	s3 =	simm.s32 $0x108;
	s8 =	sld [smem:$0x3F8C]  }
0x2e: {  	s3 =	simm.s32 @!p0 $0x1082;
	s9 =	sld [smem:$0x3F8D]  }
0x2f: {  	lr =	sadd.s32 s0, s3;
	s0 =	sld [smem:$0x3F84]  }
0x30: {  	s3 =	sld [smem:$0x3F87]  }
0x31: {  	[smem:$0x3F90] =	sst s10  }
0x32: {  	s10 =	sld [smem:$0x3F8E];
	_ =	sdelay $0x3  }
0x33: {  	p0 =	seq.s32 s10, $0x1;
	s10 =	sld [smem:$0x3F90];
	_ =	sdelay $0x3  }
0x34: {  	[smem:$0x3F90] =	sst s10  }
0x35: {  	s10 =	sld [smem:$0x3F8F];
	_ =	sdelay $0x3  }
0x36: {  	p1 =	seq.s32 s10, $0x1;
	s10 =	sld [smem:$0x3F90];
	_ =	sdelay $0x3  }
0x37: {  	[smem:$0x3F90] =	sst s10  }
0x38: {  	s10 =	sld [smem:$0x3F91]  }
0x39: {  	_ = 	snop;
	(pc) =	sbr.ind lr, $3  }
0x3a: {  	_ = 	snop  }
0x3b: {  	_ = 	snop  }
0x3c: {  	p2 =	seq.s32 s10, $0x1;
	s10 =	sld [smem:$0x3F90]  }
0x3d: {  	_ =	shalt  }
0x3e: {  	_ =	shalt  }
0x3f: {  	_ =	shalt  }
0x40: {  	_ =	shalt  }
0x41: {  	_ =	shalt  }
0x42: {  	_ =	shalt  }
0x43: {  	_ =	shalt  }
0x44: {  	_ =	shalt  }
0x45: {  	_ =	shalt  }
0x46: {  	_ =	shalt  }
0x47: {  	_ =	shalt  }
0x48: {  	_ =	shalt  }
0x49: {  	_ =	shalt  }
0x4a: {  	_ =	shalt  }
0x4b: {  	_ =	shalt  }
0x4c: {  	_ =	shalt  }
0x4d: {  	_ =	shalt  }
0x4e: {  	_ =	shalt  }
0x4f: {  	_ =	shalt  }
0x50: {  	_ =	shalt  }
0x51: {  	_ =	shalt  }
0x52: {  	_ =	shalt  }
0x53: {  	_ =	shalt  }
0x54: {  	_ =	shalt  }
0x55: {  	_ =	shalt  }
0x56: {  	_ =	shalt  }
0x57: {  	_ =	shalt  }
0x58: {  	_ =	shalt  }
0x59: {  	_ =	shalt  }
0x5a: {  	_ =	shalt  }
0x5b: {  	_ =	shalt  }
0x5c: {  	_ =	shalt  }
0x5d: {  	_ =	shalt  }
0x5e: {  	_ =	shalt  }
0x5f: {  	_ =	shalt  }
0x60: {  	_ =	shalt  }
0x61: {  	_ =	shalt  }
0x62: {  	_ =	shalt  }
0x63: {  	_ =	shalt  }
0x64: {  	_ =	shalt  }
0x65: {  	_ =	shalt  }
0x66: {  	_ =	shalt  }
0x67: {  	_ =	shalt  }
0x68: {  	_ =	shalt  }
0x69: {  	_ =	shalt  }
0x6a: {  	_ =	shalt  }
0x6b: {  	_ =	shalt  }
0x6c: {  	_ =	shalt  }
0x6d: {  	_ =	shalt  }
0x6e: {  	_ =	shalt  }
0x6f: {  	_ =	shalt  }
0x70: {  	_ =	shalt  }
0x71: {  	_ =	shalt  }
0x72: {  	_ =	shalt  }
0x73: {  	_ =	shalt  }
0x74: {  	_ =	shalt  }
0x75: {  	_ =	shalt  }
0x76: {  	_ =	shalt  }
0x77: {  	_ =	shalt  }
0x78: {  	_ =	shalt  }
0x79: {  	_ =	shalt  }
0x7a: {  	_ =	shalt  }
0x7b: {  	_ =	shalt  }
0x7c: {  	_ =	shalt  }
0x7d: {  	_ =	shalt  }
0x7e: {  	_ =	shalt  }
0x7f: {  	_ =	shalt  }
0x80: {  	_ =	shalt  }
0x81: {  	_ =	shalt  }
0x82: {  	_ =	shalt  }
0x83: {  	_ =	shalt  }
0x84: {  	_ =	shalt  }
0x85: {  	_ =	shalt  }
0x86: {  	_ =	shalt  }
0x87: {  	_ =	shalt  }
.Lfunc_end0:
.L_simem_size_0:
called_computation.7_lowered:
.L_overlay_start_0:
0x88: {  	s2 =	sld [smem:$0x3FD9]  }
0x89: {  	s3 =	sld [smem:$0x3FFE];
	_ =	sdelay $0x1  }
0x8a: {  	s1 =	srdreg.scid  }
0x8b: {  	s0 =	sand.u32 $0x1, s1  }
0x8c: {  	s16 =	sshll.u32 s0, $0xA;
	s2 =	sadd.s32 s3, s2  }
0x8d: {  	s2 =	sadd.s32 s2, s16  }
0x8e: {  	[smem:$0x3F9C] =	sst s2  }
0x8f: {  	_ = 	snop  }
0x90: {  	(tm) =	ssettm $0x1  }
0x91: {  	s17 =	sld [smem:$0x3FFB];
	_ =	sdelay $0x3  }
0x92: {  	_ =	strace s17  }
0x93: {  	s2 =	sld [smem:$0x3FFC];
	_ =	sdelay $0x3  }
0x94: {  	_ =	strace s2  }
0x95: {  	s2 =	sld [smem:$0x3FFD];
	_ =	sdelay $0x3  }
0x96: {  	_ =	strace s2  }
0x97: {  	_ =	strace $0x8FFFFFFF  }
0x98: {  	s18 =	sld [smem:$0x3FDB];
	_ =	sdelay $0x1  }
0x99: {  	s19 =	simm.s32 $_scs_section_size  }
0x9a: {  	s4 =	simm.s32 $_size__tile_overlayer_lowered;
	s5 =	simm.s32 $_tile_overlayer_lowered  }
0x9b: {  	s22 =	simm.s32 $0x1BFF;
	s21 =	sshll.u32 s5, $0x1;
	s2 =	sadd.s32 s19, s18  }
0x9c: {  	s6 =	simm.s32 $0x0;
	s20 =	sshll.u32 s4, $0x1;
	s4 =	sadd.s32 s21, s2  }
0x9d: {  	[timem:s6], [sflag:s22] =	dma.local [hbm:s4], s20  }
0x9e: {  	_ =	swait.ge [sflag:s22], s20  }
0x9f: {  	s3 =	ssub.s32 $0x0, s20;
	[sflag:s22] =	ssyncset.done $0x0  }
0xa0: {  	[sflag:s22] =	ssyncadd.s32 s3;
	_ =	sdelay $0x1  }
0xa1: {  	s23 =	simm.s32 $0x1B8B  }
0xa2: {  	_ =	swait.ge [sflag:s23], $0x1  }
0xa3: {  	[sflag:s23] =	ssyncset.done $0x0  }
0xa4: {  	s25 =	simm.s32 $0x1B8E;
	s24 =	sld [smem:$0x3FFE];
	[sflag:s23] =	ssyncadd.s32 $0xFFFFFFFF  }
0xa5: {  	s26 =	simm.s32 $execute0_lowered;
	[smem:$0x3FD2] =	sst s25  }
0xa6: {  	s4 =	sshll.u32 s26, $0x1;
	_ =	strace $0x8000005B;
	[dreg:$0x1] =	wrdreg $0xFFFFFFFF  }
0xa7: {  	s28 =	simm.s32 $_size_execute0_lowered;
	s2 =	sadd.s32 s2, s4;
	[dreg:$0x0] =	wrdreg $0x0  }
0xa8: {  	s4 =	sshll.u32 s28, $0x1;
	[dreg:$0x2] =	wrdreg s2  }
0xa9: {  	[dreg:$0x3] =	wrdreg s4  }
0xaa: {  	[dreg:$0x4] =	wrdreg $0xC0  }
0xab: {  	_ =	task [dreg:s6], $0x5FFFF  }
0xac: {  	[dreg:$0x1] =	wrdreg $0xFFFFFFFF  }
0xad: {  	[dreg:$0x0] =	wrdreg $0x60  }
0xae: {  	[dreg:$0x2] =	wrdreg s24  }
0xaf: {  	[dreg:$0x3] =	wrdreg $0x9  }
0xb0: {  	_ =	task.clear_ibuf [dreg:s6], $0x4FFFF;
	_ =	strace $0x9000005B  }
0xb1: {  	s29 =	simm.s32 $0x9;
	_ =	strace $0x8000005D  }
0xb2: {  	_ =	swait.ge [sflag:s29], $0x1  }
0xb3: {  	[sflag:s29] =	ssyncadd.s32 $0xFFFFFFFF  }
0xb4: {  	_ =	strace $0x9000005D  }
0xb5: {  	_ =	sfence  }
0xb6: {  	s30 =	sld [smem:$0x0];
	_ =	sdelay $0x2  }
0xb7: {  	s31 =	sshll.u32 s1, $0xD;
	s1 =	sshrl.u32 s1, $0x2  }
0xb8: {  	s3 =	sand.u32 $0x4000, s31;
	s1 =	sadd.s32 s1, s30  }
0xb9: {  	s0 =	sor.u32 s3, s0;
	s1 =	sshll.u32 s1, $0x11  }
0xba: {  	s0 =	sor.u32 s1, s0  }
0xbb: {  	s0 =	sadd.s32 $0x8F2B, s0  }
0xbc: {  	[sflag:s0] =	ssyncadd.remote.s32 $0x1  }
0xbd: {  	_ =	sfence.sel $0xFFFF  }
0xbe: {  	[dreg:$0x0] =	wrdreg $0xFFFFFFFF;
	(pc) =	sbr.abs _section_cstart, $3  }
0xbf: {  	[dreg:$0x1] =	wrdreg $0xFFFFFFFF  }
0xc0: {  	_ =	task.clear_ibuf [dreg:s6], $0x2FFFF;
	_ =	strace $0x9FFFFFFF  }
0xc1: {  	(tm) =	ssettm $0x7FFFFFFF  }
tec
execute0_lowered:
.L_overlay_start_1:
0x0: {  	(tag) =	ssettag $0x1  }
0x1: {  	s1 =	srdreg.scid  }
0x2: {  	s0 =	stileid.u32;
	s4 =	rddreg [dreg:$0x0]  }
0x3: {  	s2 =	simm.s32 $0x0;
	s9 =	simm.s32 $0x80;
	s10 =	simm.s32 $0x100  }
0x4: {  	s11 =	simm.s32 $0x900;
	s12 =	simm.s32 $0x1100;
	s13 =	simm.s32 $0x1900  }
0x5: {  	s14 =	simm.s32 $0x2100;
	s3 =	sand.u32 $0x1, s1;
	s5 =	smul.u32 $0x2710, s0  }
0x6: {  	s15 =	simm.s32 $0x1;
	s1 =	rddreg [dreg:$0x1];
	s6 =	smul.u32 $0x1388, s3  }
0x7: {  	s16 =	simm.s32 $0x0;
	[smem:$0x7FF] =	sst s2;
	s30 =	ssub.s32 $0x2, s3  }
0x8: {  	_ =	strace $0x8000005C;
	s7 =	sshrl.u32 s30, $0x1;
	s5 =	sadd.s32 s6, s5  }
0x9: {  	v2 =	vlaneseq.u32;
	s3 =	sadd.s32 $0x19B200, s4;
	s31 =	ssub.s32 s30, s7;
	s5 =	sshrl.u32 s5, $0x3  }
0xa: {  	vm0 =	vmmov $0xffff;
	v1 =	vshrl.u32 v2, $0x3;
	s8 =	sadd.s32 s5, s4;
	s4 =	sadd.s32 $0x1E9400, s4;
	s5 =	smax.u32 s31, $0x1  }
0xb: {  	v0 =	vand.u32 $0x7, v2;
	v2 =	vor.u32 $0x8, v2;
	v1 =	vmul.u32 $0x8, v1;
	s6 =	sadd.s32 $0xA800, s8;
	s7 =	sadd.s32 $0xF800, s8;
	s8 =	simm.s32 $0x2  }
.LBB2_1:
0xc: {  	s17 =	simm.s32 $0x0  }
.LBB2_2:
0xd: {  	s18 =	sadd.s32 s17, s7  }
0xe: {  	[tilespmem:s2], [sflag:$0x2] =	stream.linear.gather [hbm4b:s18+s2], $0x28, $0x38;
	[tilespmem:$0x2900] =	vst v63  }
0xf: {  	_ =	swait.ge [sflag:s8], $0x28  }
0x10: {  	[sflag:s8] =	ssyncset.done $0x0  }
0x11: {  	s31 =	sadd.s32 s17, s6;
	[sflag:s8] =	ssyncadd.s32 $0xFFFFFFD8  }
0x12: {  	[tilespmem:s9], [sflag:$0x2] =	stream.linear.gather [hbm4b:s31+s2], $0x28, $0x38;
	[tilespmem:$0x2900] =	vst v63  }
0x13: {  	_ =	swait.ge [sflag:s8], $0x28  }
0x14: {  	[sflag:s8] =	ssyncset.done $0x0  }
0x15: {  	[sflag:s8] =	ssyncadd.s32 $0xFFFFFFD8  }
0x16: {  	v3 =	vld [tilespmem:$0x0];
	_ =	sdelay $0x4  }
0x17: {  	v4 =	vshll.u32 v3, $0x1  }
0x18: {  	v3 =	vand.u32 $0x7, v3;
	v4 =	vand.u32 $0xFFFFFFF0, v4  }
0x19: {  	v3 =	vor.u32 v3, v4  }
0x1a: {  	v4 =	vperm.xlane v3, v0;
	_ =	sdelay $0x1  }
0x1b: {  	v3 =	vperm.xlane v3, v2;
	v4 =	vadd.s32 v1, v4;
	_ =	sdelay $0x1  }
0x1c: {  	v3 =	vadd.s32 v1, v3;
	_ =	sdelay $0x2  }
0x1d: {  	[tilespmem:s10], [sflag:$0x1] =	stream.indirect_vreg.gather [hbm4b:s3+s2], $0x80, v4, vm0, $0xb8;
	[tilespmem:$0x2900] =	vst v63  }
0x1e: {  	_ = 	snop  }
0x1f: {  	[tilespmem:s11], [sflag:$0x1] =	stream.indirect_vreg.gather [hbm4b:s3+s2], $0x80, v3, vm0, $0xb8;
	[tilespmem:$0x2900] =	vst v63  }
0x20: {  	v3 =	vld [tilespmem:$0x10];
	_ =	sdelay $0x4  }
0x21: {  	v59 =	vshll.u32 v3, $0x1  }
0x22: {  	v3 =	vand.u32 $0x7, v3;
	v4 =	vand.u32 $0xFFFFFFF0, v59  }
0x23: {  	v3 =	vor.u32 v3, v4  }
0x24: {  	v4 =	vperm.xlane v3, v0;
	_ =	sdelay $0x1  }
0x25: {  	v3 =	vperm.xlane v3, v2;
	v4 =	vadd.s32 v1, v4;
	_ =	sdelay $0x1  }
0x26: {  	v3 =	vadd.s32 v1, v3;
	_ =	sdelay $0x2  }
0x27: {  	[tilespmem:s12], [sflag:$0x1] =	stream.indirect_vreg.gather [hbm4b:s3+s2], $0x80, v4, vm0, $0xb8;
	[tilespmem:$0x2900] =	vst v63  }
0x28: {  	_ = 	snop  }
0x29: {  	[tilespmem:s13], [sflag:$0x1] =	stream.indirect_vreg.gather [hbm4b:s3+s2], $0x80, v3, vm0, $0xb8;
	[tilespmem:$0x2900] =	vst v63  }
0x2a: {  	v3 =	vld.msk [tilespmem:$0x20], $0xff;
	_ =	sdelay $0x4  }
0x2b: {  	v60 =	vshll.u32 v3, $0x1  }
0x2c: {  	v3 =	vand.u32 $0x7, v3;
	v4 =	vand.u32 $0xFFFFFFF0, v60  }
0x2d: {  	v3 =	vor.u32 v3, v4  }
0x2e: {  	v3 =	vperm.xlane v3, v0;
	_ =	sdelay $0x1  }
0x2f: {  	v3 =	vadd.s32 v1, v3;
	_ =	sdelay $0x4  }
0x30: {  	[tilespmem:s14], [sflag:$0x1] =	stream.indirect_vreg.gather [hbm4b:s3+s2], $0x80, v3, vm0, $0xb8;
	[tilespmem:$0x2900] =	vst v63  }
0x31: {  	_ =	swait.ge [sflag:s15], $0x2800  }
0x32: {  	[sflag:s15] =	ssyncset.done $0x0  }
0x33: {  	[sflag:s15] =	ssyncadd.s32 $0xFFFFD800  }
0x34: {  	v3 =	vld [tilespmem:$0x80];
	_ =	sdelay $0x4  }
0x35: {  	v61 =	vshll.u32 v3, $0x1  }
0x36: {  	v3 =	vand.u32 $0x7, v3;
	v4 =	vand.u32 $0xFFFFFFF0, v61  }
0x37: {  	v3 =	vor.u32 v3, v4  }
0x38: {  	v4 =	vperm.xlane v3, v0;
	_ =	sdelay $0x1  }
0x39: {  	v3 =	vperm.xlane v3, v2;
	v4 =	vadd.s32 v1, v4;
	_ =	sdelay $0x1  }
0x3a: {  	v3 =	vadd.s32 v1, v3;
	_ =	sdelay $0x2  }
0x3b: {  	[hbm4b:s4+s2] =	stream.indirect_vreg.scatter [tilespmem:s10], [sflag:$0x2], $0x80, v4, vm0, $0xb8;
	[tilespmem:$0x2900] =	vst v63  }
0x3c: {  	_ = 	snop  }
0x3d: {  	[hbm4b:s4+s2] =	stream.indirect_vreg.scatter [tilespmem:s11], [sflag:$0x2], $0x80, v3, vm0, $0xb8;
	[tilespmem:$0x2900] =	vst v63  }
0x3e: {  	v3 =	vld [tilespmem:$0x90];
	_ =	sdelay $0x4  }
0x3f: {  	v62 =	vshll.u32 v3, $0x1  }
0x40: {  	v3 =	vand.u32 $0x7, v3;
	v4 =	vand.u32 $0xFFFFFFF0, v62  }
0x41: {  	v3 =	vor.u32 v3, v4  }
0x42: {  	v4 =	vperm.xlane v3, v0;
	_ =	sdelay $0x1  }
0x43: {  	v3 =	vperm.xlane v3, v2;
	v4 =	vadd.s32 v1, v4;
	_ =	sdelay $0x1  }
0x44: {  	v3 =	vadd.s32 v1, v3;
	_ =	sdelay $0x2  }
0x45: {  	[hbm4b:s4+s2] =	stream.indirect_vreg.scatter [tilespmem:s12], [sflag:$0x2], $0x80, v4, vm0, $0xb8;
	[tilespmem:$0x2900] =	vst v63  }
0x46: {  	_ = 	snop  }
0x47: {  	[hbm4b:s4+s2] =	stream.indirect_vreg.scatter [tilespmem:s13], [sflag:$0x2], $0x80, v3, vm0, $0xb8;
	[tilespmem:$0x2900] =	vst v63  }
0x48: {  	v3 =	vld.msk [tilespmem:$0xA0], $0xff;
	_ =	sdelay $0x4  }
0x49: {  	v63 =	vshll.u32 v3, $0x1  }
0x4a: {  	v3 =	vand.u32 $0x7, v3;
	v4 =	vand.u32 $0xFFFFFFF0, v63  }
0x4b: {  	v3 =	vor.u32 v3, v4  }
0x4c: {  	v3 =	vperm.xlane v3, v0;
	_ =	sdelay $0x1  }
0x4d: {  	v3 =	vadd.s32 v1, v3;
	_ =	sdelay $0x2  }
0x4e: {  	p0 =	sne.s32 s17, $0x26C  }
.Ltmp0:
0x4f: {  	_ = 	snop;
	(pc) =	sbr.rel @p0 .LBB2_2-.Ltmp0, $4  }
0x50: {  	[hbm4b:s4+s2] =	stream.indirect_vreg.scatter [tilespmem:s14], [sflag:$0x2], $0x80, v3, vm0, $0xb8;
	[tilespmem:$0x2900] =	vst v63  }
0x51: {  	_ =	swait.ge [sflag:s8], $0x2800  }
0x52: {  	[sflag:s8] =	ssyncset.done $0x0  }
0x53: {  	s17 =	sadd.s32 $0x5, s17;
	[sflag:s8] =	ssyncadd.s32 $0xFFFFD800  }
0x54: {  	s16 =	sadd.s32 $0x1, s16  }
0x55: {  	p0 =	sne.s32 s16, s5  }
.Ltmp1:
0x56: {  	_ = 	snop;
	(pc) =	sbr.rel @p0 .LBB2_1-.Ltmp1, $1  }
0x57: {  	_ =	sdelay $0x3  }
0x58: {  	_ =	sfence.sel $0x180000  }
0x59: {  	[bflag:$0x0] =	sbarrier.arrive $0xFFFF  }
0x5a: {  	p0 =	sne.s32 s0, $0x0;
	_ =	strace $0x9000005C  }
0x5b: {  	s0 =	sadd.s32 @!p0 $0x100000, s1;
	[bflag:$0x2] =	sbarrier.arrive $0xFFFF  }
0x5c: {  	[sflag:s0] =	ssyncadd.tile.s32 @!p0 $0x1;
	_ =	shalt  }
.Lfunc_end2:
_tile_overlayer_lowered:
.L_overlay_start_2:
0x5d: {  	(tag) =	ssettag $0x2  }
0x5e: {  	s0 =	rddreg [dreg:$0x0];
	s2 =	stileid.u32  }
0x5f: {  	s1 =	rddreg [dreg:$0x1];
	p0 =	sne.s32 s2, $0x0  }
0x60: {  	s3 =	rddreg [dreg:$0x2];
	[bflag:$0x3] =	sbarrier.arrive $0xFFFF;
	s2 =	simm.s32 @!p0 $0x1C02  }
0x61: {  	[timem:s3], [sflag:s2] =	dma.local @!p0 [hbm:s0], s1  }
0x62: {  	s0 =	simm.s32 @!p0 $0x2  }
0x63: {  	_ =	swait.ge @!p0 [sflag:s0], s1  }
0x64: {  	s1 =	ssub.s32 @!p0 $0x0, s1;
	[sflag:s0] =	ssyncset.done @!p0 $0x0  }
0x65: {  	[sflag:s0] =	ssyncadd.s32 @!p0 s1  }
0x66: {  	[bflag:$0x3] =	sbarrier.arrive $0xFFFF  }
0x67: {  	_ =	shalt  }

// kernel: kernel.47.cloned.1.call-start
scs
__scs_entry_jumppad:
0x0: {  	(pc) =	sbr.rel $0x88, $3  }
0x1: {  	(tag) =	ssettag $0x0;
	lr =	simm.s32 $0x1  }
0x2: {  	[smem:$0x3F75] =	sst lr;
	_ =	strace $0xD0000000  }
0x3: {  	_ = 	snop  }
0x4: {  	_ = 	snop  }
0x5: {  	_ = 	snop  }
0x6: {  	_ = 	snop  }
0x7: {  	_ = 	snop  }
__scs_overlays_trampoline_lowered:
0x8: {  	[smem:$0x3F84] =	sst s0  }
0x9: {  	[smem:$0x3F85] =	sst s1  }
0xa: {  	[smem:$0x3F86] =	sst s2  }
0xb: {  	[smem:$0x3F87] =	sst s3  }
0xc: {  	[smem:$0x3F88] =	sst s4  }
0xd: {  	[smem:$0x3F89] =	sst s5  }
0xe: {  	[smem:$0x3F8A] =	sst s6  }
0xf: {  	[smem:$0x3F8B] =	sst s7  }
0x10: {  	[smem:$0x3F8C] =	sst s8  }
0x11: {  	[smem:$0x3F8D] =	sst s9;
	s0 =	simm.s32 @!p0 $0x0  }
0x12: {  	s1 =	sld [smem:$0x3F73];
	s0 =	simm.s32 @p0 $0x1  }
0x13: {  	[smem:$0x3F8E] =	sst s0;
	s0 =	simm.s32 @!p1 $0x0  }
0x14: {  	s2 =	sld [smem:$0x3F72];
	s0 =	simm.s32 @p1 $0x1  }
0x15: {  	[smem:$0x3F8F] =	sst s0;
	s0 =	simm.s32 @!p2 $0x0  }
0x16: {  	s3 =	sld [smem:$0x3FDB];
	s0 =	simm.s32 @p2 $0x1  }
0x17: {  	s4 =	simm.s32 $0x1BF5;
	[smem:$0x3F91] =	sst s0  }
0x18: {  	s0 =	sld [smem:$0x3F74];
	_ =	swait.ge [sflag:s4], $0x0  }
0x19: {  	s7 =	sld [smem:$0x3F75]  }
0x1a: {  	s8 =	sadd.s32 $0xFFFFE003, lr  }
0x1b: {  	s9 =	sadd.s32 $0xFFFFFEF7, lr;
	s5 =	simm.s32 $0xFFFFFFFF;
	p2 =	slt.u32 s8, $0xFFFFF086  }
0x1c: {  	p1 =	slt.u32 s9, $0xF7A;
	s5 =	simm.s32 @!p2 $0x0  }
0x1d: {  	s5 =	simm.s32 @p1 $0x1;
	p0 =	seq.s32 s7, s2  }
0x1e: {  	s7 =	smul.u32 @!p0 $0xF7A, s2;
	p2 =	seq.s32 @!p0 s5, $0x0  }
0x1f: {  	s9 =	smul.u32 $0xF7A, s1;
	s8 =	simm.s32 @!p0 $0x1BF5;
	p2 =	por !p2, p0  }
0x20: {  	[sflag:s8] =	ssyncset.s32 @!p0 $0xFFFFF086;
	s6 =	sadd.s32 @!p0 s3, s7;
	s7 =	simm.s32 @!p0 $0x108  }
0x21: {  	s3 =	sadd.s32 s3, s9;
	s6 =	sadd.s32 @!p0 $0x88, s6;
	s7 =	simm.s32 @p2 $0x1082  }
0x22: {  	[simem:s7], [sflag:s8] =	dma.local @!p0 [hbm:s6], $0xF7A  }
0x23: {  	s9 =	sor.u32 $0xD0000000, s2;
	s6 =	simm.s32 $0x108;
	_ =	swait.ge @!p0 [sflag:s8], $0x0  }
0x24: {  	s3 =	sadd.s32 $0x88, s3;
	s6 =	simm.s32 @!p1 $0x1082;
	[sflag:s4] =	ssyncset.s32 $0xFFFFF086  }
0x25: {  	[simem:s6], [sflag:s4] =	dma.local [hbm:s3], $0xF7A  }
0x26: {  	[smem:$0x3F75] =	sst s1;
	(tag) =	ssettag s2;
	_ =	strace s9  }
0x27: {  	s1 =	sld [smem:$0x3F85]  }
0x28: {  	s2 =	sld [smem:$0x3F86]  }
0x29: {  	s4 =	sld [smem:$0x3F88]  }
0x2a: {  	p0 =	seq.s32 s5, $0x0;
	s5 =	sld [smem:$0x3F89]  }
0x2b: {  	s6 =	sld [smem:$0x3F8A]  }
0x2c: {  	s7 =	sld [smem:$0x3F8B]  }
0x2d: {  	s3 =	simm.s32 $0x108;
	s8 =	sld [smem:$0x3F8C]  }
0x2e: {  	s3 =	simm.s32 @!p0 $0x1082;
	s9 =	sld [smem:$0x3F8D]  }
0x2f: {  	lr =	sadd.s32 s0, s3;
	s0 =	sld [smem:$0x3F84]  }
0x30: {  	s3 =	sld [smem:$0x3F87]  }
0x31: {  	[smem:$0x3F90] =	sst s10  }
0x32: {  	s10 =	sld [smem:$0x3F8E];
	_ =	sdelay $0x3  }
0x33: {  	p0 =	seq.s32 s10, $0x1;
	s10 =	sld [smem:$0x3F90];
	_ =	sdelay $0x3  }
0x34: {  	[smem:$0x3F90] =	sst s10  }
0x35: {  	s10 =	sld [smem:$0x3F8F];
	_ =	sdelay $0x3  }
0x36: {  	p1 =	seq.s32 s10, $0x1;
	s10 =	sld [smem:$0x3F90];
	_ =	sdelay $0x3  }
0x37: {  	[smem:$0x3F90] =	sst s10  }
0x38: {  	s10 =	sld [smem:$0x3F91]  }
0x39: {  	_ = 	snop;
	(pc) =	sbr.ind lr, $3  }
0x3a: {  	_ = 	snop  }
0x3b: {  	_ = 	snop  }
0x3c: {  	p2 =	seq.s32 s10, $0x1;
	s10 =	sld [smem:$0x3F90]  }
0x3d: {  	_ =	shalt  }
0x3e: {  	_ =	shalt  }
0x3f: {  	_ =	shalt  }
0x40: {  	_ =	shalt  }
0x41: {  	_ =	shalt  }
0x42: {  	_ =	shalt  }
0x43: {  	_ =	shalt  }
0x44: {  	_ =	shalt  }
0x45: {  	_ =	shalt  }
0x46: {  	_ =	shalt  }
0x47: {  	_ =	shalt  }
0x48: {  	_ =	shalt  }
0x49: {  	_ =	shalt  }
0x4a: {  	_ =	shalt  }
0x4b: {  	_ =	shalt  }
0x4c: {  	_ =	shalt  }
0x4d: {  	_ =	shalt  }
0x4e: {  	_ =	shalt  }
0x4f: {  	_ =	shalt  }
0x50: {  	_ =	shalt  }
0x51: {  	_ =	shalt  }
0x52: {  	_ =	shalt  }
0x53: {  	_ =	shalt  }
0x54: {  	_ =	shalt  }
0x55: {  	_ =	shalt  }
0x56: {  	_ =	shalt  }
0x57: {  	_ =	shalt  }
0x58: {  	_ =	shalt  }
0x59: {  	_ =	shalt  }
0x5a: {  	_ =	shalt  }
0x5b: {  	_ =	shalt  }
0x5c: {  	_ =	shalt  }
0x5d: {  	_ =	shalt  }
0x5e: {  	_ =	shalt  }
0x5f: {  	_ =	shalt  }
0x60: {  	_ =	shalt  }
0x61: {  	_ =	shalt  }
0x62: {  	_ =	shalt  }
0x63: {  	_ =	shalt  }
0x64: {  	_ =	shalt  }
0x65: {  	_ =	shalt  }
0x66: {  	_ =	shalt  }
0x67: {  	_ =	shalt  }
0x68: {  	_ =	shalt  }
0x69: {  	_ =	shalt  }
0x6a: {  	_ =	shalt  }
0x6b: {  	_ =	shalt  }
0x6c: {  	_ =	shalt  }
0x6d: {  	_ =	shalt  }
0x6e: {  	_ =	shalt  }
0x6f: {  	_ =	shalt  }
0x70: {  	_ =	shalt  }
0x71: {  	_ =	shalt  }
0x72: {  	_ =	shalt  }
0x73: {  	_ =	shalt  }
0x74: {  	_ =	shalt  }
0x75: {  	_ =	shalt  }
0x76: {  	_ =	shalt  }
0x77: {  	_ =	shalt  }
0x78: {  	_ =	shalt  }
0x79: {  	_ =	shalt  }
0x7a: {  	_ =	shalt  }
0x7b: {  	_ =	shalt  }
0x7c: {  	_ =	shalt  }
0x7d: {  	_ =	shalt  }
0x7e: {  	_ =	shalt  }
0x7f: {  	_ =	shalt  }
0x80: {  	_ =	shalt  }
0x81: {  	_ =	shalt  }
0x82: {  	_ =	shalt  }
0x83: {  	_ =	shalt  }
0x84: {  	_ =	shalt  }
0x85: {  	_ =	shalt  }
0x86: {  	_ =	shalt  }
0x87: {  	_ =	shalt  }
.Lfunc_end0:
.L_simem_size_0:
called_computation.8_lowered:
.L_overlay_start_0:
0x88: {  	s2 =	sld [smem:$0x3FD9]  }
0x89: {  	s3 =	sld [smem:$0x3FFE];
	_ =	sdelay $0x1  }
0x8a: {  	s1 =	srdreg.scid  }
0x8b: {  	s0 =	sand.u32 $0x1, s1  }
0x8c: {  	s16 =	sshll.u32 s0, $0xA;
	s2 =	sadd.s32 s3, s2  }
0x8d: {  	s2 =	sadd.s32 s2, s16  }
0x8e: {  	[smem:$0x3F9C] =	sst s2  }
0x8f: {  	_ = 	snop  }
0x90: {  	(tm) =	ssettm $0x1  }
0x91: {  	s17 =	sld [smem:$0x3FFB];
	_ =	sdelay $0x3  }
0x92: {  	_ =	strace s17  }
0x93: {  	s2 =	sld [smem:$0x3FFC];
	_ =	sdelay $0x3  }
0x94: {  	_ =	strace s2  }
0x95: {  	s2 =	sld [smem:$0x3FFD];
	_ =	sdelay $0x3  }
0x96: {  	_ =	strace s2  }
0x97: {  	_ =	strace $0x8FFFFFFF  }
0x98: {  	s18 =	sld [smem:$0x3FDB];
	_ =	sdelay $0x1  }
0x99: {  	s19 =	simm.s32 $_scs_section_size  }
0x9a: {  	s4 =	simm.s32 $_size__tile_overlayer_lowered;
	s5 =	simm.s32 $_tile_overlayer_lowered  }
0x9b: {  	s22 =	simm.s32 $0x1BFF;
	s21 =	sshll.u32 s5, $0x1;
	s2 =	sadd.s32 s19, s18  }
0x9c: {  	s6 =	simm.s32 $0x0;
	s20 =	sshll.u32 s4, $0x1;
	s4 =	sadd.s32 s21, s2  }
0x9d: {  	[timem:s6], [sflag:s22] =	dma.local [hbm:s4], s20  }
0x9e: {  	_ =	swait.ge [sflag:s22], s20  }
0x9f: {  	s3 =	ssub.s32 $0x0, s20;
	[sflag:s22] =	ssyncset.done $0x0  }
0xa0: {  	[sflag:s22] =	ssyncadd.s32 s3;
	_ =	sdelay $0x1  }
0xa1: {  	s23 =	simm.s32 $0x1B8B  }
0xa2: {  	_ =	swait.ge [sflag:s23], $0x1  }
0xa3: {  	[sflag:s23] =	ssyncset.done $0x0  }
0xa4: {  	s25 =	simm.s32 $0x1B8E;
	s24 =	sld [smem:$0x3FFE];
	[sflag:s23] =	ssyncadd.s32 $0xFFFFFFFF  }
0xa5: {  	s26 =	simm.s32 $execute0_lowered;
	[smem:$0x3FD2] =	sst s25  }
0xa6: {  	s4 =	sshll.u32 s26, $0x1;
	_ =	strace $0x8000005E;
	[dreg:$0x1] =	wrdreg $0xFFFFFFFF  }
0xa7: {  	s28 =	simm.s32 $_size_execute0_lowered;
	s2 =	sadd.s32 s2, s4;
	[dreg:$0x0] =	wrdreg $0x0  }
0xa8: {  	s4 =	sshll.u32 s28, $0x1;
	[dreg:$0x2] =	wrdreg s2  }
0xa9: {  	[dreg:$0x3] =	wrdreg s4  }
0xaa: {  	[dreg:$0x4] =	wrdreg $0xC0  }
0xab: {  	_ =	task [dreg:s6], $0x5FFFF  }
0xac: {  	[dreg:$0x1] =	wrdreg $0xFFFFFFFF  }
0xad: {  	[dreg:$0x0] =	wrdreg $0x60  }
0xae: {  	[dreg:$0x2] =	wrdreg s24  }
0xaf: {  	[dreg:$0x3] =	wrdreg $0x9  }
0xb0: {  	_ =	task.clear_ibuf [dreg:s6], $0x4FFFF;
	_ =	strace $0x9000005E  }
0xb1: {  	s29 =	simm.s32 $0x9;
	_ =	strace $0x80000060  }
0xb2: {  	_ =	swait.ge [sflag:s29], $0x1  }
0xb3: {  	[sflag:s29] =	ssyncadd.s32 $0xFFFFFFFF  }
0xb4: {  	_ =	strace $0x90000060  }
0xb5: {  	_ =	sfence  }
0xb6: {  	s30 =	sld [smem:$0x0];
	_ =	sdelay $0x2  }
0xb7: {  	s31 =	sshll.u32 s1, $0xD;
	s1 =	sshrl.u32 s1, $0x2  }
0xb8: {  	s3 =	sand.u32 $0x4000, s31;
	s1 =	sadd.s32 s1, s30  }
0xb9: {  	s0 =	sor.u32 s3, s0;
	s1 =	sshll.u32 s1, $0x11  }
0xba: {  	s0 =	sor.u32 s1, s0  }
0xbb: {  	s0 =	sadd.s32 $0x8F2B, s0  }
0xbc: {  	[sflag:s0] =	ssyncadd.remote.s32 $0x1  }
0xbd: {  	_ =	sfence.sel $0xFFFF  }
0xbe: {  	[dreg:$0x0] =	wrdreg $0xFFFFFFFF;
	(pc) =	sbr.abs _section_cstart, $3  }
0xbf: {  	[dreg:$0x1] =	wrdreg $0xFFFFFFFF  }
0xc0: {  	_ =	task.clear_ibuf [dreg:s6], $0x2FFFF;
	_ =	strace $0x9FFFFFFF  }
0xc1: {  	(tm) =	ssettm $0x7FFFFFFF  }
tec
execute0_lowered:
.L_overlay_start_1:
0x0: {  	(tag) =	ssettag $0x1  }
0x1: {  	s1 =	srdreg.scid  }
0x2: {  	s0 =	stileid.u32;
	s4 =	rddreg [dreg:$0x0]  }
0x3: {  	s2 =	simm.s32 $0x0;
	s9 =	simm.s32 $0x80;
	s10 =	simm.s32 $0x100  }
0x4: {  	s11 =	simm.s32 $0x900;
	s12 =	simm.s32 $0x1100;
	s13 =	simm.s32 $0x1900  }
0x5: {  	s14 =	simm.s32 $0x2100;
	s3 =	sand.u32 $0x1, s1;
	s5 =	smul.u32 $0x2710, s0  }
0x6: {  	s15 =	simm.s32 $0x1;
	s1 =	rddreg [dreg:$0x1];
	s6 =	smul.u32 $0x1388, s3  }
0x7: {  	s16 =	simm.s32 $0x0;
	[smem:$0x7FF] =	sst s2;
	s30 =	ssub.s32 $0x2, s3  }
0x8: {  	_ =	strace $0x8000005F;
	s7 =	sshrl.u32 s30, $0x1;
	s5 =	sadd.s32 s6, s5  }
0x9: {  	v2 =	vlaneseq.u32;
	s3 =	sadd.s32 $0x1E9400, s4;
	s31 =	ssub.s32 s30, s7;
	s5 =	sshrl.u32 s5, $0x3  }
0xa: {  	vm0 =	vmmov $0xffff;
	v1 =	vshrl.u32 v2, $0x3;
	s8 =	sadd.s32 s5, s4;
	s4 =	sadd.s32 $0x237600, s4;
	s5 =	smax.u32 s31, $0x1  }
0xb: {  	v0 =	vand.u32 $0x7, v2;
	v2 =	vor.u32 $0x8, v2;
	v1 =	vmul.u32 $0x8, v1;
	s6 =	sadd.s32 $0xA800, s8;
	s7 =	sadd.s32 $0xF800, s8;
	s8 =	simm.s32 $0x2  }
.LBB2_1:
0xc: {  	s17 =	simm.s32 $0x0  }
.LBB2_2:
0xd: {  	s18 =	sadd.s32 s17, s7  }
0xe: {  	[tilespmem:s2], [sflag:$0x2] =	stream.linear.gather [hbm4b:s18+s2], $0x28, $0x38;
	[tilespmem:$0x2900] =	vst v63  }
0xf: {  	_ =	swait.ge [sflag:s8], $0x28  }
0x10: {  	[sflag:s8] =	ssyncset.done $0x0  }
0x11: {  	s31 =	sadd.s32 s17, s6;
	[sflag:s8] =	ssyncadd.s32 $0xFFFFFFD8  }
0x12: {  	[tilespmem:s9], [sflag:$0x2] =	stream.linear.gather [hbm4b:s31+s2], $0x28, $0x38;
	[tilespmem:$0x2900] =	vst v63  }
0x13: {  	_ =	swait.ge [sflag:s8], $0x28  }
0x14: {  	[sflag:s8] =	ssyncset.done $0x0  }
0x15: {  	[sflag:s8] =	ssyncadd.s32 $0xFFFFFFD8  }
0x16: {  	v3 =	vld [tilespmem:$0x0];
	_ =	sdelay $0x4  }
0x17: {  	v4 =	vshll.u32 v3, $0x1  }
0x18: {  	v3 =	vand.u32 $0x7, v3;
	v4 =	vand.u32 $0xFFFFFFF0, v4  }
0x19: {  	v3 =	vor.u32 v3, v4  }
0x1a: {  	v4 =	vperm.xlane v3, v0;
	_ =	sdelay $0x1  }
0x1b: {  	v3 =	vperm.xlane v3, v2;
	v4 =	vadd.s32 v1, v4;
	_ =	sdelay $0x1  }
0x1c: {  	v3 =	vadd.s32 v1, v3;
	_ =	sdelay $0x2  }
0x1d: {  	[tilespmem:s10], [sflag:$0x1] =	stream.indirect_vreg.gather [hbm4b:s3+s2], $0x80, v4, vm0, $0xb8;
	[tilespmem:$0x2900] =	vst v63  }
0x1e: {  	_ = 	snop  }
0x1f: {  	[tilespmem:s11], [sflag:$0x1] =	stream.indirect_vreg.gather [hbm4b:s3+s2], $0x80, v3, vm0, $0xb8;
	[tilespmem:$0x2900] =	vst v63  }
0x20: {  	v3 =	vld [tilespmem:$0x10];
	_ =	sdelay $0x4  }
0x21: {  	v59 =	vshll.u32 v3, $0x1  }
0x22: {  	v3 =	vand.u32 $0x7, v3;
	v4 =	vand.u32 $0xFFFFFFF0, v59  }
0x23: {  	v3 =	vor.u32 v3, v4  }
0x24: {  	v4 =	vperm.xlane v3, v0;
	_ =	sdelay $0x1  }
0x25: {  	v3 =	vperm.xlane v3, v2;
	v4 =	vadd.s32 v1, v4;
	_ =	sdelay $0x1  }
0x26: {  	v3 =	vadd.s32 v1, v3;
	_ =	sdelay $0x2  }
0x27: {  	[tilespmem:s12], [sflag:$0x1] =	stream.indirect_vreg.gather [hbm4b:s3+s2], $0x80, v4, vm0, $0xb8;
	[tilespmem:$0x2900] =	vst v63  }
0x28: {  	_ = 	snop  }
0x29: {  	[tilespmem:s13], [sflag:$0x1] =	stream.indirect_vreg.gather [hbm4b:s3+s2], $0x80, v3, vm0, $0xb8;
	[tilespmem:$0x2900] =	vst v63  }
0x2a: {  	v3 =	vld.msk [tilespmem:$0x20], $0xff;
	_ =	sdelay $0x4  }
0x2b: {  	v60 =	vshll.u32 v3, $0x1  }
0x2c: {  	v3 =	vand.u32 $0x7, v3;
	v4 =	vand.u32 $0xFFFFFFF0, v60  }
0x2d: {  	v3 =	vor.u32 v3, v4  }
0x2e: {  	v3 =	vperm.xlane v3, v0;
	_ =	sdelay $0x1  }
0x2f: {  	v3 =	vadd.s32 v1, v3;
	_ =	sdelay $0x4  }
0x30: {  	[tilespmem:s14], [sflag:$0x1] =	stream.indirect_vreg.gather [hbm4b:s3+s2], $0x80, v3, vm0, $0xb8;
	[tilespmem:$0x2900] =	vst v63  }
0x31: {  	_ =	swait.ge [sflag:s15], $0x2800  }
0x32: {  	[sflag:s15] =	ssyncset.done $0x0  }
0x33: {  	[sflag:s15] =	ssyncadd.s32 $0xFFFFD800  }
0x34: {  	v3 =	vld [tilespmem:$0x80];
	_ =	sdelay $0x4  }
0x35: {  	v61 =	vshll.u32 v3, $0x1  }
0x36: {  	v3 =	vand.u32 $0x7, v3;
	v4 =	vand.u32 $0xFFFFFFF0, v61  }
0x37: {  	v3 =	vor.u32 v3, v4  }
0x38: {  	v4 =	vperm.xlane v3, v0;
	_ =	sdelay $0x1  }
0x39: {  	v3 =	vperm.xlane v3, v2;
	v4 =	vadd.s32 v1, v4;
	_ =	sdelay $0x1  }
0x3a: {  	v3 =	vadd.s32 v1, v3;
	_ =	sdelay $0x2  }
0x3b: {  	[hbm4b:s4+s2] =	stream.indirect_vreg.scatter [tilespmem:s10], [sflag:$0x2], $0x80, v4, vm0, $0xb8;
	[tilespmem:$0x2900] =	vst v63  }
0x3c: {  	_ = 	snop  }
0x3d: {  	[hbm4b:s4+s2] =	stream.indirect_vreg.scatter [tilespmem:s11], [sflag:$0x2], $0x80, v3, vm0, $0xb8;
	[tilespmem:$0x2900] =	vst v63  }
0x3e: {  	v3 =	vld [tilespmem:$0x90];
	_ =	sdelay $0x4  }
0x3f: {  	v62 =	vshll.u32 v3, $0x1  }
0x40: {  	v3 =	vand.u32 $0x7, v3;
	v4 =	vand.u32 $0xFFFFFFF0, v62  }
0x41: {  	v3 =	vor.u32 v3, v4  }
0x42: {  	v4 =	vperm.xlane v3, v0;
	_ =	sdelay $0x1  }
0x43: {  	v3 =	vperm.xlane v3, v2;
	v4 =	vadd.s32 v1, v4;
	_ =	sdelay $0x1  }
0x44: {  	v3 =	vadd.s32 v1, v3;
	_ =	sdelay $0x2  }
0x45: {  	[hbm4b:s4+s2] =	stream.indirect_vreg.scatter [tilespmem:s12], [sflag:$0x2], $0x80, v4, vm0, $0xb8;
	[tilespmem:$0x2900] =	vst v63  }
0x46: {  	_ = 	snop  }
0x47: {  	[hbm4b:s4+s2] =	stream.indirect_vreg.scatter [tilespmem:s13], [sflag:$0x2], $0x80, v3, vm0, $0xb8;
	[tilespmem:$0x2900] =	vst v63  }
0x48: {  	v3 =	vld.msk [tilespmem:$0xA0], $0xff;
	_ =	sdelay $0x4  }
0x49: {  	v63 =	vshll.u32 v3, $0x1  }
0x4a: {  	v3 =	vand.u32 $0x7, v3;
	v4 =	vand.u32 $0xFFFFFFF0, v63  }
0x4b: {  	v3 =	vor.u32 v3, v4  }
0x4c: {  	v3 =	vperm.xlane v3, v0;
	_ =	sdelay $0x1  }
0x4d: {  	v3 =	vadd.s32 v1, v3;
	_ =	sdelay $0x2  }
0x4e: {  	p0 =	sne.s32 s17, $0x26C  }
.Ltmp0:
0x4f: {  	_ = 	snop;
	(pc) =	sbr.rel @p0 .LBB2_2-.Ltmp0, $4  }
0x50: {  	[hbm4b:s4+s2] =	stream.indirect_vreg.scatter [tilespmem:s14], [sflag:$0x2], $0x80, v3, vm0, $0xb8;
	[tilespmem:$0x2900] =	vst v63  }
0x51: {  	_ =	swait.ge [sflag:s8], $0x2800  }
0x52: {  	[sflag:s8] =	ssyncset.done $0x0  }
0x53: {  	s17 =	sadd.s32 $0x5, s17;
	[sflag:s8] =	ssyncadd.s32 $0xFFFFD800  }
0x54: {  	s16 =	sadd.s32 $0x1, s16  }
0x55: {  	p0 =	sne.s32 s16, s5  }
.Ltmp1:
0x56: {  	_ = 	snop;
	(pc) =	sbr.rel @p0 .LBB2_1-.Ltmp1, $1  }
0x57: {  	_ =	sdelay $0x3  }
0x58: {  	_ =	sfence.sel $0x180000  }
0x59: {  	[bflag:$0x0] =	sbarrier.arrive $0xFFFF  }
0x5a: {  	p0 =	sne.s32 s0, $0x0;
	_ =	strace $0x9000005F  }
0x5b: {  	s0 =	sadd.s32 @!p0 $0x100000, s1;
	[bflag:$0x2] =	sbarrier.arrive $0xFFFF  }
0x5c: {  	[sflag:s0] =	ssyncadd.tile.s32 @!p0 $0x1;
	_ =	shalt  }
.Lfunc_end2:
_tile_overlayer_lowered:
.L_overlay_start_2:
0x5d: {  	(tag) =	ssettag $0x2  }
0x5e: {  	s0 =	rddreg [dreg:$0x0];
	s2 =	stileid.u32  }
0x5f: {  	s1 =	rddreg [dreg:$0x1];
	p0 =	sne.s32 s2, $0x0  }
0x60: {  	s3 =	rddreg [dreg:$0x2];
	[bflag:$0x3] =	sbarrier.arrive $0xFFFF;
	s2 =	simm.s32 @!p0 $0x1C02  }
0x61: {  	[timem:s3], [sflag:s2] =	dma.local @!p0 [hbm:s0], s1  }
0x62: {  	s0 =	simm.s32 @!p0 $0x2  }
0x63: {  	_ =	swait.ge @!p0 [sflag:s0], s1  }
0x64: {  	s1 =	ssub.s32 @!p0 $0x0, s1;
	[sflag:s0] =	ssyncset.done @!p0 $0x0  }
0x65: {  	[sflag:s0] =	ssyncadd.s32 @!p0 s1  }
0x66: {  	[bflag:$0x3] =	sbarrier.arrive $0xFFFF  }
0x67: {  	_ =	shalt  }

// kernel: kernel.50.cloned.1.call-start
scs
__scs_entry_jumppad:
0x0: {  	(pc) =	sbr.rel $0x88, $3  }
0x1: {  	(tag) =	ssettag $0x0;
	lr =	simm.s32 $0x1  }
0x2: {  	[smem:$0x3F75] =	sst lr;
	_ =	strace $0xD0000000  }
0x3: {  	_ = 	snop  }
0x4: {  	_ = 	snop  }
0x5: {  	_ = 	snop  }
0x6: {  	_ = 	snop  }
0x7: {  	_ = 	snop  }
__scs_overlays_trampoline_lowered:
0x8: {  	[smem:$0x3F84] =	sst s0  }
0x9: {  	[smem:$0x3F85] =	sst s1  }
0xa: {  	[smem:$0x3F86] =	sst s2  }
0xb: {  	[smem:$0x3F87] =	sst s3  }
0xc: {  	[smem:$0x3F88] =	sst s4  }
0xd: {  	[smem:$0x3F89] =	sst s5  }
0xe: {  	[smem:$0x3F8A] =	sst s6  }
0xf: {  	[smem:$0x3F8B] =	sst s7  }
0x10: {  	[smem:$0x3F8C] =	sst s8  }
0x11: {  	[smem:$0x3F8D] =	sst s9;
	s0 =	simm.s32 @!p0 $0x0  }
0x12: {  	s1 =	sld [smem:$0x3F73];
	s0 =	simm.s32 @p0 $0x1  }
0x13: {  	[smem:$0x3F8E] =	sst s0;
	s0 =	simm.s32 @!p1 $0x0  }
0x14: {  	s2 =	sld [smem:$0x3F72];
	s0 =	simm.s32 @p1 $0x1  }
0x15: {  	[smem:$0x3F8F] =	sst s0;
	s0 =	simm.s32 @!p2 $0x0  }
0x16: {  	s3 =	sld [smem:$0x3FDB];
	s0 =	simm.s32 @p2 $0x1  }
0x17: {  	s4 =	simm.s32 $0x1BF5;
	[smem:$0x3F91] =	sst s0  }
0x18: {  	s0 =	sld [smem:$0x3F74];
	_ =	swait.ge [sflag:s4], $0x0  }
0x19: {  	s7 =	sld [smem:$0x3F75]  }
0x1a: {  	s8 =	sadd.s32 $0xFFFFE003, lr  }
0x1b: {  	s9 =	sadd.s32 $0xFFFFFEF7, lr;
	s5 =	simm.s32 $0xFFFFFFFF;
	p2 =	slt.u32 s8, $0xFFFFF086  }
0x1c: {  	p1 =	slt.u32 s9, $0xF7A;
	s5 =	simm.s32 @!p2 $0x0  }
0x1d: {  	s5 =	simm.s32 @p1 $0x1;
	p0 =	seq.s32 s7, s2  }
0x1e: {  	s7 =	smul.u32 @!p0 $0xF7A, s2;
	p2 =	seq.s32 @!p0 s5, $0x0  }
0x1f: {  	s9 =	smul.u32 $0xF7A, s1;
	s8 =	simm.s32 @!p0 $0x1BF5;
	p2 =	por !p2, p0  }
0x20: {  	[sflag:s8] =	ssyncset.s32 @!p0 $0xFFFFF086;
	s6 =	sadd.s32 @!p0 s3, s7;
	s7 =	simm.s32 @!p0 $0x108  }
0x21: {  	s3 =	sadd.s32 s3, s9;
	s6 =	sadd.s32 @!p0 $0x88, s6;
	s7 =	simm.s32 @p2 $0x1082  }
0x22: {  	[simem:s7], [sflag:s8] =	dma.local @!p0 [hbm:s6], $0xF7A  }
0x23: {  	s9 =	sor.u32 $0xD0000000, s2;
	s6 =	simm.s32 $0x108;
	_ =	swait.ge @!p0 [sflag:s8], $0x0  }
0x24: {  	s3 =	sadd.s32 $0x88, s3;
	s6 =	simm.s32 @!p1 $0x1082;
	[sflag:s4] =	ssyncset.s32 $0xFFFFF086  }
0x25: {  	[simem:s6], [sflag:s4] =	dma.local [hbm:s3], $0xF7A  }
0x26: {  	[smem:$0x3F75] =	sst s1;
	(tag) =	ssettag s2;
	_ =	strace s9  }
0x27: {  	s1 =	sld [smem:$0x3F85]  }
0x28: {  	s2 =	sld [smem:$0x3F86]  }
0x29: {  	s4 =	sld [smem:$0x3F88]  }
0x2a: {  	p0 =	seq.s32 s5, $0x0;
	s5 =	sld [smem:$0x3F89]  }
0x2b: {  	s6 =	sld [smem:$0x3F8A]  }
0x2c: {  	s7 =	sld [smem:$0x3F8B]  }
0x2d: {  	s3 =	simm.s32 $0x108;
	s8 =	sld [smem:$0x3F8C]  }
0x2e: {  	s3 =	simm.s32 @!p0 $0x1082;
	s9 =	sld [smem:$0x3F8D]  }
0x2f: {  	lr =	sadd.s32 s0, s3;
	s0 =	sld [smem:$0x3F84]  }
0x30: {  	s3 =	sld [smem:$0x3F87]  }
0x31: {  	[smem:$0x3F90] =	sst s10  }
0x32: {  	s10 =	sld [smem:$0x3F8E];
	_ =	sdelay $0x3  }
0x33: {  	p0 =	seq.s32 s10, $0x1;
	s10 =	sld [smem:$0x3F90];
	_ =	sdelay $0x3  }
0x34: {  	[smem:$0x3F90] =	sst s10  }
0x35: {  	s10 =	sld [smem:$0x3F8F];
	_ =	sdelay $0x3  }
0x36: {  	p1 =	seq.s32 s10, $0x1;
	s10 =	sld [smem:$0x3F90];
	_ =	sdelay $0x3  }
0x37: {  	[smem:$0x3F90] =	sst s10  }
0x38: {  	s10 =	sld [smem:$0x3F91]  }
0x39: {  	_ = 	snop;
	(pc) =	sbr.ind lr, $3  }
0x3a: {  	_ = 	snop  }
0x3b: {  	_ = 	snop  }
0x3c: {  	p2 =	seq.s32 s10, $0x1;
	s10 =	sld [smem:$0x3F90]  }
0x3d: {  	_ =	shalt  }
0x3e: {  	_ =	shalt  }
0x3f: {  	_ =	shalt  }
0x40: {  	_ =	shalt  }
0x41: {  	_ =	shalt  }
0x42: {  	_ =	shalt  }
0x43: {  	_ =	shalt  }
0x44: {  	_ =	shalt  }
0x45: {  	_ =	shalt  }
0x46: {  	_ =	shalt  }
0x47: {  	_ =	shalt  }
0x48: {  	_ =	shalt  }
0x49: {  	_ =	shalt  }
0x4a: {  	_ =	shalt  }
0x4b: {  	_ =	shalt  }
0x4c: {  	_ =	shalt  }
0x4d: {  	_ =	shalt  }
0x4e: {  	_ =	shalt  }
0x4f: {  	_ =	shalt  }
0x50: {  	_ =	shalt  }
0x51: {  	_ =	shalt  }
0x52: {  	_ =	shalt  }
0x53: {  	_ =	shalt  }
0x54: {  	_ =	shalt  }
0x55: {  	_ =	shalt  }
0x56: {  	_ =	shalt  }
0x57: {  	_ =	shalt  }
0x58: {  	_ =	shalt  }
0x59: {  	_ =	shalt  }
0x5a: {  	_ =	shalt  }
0x5b: {  	_ =	shalt  }
0x5c: {  	_ =	shalt  }
0x5d: {  	_ =	shalt  }
0x5e: {  	_ =	shalt  }
0x5f: {  	_ =	shalt  }
0x60: {  	_ =	shalt  }
0x61: {  	_ =	shalt  }
0x62: {  	_ =	shalt  }
0x63: {  	_ =	shalt  }
0x64: {  	_ =	shalt  }
0x65: {  	_ =	shalt  }
0x66: {  	_ =	shalt  }
0x67: {  	_ =	shalt  }
0x68: {  	_ =	shalt  }
0x69: {  	_ =	shalt  }
0x6a: {  	_ =	shalt  }
0x6b: {  	_ =	shalt  }
0x6c: {  	_ =	shalt  }
0x6d: {  	_ =	shalt  }
0x6e: {  	_ =	shalt  }
0x6f: {  	_ =	shalt  }
0x70: {  	_ =	shalt  }
0x71: {  	_ =	shalt  }
0x72: {  	_ =	shalt  }
0x73: {  	_ =	shalt  }
0x74: {  	_ =	shalt  }
0x75: {  	_ =	shalt  }
0x76: {  	_ =	shalt  }
0x77: {  	_ =	shalt  }
0x78: {  	_ =	shalt  }
0x79: {  	_ =	shalt  }
0x7a: {  	_ =	shalt  }
0x7b: {  	_ =	shalt  }
0x7c: {  	_ =	shalt  }
0x7d: {  	_ =	shalt  }
0x7e: {  	_ =	shalt  }
0x7f: {  	_ =	shalt  }
0x80: {  	_ =	shalt  }
0x81: {  	_ =	shalt  }
0x82: {  	_ =	shalt  }
0x83: {  	_ =	shalt  }
0x84: {  	_ =	shalt  }
0x85: {  	_ =	shalt  }
0x86: {  	_ =	shalt  }
0x87: {  	_ =	shalt  }
.Lfunc_end0:
.L_simem_size_0:
called_computation.9_lowered:
.L_overlay_start_0:
0x88: {  	s2 =	sld [smem:$0x3FD9]  }
0x89: {  	s3 =	sld [smem:$0x3FFE];
	_ =	sdelay $0x1  }
0x8a: {  	s1 =	srdreg.scid  }
0x8b: {  	s0 =	sand.u32 $0x1, s1  }
0x8c: {  	s16 =	sshll.u32 s0, $0xA;
	s2 =	sadd.s32 s3, s2  }
0x8d: {  	s2 =	sadd.s32 s2, s16  }
0x8e: {  	[smem:$0x3F9C] =	sst s2  }
0x8f: {  	_ = 	snop  }
0x90: {  	(tm) =	ssettm $0x1  }
0x91: {  	s17 =	sld [smem:$0x3FFB];
	_ =	sdelay $0x3  }
0x92: {  	_ =	strace s17  }
0x93: {  	s2 =	sld [smem:$0x3FFC];
	_ =	sdelay $0x3  }
0x94: {  	_ =	strace s2  }
0x95: {  	s2 =	sld [smem:$0x3FFD];
	_ =	sdelay $0x3  }
0x96: {  	_ =	strace s2  }
0x97: {  	_ =	strace $0x8FFFFFFF  }
0x98: {  	s18 =	sld [smem:$0x3FDB];
	_ =	sdelay $0x1  }
0x99: {  	s19 =	simm.s32 $_scs_section_size  }
0x9a: {  	s4 =	simm.s32 $_size__tile_overlayer_lowered;
	s5 =	simm.s32 $_tile_overlayer_lowered  }
0x9b: {  	s22 =	simm.s32 $0x1BFF;
	s21 =	sshll.u32 s5, $0x1;
	s2 =	sadd.s32 s19, s18  }
0x9c: {  	s6 =	simm.s32 $0x0;
	s20 =	sshll.u32 s4, $0x1;
	s4 =	sadd.s32 s21, s2  }
0x9d: {  	[timem:s6], [sflag:s22] =	dma.local [hbm:s4], s20  }
0x9e: {  	_ =	swait.ge [sflag:s22], s20  }
0x9f: {  	s3 =	ssub.s32 $0x0, s20;
	[sflag:s22] =	ssyncset.done $0x0  }
0xa0: {  	[sflag:s22] =	ssyncadd.s32 s3;
	_ =	sdelay $0x1  }
0xa1: {  	s23 =	simm.s32 $0x1B8B  }
0xa2: {  	_ =	swait.ge [sflag:s23], $0x1  }
0xa3: {  	[sflag:s23] =	ssyncset.done $0x0  }
0xa4: {  	s25 =	simm.s32 $0x1B8E;
	s24 =	sld [smem:$0x3FFE];
	[sflag:s23] =	ssyncadd.s32 $0xFFFFFFFF  }
0xa5: {  	s26 =	simm.s32 $execute0_lowered;
	[smem:$0x3FD2] =	sst s25  }
0xa6: {  	s4 =	sshll.u32 s26, $0x1;
	_ =	strace $0x80000061;
	[dreg:$0x1] =	wrdreg $0xFFFFFFFF  }
0xa7: {  	s28 =	simm.s32 $_size_execute0_lowered;
	s2 =	sadd.s32 s2, s4;
	[dreg:$0x0] =	wrdreg $0x0  }
0xa8: {  	s4 =	sshll.u32 s28, $0x1;
	[dreg:$0x2] =	wrdreg s2  }
0xa9: {  	[dreg:$0x3] =	wrdreg s4  }
0xaa: {  	[dreg:$0x4] =	wrdreg $0xC0  }
0xab: {  	_ =	task [dreg:s6], $0x5FFFF  }
0xac: {  	[dreg:$0x1] =	wrdreg $0xFFFFFFFF  }
0xad: {  	[dreg:$0x0] =	wrdreg $0x60  }
0xae: {  	[dreg:$0x2] =	wrdreg s24  }
0xaf: {  	[dreg:$0x3] =	wrdreg $0x9  }
0xb0: {  	_ =	task.clear_ibuf [dreg:s6], $0x4FFFF;
	_ =	strace $0x90000061  }
0xb1: {  	s29 =	simm.s32 $0x9;
	_ =	strace $0x80000063  }
0xb2: {  	_ =	swait.ge [sflag:s29], $0x1  }
0xb3: {  	[sflag:s29] =	ssyncadd.s32 $0xFFFFFFFF  }
0xb4: {  	_ =	strace $0x90000063  }
0xb5: {  	_ =	sfence  }
0xb6: {  	s30 =	sld [smem:$0x0];
	_ =	sdelay $0x2  }
0xb7: {  	s31 =	sshll.u32 s1, $0xD;
	s1 =	sshrl.u32 s1, $0x2  }
0xb8: {  	s3 =	sand.u32 $0x4000, s31;
	s1 =	sadd.s32 s1, s30  }
0xb9: {  	s0 =	sor.u32 s3, s0;
	s1 =	sshll.u32 s1, $0x11  }
0xba: {  	s0 =	sor.u32 s1, s0  }
0xbb: {  	s0 =	sadd.s32 $0x8F2B, s0  }
0xbc: {  	[sflag:s0] =	ssyncadd.remote.s32 $0x1  }
0xbd: {  	_ =	sfence.sel $0xFFFF  }
0xbe: {  	[dreg:$0x0] =	wrdreg $0xFFFFFFFF;
	(pc) =	sbr.abs _section_cstart, $3  }
0xbf: {  	[dreg:$0x1] =	wrdreg $0xFFFFFFFF  }
0xc0: {  	_ =	task.clear_ibuf [dreg:s6], $0x2FFFF;
	_ =	strace $0x9FFFFFFF  }
0xc1: {  	(tm) =	ssettm $0x7FFFFFFF  }
tec
execute0_lowered:
.L_overlay_start_1:
0x0: {  	(tag) =	ssettag $0x1  }
0x1: {  	s1 =	srdreg.scid  }
0x2: {  	s0 =	stileid.u32;
	s4 =	rddreg [dreg:$0x0]  }
0x3: {  	s2 =	simm.s32 $0x0;
	s9 =	simm.s32 $0x80;
	s10 =	simm.s32 $0x100  }
0x4: {  	s11 =	simm.s32 $0x900;
	s12 =	simm.s32 $0x1100;
	s13 =	simm.s32 $0x1900  }
0x5: {  	s14 =	simm.s32 $0x2100;
	s3 =	sand.u32 $0x1, s1;
	s5 =	smul.u32 $0x2710, s0  }
0x6: {  	s15 =	simm.s32 $0x1;
	s1 =	rddreg [dreg:$0x1];
	s6 =	smul.u32 $0x1388, s3  }
0x7: {  	s16 =	simm.s32 $0x0;
	[smem:$0x7FF] =	sst s2;
	s30 =	ssub.s32 $0x2, s3  }
0x8: {  	_ =	strace $0x80000062;
	s7 =	sshrl.u32 s30, $0x1;
	s5 =	sadd.s32 s6, s5  }
0x9: {  	v2 =	vlaneseq.u32;
	s3 =	sadd.s32 $0x237600, s4;
	s31 =	ssub.s32 s30, s7;
	s5 =	sshrl.u32 s5, $0x3  }
0xa: {  	vm0 =	vmmov $0xffff;
	v1 =	vshrl.u32 v2, $0x3;
	s8 =	sadd.s32 s5, s4;
	s4 =	sadd.s32 $0x285800, s4;
	s5 =	smax.u32 s31, $0x1  }
0xb: {  	v0 =	vand.u32 $0x7, v2;
	v2 =	vor.u32 $0x8, v2;
	v1 =	vmul.u32 $0x8, v1;
	s6 =	sadd.s32 $0xA800, s8;
	s7 =	sadd.s32 $0xF800, s8;
	s8 =	simm.s32 $0x2  }
.LBB2_1:
0xc: {  	s17 =	simm.s32 $0x0  }
.LBB2_2:
0xd: {  	s18 =	sadd.s32 s17, s7  }
0xe: {  	[tilespmem:s2], [sflag:$0x2] =	stream.linear.gather [hbm4b:s18+s2], $0x28, $0x38;
	[tilespmem:$0x2900] =	vst v63  }
0xf: {  	_ =	swait.ge [sflag:s8], $0x28  }
0x10: {  	[sflag:s8] =	ssyncset.done $0x0  }
0x11: {  	s31 =	sadd.s32 s17, s6;
	[sflag:s8] =	ssyncadd.s32 $0xFFFFFFD8  }
0x12: {  	[tilespmem:s9], [sflag:$0x2] =	stream.linear.gather [hbm4b:s31+s2], $0x28, $0x38;
	[tilespmem:$0x2900] =	vst v63  }
0x13: {  	_ =	swait.ge [sflag:s8], $0x28  }
0x14: {  	[sflag:s8] =	ssyncset.done $0x0  }
0x15: {  	[sflag:s8] =	ssyncadd.s32 $0xFFFFFFD8  }
0x16: {  	v3 =	vld [tilespmem:$0x0];
	_ =	sdelay $0x4  }
0x17: {  	v4 =	vshll.u32 v3, $0x1  }
0x18: {  	v3 =	vand.u32 $0x7, v3;
	v4 =	vand.u32 $0xFFFFFFF0, v4  }
0x19: {  	v3 =	vor.u32 v3, v4  }
0x1a: {  	v4 =	vperm.xlane v3, v0;
	_ =	sdelay $0x1  }
0x1b: {  	v3 =	vperm.xlane v3, v2;
	v4 =	vadd.s32 v1, v4;
	_ =	sdelay $0x1  }
0x1c: {  	v3 =	vadd.s32 v1, v3;
	_ =	sdelay $0x2  }
0x1d: {  	[tilespmem:s10], [sflag:$0x1] =	stream.indirect_vreg.gather [hbm4b:s3+s2], $0x80, v4, vm0, $0xb8;
	[tilespmem:$0x2900] =	vst v63  }
0x1e: {  	_ = 	snop  }
0x1f: {  	[tilespmem:s11], [sflag:$0x1] =	stream.indirect_vreg.gather [hbm4b:s3+s2], $0x80, v3, vm0, $0xb8;
	[tilespmem:$0x2900] =	vst v63  }
0x20: {  	v3 =	vld [tilespmem:$0x10];
	_ =	sdelay $0x4  }
0x21: {  	v59 =	vshll.u32 v3, $0x1  }
0x22: {  	v3 =	vand.u32 $0x7, v3;
	v4 =	vand.u32 $0xFFFFFFF0, v59  }
0x23: {  	v3 =	vor.u32 v3, v4  }
0x24: {  	v4 =	vperm.xlane v3, v0;
	_ =	sdelay $0x1  }
0x25: {  	v3 =	vperm.xlane v3, v2;
	v4 =	vadd.s32 v1, v4;
	_ =	sdelay $0x1  }
0x26: {  	v3 =	vadd.s32 v1, v3;
	_ =	sdelay $0x2  }
0x27: {  	[tilespmem:s12], [sflag:$0x1] =	stream.indirect_vreg.gather [hbm4b:s3+s2], $0x80, v4, vm0, $0xb8;
	[tilespmem:$0x2900] =	vst v63  }
0x28: {  	_ = 	snop  }
0x29: {  	[tilespmem:s13], [sflag:$0x1] =	stream.indirect_vreg.gather [hbm4b:s3+s2], $0x80, v3, vm0, $0xb8;
	[tilespmem:$0x2900] =	vst v63  }
0x2a: {  	v3 =	vld.msk [tilespmem:$0x20], $0xff;
	_ =	sdelay $0x4  }
0x2b: {  	v60 =	vshll.u32 v3, $0x1  }
0x2c: {  	v3 =	vand.u32 $0x7, v3;
	v4 =	vand.u32 $0xFFFFFFF0, v60  }
0x2d: {  	v3 =	vor.u32 v3, v4  }
0x2e: {  	v3 =	vperm.xlane v3, v0;
	_ =	sdelay $0x1  }
0x2f: {  	v3 =	vadd.s32 v1, v3;
	_ =	sdelay $0x4  }
0x30: {  	[tilespmem:s14], [sflag:$0x1] =	stream.indirect_vreg.gather [hbm4b:s3+s2], $0x80, v3, vm0, $0xb8;
	[tilespmem:$0x2900] =	vst v63  }
0x31: {  	_ =	swait.ge [sflag:s15], $0x2800  }
0x32: {  	[sflag:s15] =	ssyncset.done $0x0  }
0x33: {  	[sflag:s15] =	ssyncadd.s32 $0xFFFFD800  }
0x34: {  	v3 =	vld [tilespmem:$0x80];
	_ =	sdelay $0x4  }
0x35: {  	v61 =	vshll.u32 v3, $0x1  }
0x36: {  	v3 =	vand.u32 $0x7, v3;
	v4 =	vand.u32 $0xFFFFFFF0, v61  }
0x37: {  	v3 =	vor.u32 v3, v4  }
0x38: {  	v4 =	vperm.xlane v3, v0;
	_ =	sdelay $0x1  }
0x39: {  	v3 =	vperm.xlane v3, v2;
	v4 =	vadd.s32 v1, v4;
	_ =	sdelay $0x1  }
0x3a: {  	v3 =	vadd.s32 v1, v3;
	_ =	sdelay $0x2  }
0x3b: {  	[hbm4b:s4+s2] =	stream.indirect_vreg.scatter [tilespmem:s10], [sflag:$0x2], $0x80, v4, vm0, $0xb8;
	[tilespmem:$0x2900] =	vst v63  }
0x3c: {  	_ = 	snop  }
0x3d: {  	[hbm4b:s4+s2] =	stream.indirect_vreg.scatter [tilespmem:s11], [sflag:$0x2], $0x80, v3, vm0, $0xb8;
	[tilespmem:$0x2900] =	vst v63  }
0x3e: {  	v3 =	vld [tilespmem:$0x90];
	_ =	sdelay $0x4  }
0x3f: {  	v62 =	vshll.u32 v3, $0x1  }
0x40: {  	v3 =	vand.u32 $0x7, v3;
	v4 =	vand.u32 $0xFFFFFFF0, v62  }
0x41: {  	v3 =	vor.u32 v3, v4  }
0x42: {  	v4 =	vperm.xlane v3, v0;
	_ =	sdelay $0x1  }
0x43: {  	v3 =	vperm.xlane v3, v2;
	v4 =	vadd.s32 v1, v4;
	_ =	sdelay $0x1  }
0x44: {  	v3 =	vadd.s32 v1, v3;
	_ =	sdelay $0x2  }
0x45: {  	[hbm4b:s4+s2] =	stream.indirect_vreg.scatter [tilespmem:s12], [sflag:$0x2], $0x80, v4, vm0, $0xb8;
	[tilespmem:$0x2900] =	vst v63  }
0x46: {  	_ = 	snop  }
0x47: {  	[hbm4b:s4+s2] =	stream.indirect_vreg.scatter [tilespmem:s13], [sflag:$0x2], $0x80, v3, vm0, $0xb8;
	[tilespmem:$0x2900] =	vst v63  }
0x48: {  	v3 =	vld.msk [tilespmem:$0xA0], $0xff;
	_ =	sdelay $0x4  }
0x49: {  	v63 =	vshll.u32 v3, $0x1  }
0x4a: {  	v3 =	vand.u32 $0x7, v3;
	v4 =	vand.u32 $0xFFFFFFF0, v63  }
0x4b: {  	v3 =	vor.u32 v3, v4  }
0x4c: {  	v3 =	vperm.xlane v3, v0;
	_ =	sdelay $0x1  }
0x4d: {  	v3 =	vadd.s32 v1, v3;
	_ =	sdelay $0x2  }
0x4e: {  	p0 =	sne.s32 s17, $0x26C  }
.Ltmp0:
0x4f: {  	_ = 	snop;
	(pc) =	sbr.rel @p0 .LBB2_2-.Ltmp0, $4  }
0x50: {  	[hbm4b:s4+s2] =	stream.indirect_vreg.scatter [tilespmem:s14], [sflag:$0x2], $0x80, v3, vm0, $0xb8;
	[tilespmem:$0x2900] =	vst v63  }
0x51: {  	_ =	swait.ge [sflag:s8], $0x2800  }
0x52: {  	[sflag:s8] =	ssyncset.done $0x0  }
0x53: {  	s17 =	sadd.s32 $0x5, s17;
	[sflag:s8] =	ssyncadd.s32 $0xFFFFD800  }
0x54: {  	s16 =	sadd.s32 $0x1, s16  }
0x55: {  	p0 =	sne.s32 s16, s5  }
.Ltmp1:
0x56: {  	_ = 	snop;
	(pc) =	sbr.rel @p0 .LBB2_1-.Ltmp1, $1  }
0x57: {  	_ =	sdelay $0x3  }
0x58: {  	_ =	sfence.sel $0x180000  }
0x59: {  	[bflag:$0x0] =	sbarrier.arrive $0xFFFF  }
0x5a: {  	p0 =	sne.s32 s0, $0x0;
	_ =	strace $0x90000062  }
0x5b: {  	s0 =	sadd.s32 @!p0 $0x100000, s1;
	[bflag:$0x2] =	sbarrier.arrive $0xFFFF  }
0x5c: {  	[sflag:s0] =	ssyncadd.tile.s32 @!p0 $0x1;
	_ =	shalt  }
.Lfunc_end2:
_tile_overlayer_lowered:
.L_overlay_start_2:
0x5d: {  	(tag) =	ssettag $0x2  }
0x5e: {  	s0 =	rddreg [dreg:$0x0];
	s2 =	stileid.u32  }
0x5f: {  	s1 =	rddreg [dreg:$0x1];
	p0 =	sne.s32 s2, $0x0  }
0x60: {  	s3 =	rddreg [dreg:$0x2];
	[bflag:$0x3] =	sbarrier.arrive $0xFFFF;
	s2 =	simm.s32 @!p0 $0x1C02  }
0x61: {  	[timem:s3], [sflag:s2] =	dma.local @!p0 [hbm:s0], s1  }
0x62: {  	s0 =	simm.s32 @!p0 $0x2  }
0x63: {  	_ =	swait.ge @!p0 [sflag:s0], s1  }
0x64: {  	s1 =	ssub.s32 @!p0 $0x0, s1;
	[sflag:s0] =	ssyncset.done @!p0 $0x0  }
0x65: {  	[sflag:s0] =	ssyncadd.s32 @!p0 s1  }
0x66: {  	[bflag:$0x3] =	sbarrier.arrive $0xFFFF  }
0x67: {  	_ =	shalt  }

</sc_bundles>
